<compile_context>
chip_gen: v7x
topology: tpu7x:2x2x1
jax: 0.10.2.dev20260603
libtpu: 0.0.44.dev20260713+nightly
codegen_flags: <defaults>
</compile_context>

<pallas_src>
import functools

import jax
import jax.numpy as jnp
from jax import lax
from jax.experimental import pallas as pl
from jax.experimental.pallas import tpu as pltpu
from jax.experimental.pallas import tpu_sc as plsc

VOCAB = 30522
D = 768
B = 128
S = 512
EPS = 1e-12
NTOK = B * S
NC = 2
NS = 16
NW = NC * NS
CH = 16
NSEG = 4
BSEG = B // NSEG
NCHUNK = BSEG
NSLOT = 4


def _sc_gather_body(ids_hbm, word_hbm, out_hbm, idx_all, w_bufs,
                    sem_w, sem_o):
    cid = lax.axis_index("c")
    sid = lax.axis_index("s")
    wid = sid * NC + cid
    pblk = wid * CH

    pltpu.sync_copy(ids_hbm.at[pl.ds(wid * BSEG * CH, BSEG * CH)], idx_all)

    def issue(c, b):
        idx = idx_all[pl.ds(c * CH, CH)]
        pltpu.async_copy(word_hbm.at[idx], w_bufs[b], sem_w[b])

    def wait_in(b):
        pltpu.make_async_copy(word_hbm.at[pl.ds(0, CH)], w_bufs[b],
                              sem_w[b]).wait()

    def wait_out(b):
        pltpu.make_async_copy(w_bufs[b], out_hbm.at[pl.ds(0, CH)],
                              sem_o[b]).wait()

    issue(0, 0)
    issue(1, 1)

    def step(c, b):
        b2 = (b + 2) % NSLOT

        @pl.when(c >= 2)
        def _():
            wait_out(b2)

        @pl.when(c + 2 < NCHUNK)
        def _():
            issue(c + 2, b2)

        wait_in(b)
        pltpu.async_copy(w_bufs[b],
                         out_hbm.at[pl.ds(c * S + pblk, CH)], sem_o[b])

    def outer(g, carry):
        for k in range(NSLOT):
            step(g * NSLOT + k, k)
        return carry

    lax.fori_loop(0, NCHUNK // NSLOT, outer, 0)
    wait_out((NCHUNK - 2) % NSLOT)
    wait_out((NCHUNK - 1) % NSLOT)


def _tc_body(wr_ref, tid_ref, pos_ref, tt_ref, gam_ref, bet_ref, out_ref):
    x = wr_ref[...]
    t0 = tt_ref[0, :][None, :]
    dt = (tt_ref[1, :] - tt_ref[0, :])[None, :]
    tid = tid_ref[...][:, None]
    x = x + pos_ref[...] + t0 + tid * dt
    mean = jnp.mean(x, axis=-1, keepdims=True)
    xc = x - mean
    var = jnp.mean(xc * xc, axis=-1, keepdims=True)
    r = lax.rsqrt(var + jnp.float32(EPS))
    out_ref[...] = xc * r * gam_ref[...][None, :] + bet_ref[...][None, :]


def kernel(input_ids, token_type_ids, word_embeddings, token_type_embeddings,
           position_embeddings, ln_gamma, ln_beta):
    mesh = plsc.VectorSubcoreMesh(core_axis_name="c", subcore_axis_name="s")
    gather = functools.partial(
        pl.kernel,
        mesh=mesh,
        out_type=jax.ShapeDtypeStruct((BSEG * S, D), jnp.float32),
        scratch_types=[
            pltpu.VMEM((BSEG * CH,), jnp.int32),
            [pltpu.VMEM((CH, D), jnp.float32) for _ in range(NSLOT)],
            [pltpu.SemaphoreType.DMA for _ in range(NSLOT)],
            [pltpu.SemaphoreType.DMA for _ in range(NSLOT)],
        ],
    )(_sc_gather_body)

    ln = pl.pallas_call(
        _tc_body,
        grid=(BSEG,),
        in_specs=[
            pl.BlockSpec((S, D), lambda i: (i, 0)),
            pl.BlockSpec((S,), lambda i: (i,)),
            pl.BlockSpec((S, D), lambda i: (0, 0)),
            pl.BlockSpec((2, D), lambda i: (0, 0)),
            pl.BlockSpec((D,), lambda i: (0,)),
            pl.BlockSpec((D,), lambda i: (0,)),
        ],
        out_specs=pl.BlockSpec((S, D), lambda i: (i, 0)),
        out_shape=jax.ShapeDtypeStruct((BSEG * S, D), jnp.float32),
    )

    ids32 = input_ids.astype(jnp.int32)
    tidf_all = token_type_ids.astype(jnp.float32)
    outs = []
    for s in range(NSEG):
        seg = ids32[s * BSEG:(s + 1) * BSEG]
        ids = (seg.reshape(BSEG, NW, CH).transpose(1, 0, 2)
               .reshape(NW * BSEG * CH))
        tidf = tidf_all[s * BSEG:(s + 1) * BSEG].reshape(BSEG * S)
        wr = gather(ids, word_embeddings)
        outs.append(ln(wr, tidf, position_embeddings, token_type_embeddings,
                       ln_gamma, ln_beta))
    return jnp.concatenate(outs, axis=0).reshape(B, S, D)

# --- scband reference (transcript-rebuilt; emitter-appended) ---
"""Pipeline reference for scband-embedding-27779848470962 (READ-ONLY COPY).

The authoritative reference and input builder live on the scoring server;
editing this copy changes nothing except your own understanding.
"""

import jax, jax.numpy as jnp
import numpy as np

VOCAB = 30522
TYPE_VOCAB = 2
MAX_POS = 512
D = 768
B = 128
S = 512
EPS = 1e-12


def setup_inputs(seed: int = 0) -> dict:
    key = jax.random.key(seed)
    k1, k2, k3, k4, k5, k6, k7 = jax.random.split(key, 7)
    input_ids = jax.random.randint(k1, (B, S), 0, VOCAB, dtype=jnp.int64 if jax.config.read('jax_enable_x64') else jnp.int32)
    token_type_ids = jax.random.randint(k2, (B, S), 0, TYPE_VOCAB, dtype=input_ids.dtype)
    word_embeddings = jax.random.normal(k3, (VOCAB, D), dtype=jnp.float32) * 0.02
    token_type_embeddings = jax.random.normal(k4, (TYPE_VOCAB, D), dtype=jnp.float32) * 0.02
    position_embeddings = jax.random.normal(k5, (MAX_POS, D), dtype=jnp.float32) * 0.02
    ln_gamma = jnp.ones((D,), dtype=jnp.float32) + jax.random.normal(k6, (D,), dtype=jnp.float32) * 0.01
    ln_beta = jax.random.normal(k7, (D,), dtype=jnp.float32) * 0.01
    return {
        'input_ids': input_ids,
        'token_type_ids': token_type_ids,
        'word_embeddings': word_embeddings,
        'token_type_embeddings': token_type_embeddings,
        'position_embeddings': position_embeddings,
        'ln_gamma': ln_gamma,
        'ln_beta': ln_beta,
    }


def _layer_norm(x, gamma, beta):
    mean = jnp.mean(x, axis=-1, keepdims=True)
    var = jnp.mean(jnp.square(x - mean), axis=-1, keepdims=True)
    return (x - mean) / jnp.sqrt(var + EPS) * gamma + beta


def reference(input_ids, token_type_ids, word_embeddings, token_type_embeddings, position_embeddings, ln_gamma, ln_beta):
    seq_length = input_ids.shape[1]
    position_ids = jnp.arange(seq_length, dtype=input_ids.dtype)
    position_ids = jnp.broadcast_to(position_ids[None, :], input_ids.shape)
    words_emb = jnp.take(word_embeddings, input_ids, axis=0)
    type_emb = jnp.take(token_type_embeddings, token_type_ids, axis=0)
    pos_emb = jnp.take(position_embeddings, position_ids, axis=0)
    embeddings = words_emb + type_emb + pos_emb
    embeddings = _layer_norm(embeddings, ln_gamma, ln_beta)
    # dropout is identity in eval mode
    return embeddings

if __name__ == "__main__":
    import jax
    _d = setup_inputs()
    print(jax.jit(kernel)(*tuple(_d.values())))

</pallas_src>

<mosaic_0001>
#map = affine_map<(d0, d1) -> (0)>
#map1 = affine_map<(d0, d1) -> (0, 0)>
module attributes {stable_mosaic.version = 14 : i64} {
  func.func @_sc_gather_body(%arg0: i32, %arg1: i32, %arg2: memref<16384xi32, #tpu.memory_space<hbm>>, %arg3: memref<30522x768xf32, #tpu.memory_space<hbm>>, %arg4: memref<16384x768xf32, #tpu.memory_space<hbm>>, %arg5: memref<512xi32, #tpu.memory_space<vmem>>, %arg6: memref<16x768xf32, #tpu.memory_space<vmem>>, %arg7: memref<16x768xf32, #tpu.memory_space<vmem>>, %arg8: memref<16x768xf32, #tpu.memory_space<vmem>>, %arg9: memref<16x768xf32, #tpu.memory_space<vmem>>, %arg10: memref<!tpu.dma_semaphore, #tpu.memory_space<semaphore_mem>>, %arg11: memref<!tpu.dma_semaphore, #tpu.memory_space<semaphore_mem>>, %arg12: memref<!tpu.dma_semaphore, #tpu.memory_space<semaphore_mem>>, %arg13: memref<!tpu.dma_semaphore, #tpu.memory_space<semaphore_mem>>, %arg14: memref<!tpu.dma_semaphore, #tpu.memory_space<semaphore_mem>>, %arg15: memref<!tpu.dma_semaphore, #tpu.memory_space<semaphore_mem>>, %arg16: memref<!tpu.dma_semaphore, #tpu.memory_space<semaphore_mem>>, %arg17: memref<!tpu.dma_semaphore, #tpu.memory_space<semaphore_mem>>) attributes {dimension_semantics = [#tpu.dimension_semantics<core_parallel>, #tpu.dimension_semantics<subcore_parallel>], iteration_bounds = array<i64: 2, 16>, scalar_prefetch = 0 : i64, scratch_operands = 13 : i64, tpu.core_type = #tpu.core_type<sc_vector_subcore>, window_params = [{transform_indices = #map}, {transform_indices = #map1}, {transform_indices = #map1}]} {
    %mul3A = arith.constant 2 : i32
    %mul3A_0 = arith.muli %arg1, %mul3A : i32
    %add3A = arith.addi %mul3A_0, %arg0 : i32
    %mul3A_1 = arith.constant 16 : i32
    %mul3A_2 = arith.muli %add3A, %mul3A_1 : i32
    %mul3A_3 = arith.constant 32 : i32
    %mul3A_4 = arith.muli %add3A, %mul3A_3 : i32
    %mul3A_5 = arith.constant 16 : i32
    %mul3A_6 = arith.muli %mul3A_4, %mul3A_5 : i32
    "tpu.region"() ({
      %run_scoped3A = tpu.sem_alloc : memref<!tpu.dma_semaphore, #tpu.memory_space<semaphore_mem>>
      %dma_start3A_33 = tpu.memref_slice %arg2[%mul3A_6] : memref<16384xi32, #tpu.memory_space<hbm>> -> memref<512xi32, #tpu.memory_space<hbm>>
      %dma_start3A_34 = tpu.memref_slice %arg2[%mul3A_6] : memref<16384xi32, #tpu.memory_space<hbm>> -> memref<512xi32, #tpu.memory_space<hbm>>
      tpu.enqueue_dma source(%dma_start3A_34 : memref<512xi32, #tpu.memory_space<hbm>>) target(%arg5 : memref<512xi32, #tpu.memory_space<vmem>>) target_semaphore(%run_scoped3A : memref<!tpu.dma_semaphore, #tpu.memory_space<semaphore_mem>>)
      %dma_wait3A_35 = tpu.memref_slice %arg2[%mul3A_6] : memref<16384xi32, #tpu.memory_space<hbm>> -> memref<512xi32, #tpu.memory_space<hbm>>
      %dma_wait3A_36 = tpu.memref_slice %arg2[%mul3A_6] : memref<16384xi32, #tpu.memory_space<hbm>> -> memref<512xi32, #tpu.memory_space<hbm>>
      tpu.wait_dma2 semaphore(%run_scoped3A : memref<!tpu.dma_semaphore, #tpu.memory_space<semaphore_mem>>) src(%dma_wait3A_36 : memref<512xi32, #tpu.memory_space<hbm>>) dst(%arg5 : memref<512xi32, #tpu.memory_space<vmem>>)
      tpu.yield
    }) : () -> ()
    %get3A = arith.constant 0 : index
    %get3A_7 = tpu.vector_load %arg5[%get3A] {strides = array<i32>} : memref<512xi32, #tpu.memory_space<vmem>>, vector<16xi32>,
    %get3A_8 = vector.shape_cast %get3A_7 : vector<16xi32> to vector<16xi32>
    %dma_start3A = arith.constant 0 : i32
    %dma_start3A_9 = arith.constant 0 : i32
    %dma_start3A_10 = tpu.memref_slice %arg3[%dma_start3A, %dma_start3A_9] : memref<30522x768xf32, #tpu.memory_space<hbm>> -> memref<30522x768xf32, #tpu.memory_space<hbm>>
    tpu.enqueue_indirect_dma source(%dma_start3A_10 : memref<30522x768xf32, #tpu.memory_space<hbm>>) target(%arg6 : memref<16x768xf32, #tpu.memory_space<vmem>>) offsets(%get3A_8 : vector<16xi32>) semaphore(%arg10 : memref<!tpu.dma_semaphore, #tpu.memory_space<semaphore_mem>>)
    %get3A_11 = arith.constant 16 : index
    %get3A_12 = tpu.vector_load %arg5[%get3A_11] {strides = array<i32>} : memref<512xi32, #tpu.memory_space<vmem>>, vector<16xi32>,
    %get3A_13 = vector.shape_cast %get3A_12 : vector<16xi32> to vector<16xi32>
    %dma_start3A_14 = arith.constant 0 : i32
    %dma_start3A_15 = arith.constant 0 : i32
    %dma_start3A_16 = tpu.memref_slice %arg3[%dma_start3A_14, %dma_start3A_15] : memref<30522x768xf32, #tpu.memory_space<hbm>> -> memref<30522x768xf32, #tpu.memory_space<hbm>>
    tpu.enqueue_indirect_dma source(%dma_start3A_16 : memref<30522x768xf32, #tpu.memory_space<hbm>>) target(%arg7 : memref<16x768xf32, #tpu.memory_space<vmem>>) offsets(%get3A_13 : vector<16xi32>) semaphore(%arg11 : memref<!tpu.dma_semaphore, #tpu.memory_space<semaphore_mem>>)
    %scan3A = arith.constant 0 : i32
    %scan3A_17 = arith.constant 0 : i32
    %scan3A_18 = arith.constant 8 : i32
    %scan3A_19 = arith.addi %scan3A_17, %scan3A_18 : i32
    %scan3A_20 = arith.constant 1 : i32
    scf.for %scan3A_33 = %scan3A_17 to %scan3A_19 step %scan3A_20  : i32 {
      %mul3A_34 = arith.constant 4 : i32
      %mul3A_35 = arith.muli %scan3A_33, %mul3A_34 : i32
      %add3A_36 = arith.constant 0 : i32
      %add3A_37 = arith.addi %mul3A_35, %add3A_36 : i32
      %ge3A = arith.constant 2 : i32
      %ge3A_38 = arith.cmpi sge, %add3A_37, %ge3A : i32
      %convert_element_type3A = arith.extui %ge3A_38 : i1 to i32
      %cond3A = arith.constant 0 : i32
      %cond3A_39 = arith.cmpi ne, %convert_element_type3A, %cond3A : i32
      scf.if %cond3A_39 {
        %dma_wait3A_146 = arith.constant 0 : i32
        %dma_wait3A_147 = arith.constant 0 : i32
        %dma_wait3A_148 = tpu.memref_slice %arg4[%dma_wait3A_146, %dma_wait3A_147] : memref<16384x768xf32, #tpu.memory_space<hbm>> -> memref<16x768xf32, #tpu.memory_space<hbm>>
        %dma_wait3A_149 = arith.constant 0 : i32
        %dma_wait3A_150 = arith.constant 0 : i32
        %dma_wait3A_151 = tpu.memref_slice %arg4[%dma_wait3A_149, %dma_wait3A_150] : memref<16384x768xf32, #tpu.memory_space<hbm>> -> memref<16x768xf32, #tpu.memory_space<hbm>>
        tpu.wait_dma2 semaphore(%arg16 : memref<!tpu.dma_semaphore, #tpu.memory_space<semaphore_mem>>) src(%arg8 : memref<16x768xf32, #tpu.memory_space<vmem>>) dst(%dma_wait3A_151 : memref<16x768xf32, #tpu.memory_space<hbm>>)
      } else {
      }
      %add3A_40 = arith.constant 2 : i32
      %add3A_41 = arith.addi %add3A_37, %add3A_40 : i32
      %lt3A = arith.constant 32 : i32
      %lt3A_42 = arith.cmpi slt, %add3A_41, %lt3A : i32
      %convert_element_type3A_43 = arith.extui %lt3A_42 : i1 to i32
      %cond3A_44 = arith.constant 0 : i32
      %cond3A_45 = arith.cmpi ne, %convert_element_type3A_43, %cond3A_44 : i32
      scf.if %cond3A_45 {
        %add3A_146 = arith.constant 2 : i32
        %add3A_147 = arith.addi %add3A_37, %add3A_146 : i32
        %mul3A_148 = arith.constant 16 : i32
        %mul3A_149 = arith.muli %add3A_147, %mul3A_148 : i32
        %get3A_150 = arith.index_cast %mul3A_149 : i32 to index
        %get3A_151 = tpu.vector_load %arg5[%get3A_150] {strides = array<i32>} : memref<512xi32, #tpu.memory_space<vmem>>, vector<16xi32>,
        %get3A_152 = vector.shape_cast %get3A_151 : vector<16xi32> to vector<16xi32>
        %dma_start3A_153 = arith.constant 0 : i32
        %dma_start3A_154 = arith.constant 0 : i32
        %dma_start3A_155 = tpu.memref_slice %arg3[%dma_start3A_153, %dma_start3A_154] : memref<30522x768xf32, #tpu.memory_space<hbm>> -> memref<30522x768xf32, #tpu.memory_space<hbm>>
        tpu.enqueue_indirect_dma source(%dma_start3A_155 : memref<30522x768xf32, #tpu.memory_space<hbm>>) target(%arg8 : memref<16x768xf32, #tpu.memory_space<vmem>>) offsets(%get3A_152 : vector<16xi32>) semaphore(%arg12 : memref<!tpu.dma_semaphore, #tpu.memory_space<semaphore_mem>>)
      } else {
      }
      %dma_wait3A_46 = arith.constant 0 : i32
      %dma_wait3A_47 = arith.constant 0 : i32
      %dma_wait3A_48 = tpu.memref_slice %arg3[%dma_wait3A_46, %dma_wait3A_47] : memref<30522x768xf32, #tpu.memory_space<hbm>> -> memref<16x768xf32, #tpu.memory_space<hbm>>
      %dma_wait3A_49 = arith.constant 0 : i32
      %dma_wait3A_50 = arith.constant 0 : i32
      %dma_wait3A_51 = tpu.memref_slice %arg3[%dma_wait3A_49, %dma_wait3A_50] : memref<30522x768xf32, #tpu.memory_space<hbm>> -> memref<16x768xf32, #tpu.memory_space<hbm>>
      tpu.wait_dma2 semaphore(%arg10 : memref<!tpu.dma_semaphore, #tpu.memory_space<semaphore_mem>>) src(%dma_wait3A_51 : memref<16x768xf32, #tpu.memory_space<hbm>>) dst(%arg6 : memref<16x768xf32, #tpu.memory_space<vmem>>)
      %mul3A_52 = arith.constant 512 : i32
      %mul3A_53 = arith.muli %add3A_37, %mul3A_52 : i32
      %add3A_54 = arith.addi %mul3A_53, %mul3A_2 : i32
      %dma_start3A_55 = arith.constant 0 : i32
      %dma_start3A_56 = tpu.memref_slice %arg4[%add3A_54, %dma_start3A_55] : memref<16384x768xf32, #tpu.memory_space<hbm>> -> memref<16x768xf32, #tpu.memory_space<hbm>>
      %dma_start3A_57 = arith.constant 0 : i32
      %dma_start3A_58 = tpu.memref_slice %arg4[%add3A_54, %dma_start3A_57] : memref<16384x768xf32, #tpu.memory_space<hbm>> -> memref<16x768xf32, #tpu.memory_space<hbm>>
      tpu.enqueue_dma source(%arg6 : memref<16x768xf32, #tpu.memory_space<vmem>>) target(%dma_start3A_58 : memref<16x768xf32, #tpu.memory_space<hbm>>) target_semaphore(%arg14 : memref<!tpu.dma_semaphore, #tpu.memory_space<semaphore_mem>>)
      %mul3A_59 = arith.constant 4 : i32
      %mul3A_60 = arith.muli %scan3A_33, %mul3A_59 : i32
      %add3A_61 = arith.constant 1 : i32
      %add3A_62 = arith.addi %mul3A_60, %add3A_61 : i32
      %ge3A_63 = arith.constant 2 : i32
      %ge3A_64 = arith.cmpi sge, %add3A_62, %ge3A_63 : i32
      %convert_element_type3A_65 = arith.extui %ge3A_64 : i1 to i32
      %cond3A_66 = arith.constant 0 : i32
      %cond3A_67 = arith.cmpi ne, %convert_element_type3A_65, %cond3A_66 : i32
      scf.if %cond3A_67 {
        %dma_wait3A_146 = arith.constant 0 : i32
        %dma_wait3A_147 = arith.constant 0 : i32
        %dma_wait3A_148 = tpu.memref_slice %arg4[%dma_wait3A_146, %dma_wait3A_147] : memref<16384x768xf32, #tpu.memory_space<hbm>> -> memref<16x768xf32, #tpu.memory_space<hbm>>
        %dma_wait3A_149 = arith.constant 0 : i32
        %dma_wait3A_150 = arith.constant 0 : i32
        %dma_wait3A_151 = tpu.memref_slice %arg4[%dma_wait3A_149, %dma_wait3A_150] : memref<16384x768xf32, #tpu.memory_space<hbm>> -> memref<16x768xf32, #tpu.memory_space<hbm>>
        tpu.wait_dma2 semaphore(%arg17 : memref<!tpu.dma_semaphore, #tpu.memory_space<semaphore_mem>>) src(%arg9 : memref<16x768xf32, #tpu.memory_space<vmem>>) dst(%dma_wait3A_151 : memref<16x768xf32, #tpu.memory_space<hbm>>)
      } else {
      }
      %add3A_68 = arith.constant 2 : i32
      %add3A_69 = arith.addi %add3A_62, %add3A_68 : i32
      %lt3A_70 = arith.constant 32 : i32
      %lt3A_71 = arith.cmpi slt, %add3A_69, %lt3A_70 : i32
      %convert_element_type3A_72 = arith.extui %lt3A_71 : i1 to i32
      %cond3A_73 = arith.constant 0 : i32
      %cond3A_74 = arith.cmpi ne, %convert_element_type3A_72, %cond3A_73 : i32
      scf.if %cond3A_74 {
        %add3A_146 = arith.constant 2 : i32
        %add3A_147 = arith.addi %add3A_62, %add3A_146 : i32
        %mul3A_148 = arith.constant 16 : i32
        %mul3A_149 = arith.muli %add3A_147, %mul3A_148 : i32
        %get3A_150 = arith.index_cast %mul3A_149 : i32 to index
        %get3A_151 = tpu.vector_load %arg5[%get3A_150] {strides = array<i32>} : memref<512xi32, #tpu.memory_space<vmem>>, vector<16xi32>,
        %get3A_152 = vector.shape_cast %get3A_151 : vector<16xi32> to vector<16xi32>
        %dma_start3A_153 = arith.constant 0 : i32
        %dma_start3A_154 = arith.constant 0 : i32
        %dma_start3A_155 = tpu.memref_slice %arg3[%dma_start3A_153, %dma_start3A_154] : memref<30522x768xf32, #tpu.memory_space<hbm>> -> memref<30522x768xf32, #tpu.memory_space<hbm>>
        tpu.enqueue_indirect_dma source(%dma_start3A_155 : memref<30522x768xf32, #tpu.memory_space<hbm>>) target(%arg9 : memref<16x768xf32, #tpu.memory_space<vmem>>) offsets(%get3A_152 : vector<16xi32>) semaphore(%arg13 : memref<!tpu.dma_semaphore, #tpu.memory_space<semaphore_mem>>)
      } else {
      }
      %dma_wait3A_75 = arith.constant 0 : i32
      %dma_wait3A_76 = arith.constant 0 : i32
      %dma_wait3A_77 = tpu.memref_slice %arg3[%dma_wait3A_75, %dma_wait3A_76] : memref<30522x768xf32, #tpu.memory_space<hbm>> -> memref<16x768xf32, #tpu.memory_space<hbm>>
      %dma_wait3A_78 = arith.constant 0 : i32
      %dma_wait3A_79 = arith.constant 0 : i32
      %dma_wait3A_80 = tpu.memref_slice %arg3[%dma_wait3A_78, %dma_wait3A_79] : memref<30522x768xf32, #tpu.memory_space<hbm>> -> memref<16x768xf32, #tpu.memory_space<hbm>>
      tpu.wait_dma2 semaphore(%arg11 : memref<!tpu.dma_semaphore, #tpu.memory_space<semaphore_mem>>) src(%dma_wait3A_80 : memref<16x768xf32, #tpu.memory_space<hbm>>) dst(%arg7 : memref<16x768xf32, #tpu.memory_space<vmem>>)
      %mul3A_81 = arith.constant 512 : i32
      %mul3A_82 = arith.muli %add3A_62, %mul3A_81 : i32
      %add3A_83 = arith.addi %mul3A_82, %mul3A_2 : i32
      %dma_start3A_84 = arith.constant 0 : i32
      %dma_start3A_85 = tpu.memref_slice %arg4[%add3A_83, %dma_start3A_84] : memref<16384x768xf32, #tpu.memory_space<hbm>> -> memref<16x768xf32, #tpu.memory_space<hbm>>
      %dma_start3A_86 = arith.constant 0 : i32
      %dma_start3A_87 = tpu.memref_slice %arg4[%add3A_83, %dma_start3A_86] : memref<16384x768xf32, #tpu.memory_space<hbm>> -> memref<16x768xf32, #tpu.memory_space<hbm>>
      tpu.enqueue_dma source(%arg7 : memref<16x768xf32, #tpu.memory_space<vmem>>) target(%dma_start3A_87 : memref<16x768xf32, #tpu.memory_space<hbm>>) target_semaphore(%arg15 : memref<!tpu.dma_semaphore, #tpu.memory_space<semaphore_mem>>)
      %mul3A_88 = arith.constant 4 : i32
      %mul3A_89 = arith.muli %scan3A_33, %mul3A_88 : i32
      %add3A_90 = arith.constant 2 : i32
      %add3A_91 = arith.addi %mul3A_89, %add3A_90 : i32
      %ge3A_92 = arith.constant 2 : i32
      %ge3A_93 = arith.cmpi sge, %add3A_91, %ge3A_92 : i32
      %convert_element_type3A_94 = arith.extui %ge3A_93 : i1 to i32
      %cond3A_95 = arith.constant 0 : i32
      %cond3A_96 = arith.cmpi ne, %convert_element_type3A_94, %cond3A_95 : i32
      scf.if %cond3A_96 {
        %dma_wait3A_146 = arith.constant 0 : i32
        %dma_wait3A_147 = arith.constant 0 : i32
        %dma_wait3A_148 = tpu.memref_slice %arg4[%dma_wait3A_146, %dma_wait3A_147] : memref<16384x768xf32, #tpu.memory_space<hbm>> -> memref<16x768xf32, #tpu.memory_space<hbm>>
        %dma_wait3A_149 = arith.constant 0 : i32
        %dma_wait3A_150 = arith.constant 0 : i32
        %dma_wait3A_151 = tpu.memref_slice %arg4[%dma_wait3A_149, %dma_wait3A_150] : memref<16384x768xf32, #tpu.memory_space<hbm>> -> memref<16x768xf32, #tpu.memory_space<hbm>>
        tpu.wait_dma2 semaphore(%arg14 : memref<!tpu.dma_semaphore, #tpu.memory_space<semaphore_mem>>) src(%arg6 : memref<16x768xf32, #tpu.memory_space<vmem>>) dst(%dma_wait3A_151 : memref<16x768xf32, #tpu.memory_space<hbm>>)
      } else {
      }
      %add3A_97 = arith.constant 2 : i32
      %add3A_98 = arith.addi %add3A_91, %add3A_97 : i32
      %lt3A_99 = arith.constant 32 : i32
      %lt3A_100 = arith.cmpi slt, %add3A_98, %lt3A_99 : i32
      %convert_element_type3A_101 = arith.extui %lt3A_100 : i1 to i32
      %cond3A_102 = arith.constant 0 : i32
      %cond3A_103 = arith.cmpi ne, %convert_element_type3A_101, %cond3A_102 : i32
      scf.if %cond3A_103 {
        %add3A_146 = arith.constant 2 : i32
        %add3A_147 = arith.addi %add3A_91, %add3A_146 : i32
        %mul3A_148 = arith.constant 16 : i32
        %mul3A_149 = arith.muli %add3A_147, %mul3A_148 : i32
        %get3A_150 = arith.index_cast %mul3A_149 : i32 to index
        %get3A_151 = tpu.vector_load %arg5[%get3A_150] {strides = array<i32>} : memref<512xi32, #tpu.memory_space<vmem>>, vector<16xi32>,
        %get3A_152 = vector.shape_cast %get3A_151 : vector<16xi32> to vector<16xi32>
        %dma_start3A_153 = arith.constant 0 : i32
        %dma_start3A_154 = arith.constant 0 : i32
        %dma_start3A_155 = tpu.memref_slice %arg3[%dma_start3A_153, %dma_start3A_154] : memref<30522x768xf32, #tpu.memory_space<hbm>> -> memref<30522x768xf32, #tpu.memory_space<hbm>>
        tpu.enqueue_indirect_dma source(%dma_start3A_155 : memref<30522x768xf32, #tpu.memory_space<hbm>>) target(%arg6 : memref<16x768xf32, #tpu.memory_space<vmem>>) offsets(%get3A_152 : vector<16xi32>) semaphore(%arg10 : memref<!tpu.dma_semaphore, #tpu.memory_space<semaphore_mem>>)
      } else {
      }
      %dma_wait3A_104 = arith.constant 0 : i32
      %dma_wait3A_105 = arith.constant 0 : i32
      %dma_wait3A_106 = tpu.memref_slice %arg3[%dma_wait3A_104, %dma_wait3A_105] : memref<30522x768xf32, #tpu.memory_space<hbm>> -> memref<16x768xf32, #tpu.memory_space<hbm>>
      %dma_wait3A_107 = arith.constant 0 : i32
      %dma_wait3A_108 = arith.constant 0 : i32
      %dma_wait3A_109 = tpu.memref_slice %arg3[%dma_wait3A_107, %dma_wait3A_108] : memref<30522x768xf32, #tpu.memory_space<hbm>> -> memref<16x768xf32, #tpu.memory_space<hbm>>
      tpu.wait_dma2 semaphore(%arg12 : memref<!tpu.dma_semaphore, #tpu.memory_space<semaphore_mem>>) src(%dma_wait3A_109 : memref<16x768xf32, #tpu.memory_space<hbm>>) dst(%arg8 : memref<16x768xf32, #tpu.memory_space<vmem>>)
      %mul3A_110 = arith.constant 512 : i32
      %mul3A_111 = arith.muli %add3A_91, %mul3A_110 : i32
      %add3A_112 = arith.addi %mul3A_111, %mul3A_2 : i32
      %dma_start3A_113 = arith.constant 0 : i32
      %dma_start3A_114 = tpu.memref_slice %arg4[%add3A_112, %dma_start3A_113] : memref<16384x768xf32, #tpu.memory_space<hbm>> -> memref<16x768xf32, #tpu.memory_space<hbm>>
      %dma_start3A_115 = arith.constant 0 : i32
      %dma_start3A_116 = tpu.memref_slice %arg4[%add3A_112, %dma_start3A_115] : memref<16384x768xf32, #tpu.memory_space<hbm>> -> memref<16x768xf32, #tpu.memory_space<hbm>>
      tpu.enqueue_dma source(%arg8 : memref<16x768xf32, #tpu.memory_space<vmem>>) target(%dma_start3A_116 : memref<16x768xf32, #tpu.memory_space<hbm>>) target_semaphore(%arg16 : memref<!tpu.dma_semaphore, #tpu.memory_space<semaphore_mem>>)
      %mul3A_117 = arith.constant 4 : i32
      %mul3A_118 = arith.muli %scan3A_33, %mul3A_117 : i32
      %add3A_119 = arith.constant 3 : i32
      %add3A_120 = arith.addi %mul3A_118, %add3A_119 : i32
      %ge3A_121 = arith.constant 2 : i32
      %ge3A_122 = arith.cmpi sge, %add3A_120, %ge3A_121 : i32
      %convert_element_type3A_123 = arith.extui %ge3A_122 : i1 to i32
      %cond3A_124 = arith.constant 0 : i32
      %cond3A_125 = arith.cmpi ne, %convert_element_type3A_123, %cond3A_124 : i32
      scf.if %cond3A_125 {
        %dma_wait3A_146 = arith.constant 0 : i32
        %dma_wait3A_147 = arith.constant 0 : i32
        %dma_wait3A_148 = tpu.memref_slice %arg4[%dma_wait3A_146, %dma_wait3A_147] : memref<16384x768xf32, #tpu.memory_space<hbm>> -> memref<16x768xf32, #tpu.memory_space<hbm>>
        %dma_wait3A_149 = arith.constant 0 : i32
        %dma_wait3A_150 = arith.constant 0 : i32
        %dma_wait3A_151 = tpu.memref_slice %arg4[%dma_wait3A_149, %dma_wait3A_150] : memref<16384x768xf32, #tpu.memory_space<hbm>> -> memref<16x768xf32, #tpu.memory_space<hbm>>
        tpu.wait_dma2 semaphore(%arg15 : memref<!tpu.dma_semaphore, #tpu.memory_space<semaphore_mem>>) src(%arg7 : memref<16x768xf32, #tpu.memory_space<vmem>>) dst(%dma_wait3A_151 : memref<16x768xf32, #tpu.memory_space<hbm>>)
      } else {
      }
      %add3A_126 = arith.constant 2 : i32
      %add3A_127 = arith.addi %add3A_120, %add3A_126 : i32
      %lt3A_128 = arith.constant 32 : i32
      %lt3A_129 = arith.cmpi slt, %add3A_127, %lt3A_128 : i32
      %convert_element_type3A_130 = arith.extui %lt3A_129 : i1 to i32
      %cond3A_131 = arith.constant 0 : i32
      %cond3A_132 = arith.cmpi ne, %convert_element_type3A_130, %cond3A_131 : i32
      scf.if %cond3A_132 {
        %add3A_146 = arith.constant 2 : i32
        %add3A_147 = arith.addi %add3A_120, %add3A_146 : i32
        %mul3A_148 = arith.constant 16 : i32
        %mul3A_149 = arith.muli %add3A_147, %mul3A_148 : i32
        %get3A_150 = arith.index_cast %mul3A_149 : i32 to index
        %get3A_151 = tpu.vector_load %arg5[%get3A_150] {strides = array<i32>} : memref<512xi32, #tpu.memory_space<vmem>>, vector<16xi32>,
        %get3A_152 = vector.shape_cast %get3A_151 : vector<16xi32> to vector<16xi32>
        %dma_start3A_153 = arith.constant 0 : i32
        %dma_start3A_154 = arith.constant 0 : i32
        %dma_start3A_155 = tpu.memref_slice %arg3[%dma_start3A_153, %dma_start3A_154] : memref<30522x768xf32, #tpu.memory_space<hbm>> -> memref<30522x768xf32, #tpu.memory_space<hbm>>
        tpu.enqueue_indirect_dma source(%dma_start3A_155 : memref<30522x768xf32, #tpu.memory_space<hbm>>) target(%arg7 : memref<16x768xf32, #tpu.memory_space<vmem>>) offsets(%get3A_152 : vector<16xi32>) semaphore(%arg11 : memref<!tpu.dma_semaphore, #tpu.memory_space<semaphore_mem>>)
      } else {
      }
      %dma_wait3A_133 = arith.constant 0 : i32
      %dma_wait3A_134 = arith.constant 0 : i32
      %dma_wait3A_135 = tpu.memref_slice %arg3[%dma_wait3A_133, %dma_wait3A_134] : memref<30522x768xf32, #tpu.memory_space<hbm>> -> memref<16x768xf32, #tpu.memory_space<hbm>>
      %dma_wait3A_136 = arith.constant 0 : i32
      %dma_wait3A_137 = arith.constant 0 : i32
      %dma_wait3A_138 = tpu.memref_slice %arg3[%dma_wait3A_136, %dma_wait3A_137] : memref<30522x768xf32, #tpu.memory_space<hbm>> -> memref<16x768xf32, #tpu.memory_space<hbm>>
      tpu.wait_dma2 semaphore(%arg13 : memref<!tpu.dma_semaphore, #tpu.memory_space<semaphore_mem>>) src(%dma_wait3A_138 : memref<16x768xf32, #tpu.memory_space<hbm>>) dst(%arg9 : memref<16x768xf32, #tpu.memory_space<vmem>>)
      %mul3A_139 = arith.constant 512 : i32
      %mul3A_140 = arith.muli %add3A_120, %mul3A_139 : i32
      %add3A_141 = arith.addi %mul3A_140, %mul3A_2 : i32
      %dma_start3A_142 = arith.constant 0 : i32
      %dma_start3A_143 = tpu.memref_slice %arg4[%add3A_141, %dma_start3A_142] : memref<16384x768xf32, #tpu.memory_space<hbm>> -> memref<16x768xf32, #tpu.memory_space<hbm>>
      %dma_start3A_144 = arith.constant 0 : i32
      %dma_start3A_145 = tpu.memref_slice %arg4[%add3A_141, %dma_start3A_144] : memref<16384x768xf32, #tpu.memory_space<hbm>> -> memref<16x768xf32, #tpu.memory_space<hbm>>
      tpu.enqueue_dma source(%arg9 : memref<16x768xf32, #tpu.memory_space<vmem>>) target(%dma_start3A_145 : memref<16x768xf32, #tpu.memory_space<hbm>>) target_semaphore(%arg17 : memref<!tpu.dma_semaphore, #tpu.memory_space<semaphore_mem>>)
    }
    %scan3A_21 = arith.constant 8 : i32
    %dma_wait3A = arith.constant 0 : i32
    %dma_wait3A_22 = arith.constant 0 : i32
    %dma_wait3A_23 = tpu.memref_slice %arg4[%dma_wait3A, %dma_wait3A_22] : memref<16384x768xf32, #tpu.memory_space<hbm>> -> memref<16x768xf32, #tpu.memory_space<hbm>>
    %dma_wait3A_24 = arith.constant 0 : i32
    %dma_wait3A_25 = arith.constant 0 : i32
    %dma_wait3A_26 = tpu.memref_slice %arg4[%dma_wait3A_24, %dma_wait3A_25] : memref<16384x768xf32, #tpu.memory_space<hbm>> -> memref<16x768xf32, #tpu.memory_space<hbm>>
    tpu.wait_dma2 semaphore(%arg16 : memref<!tpu.dma_semaphore, #tpu.memory_space<semaphore_mem>>) src(%arg8 : memref<16x768xf32, #tpu.memory_space<vmem>>) dst(%dma_wait3A_26 : memref<16x768xf32, #tpu.memory_space<hbm>>)
    %dma_wait3A_27 = arith.constant 0 : i32
    %dma_wait3A_28 = arith.constant 0 : i32
    %dma_wait3A_29 = tpu.memref_slice %arg4[%dma_wait3A_27, %dma_wait3A_28] : memref<16384x768xf32, #tpu.memory_space<hbm>> -> memref<16x768xf32, #tpu.memory_space<hbm>>
    %dma_wait3A_30 = arith.constant 0 : i32
    %dma_wait3A_31 = arith.constant 0 : i32
    %dma_wait3A_32 = tpu.memref_slice %arg4[%dma_wait3A_30, %dma_wait3A_31] : memref<16384x768xf32, #tpu.memory_space<hbm>> -> memref<16x768xf32, #tpu.memory_space<hbm>>
    tpu.wait_dma2 semaphore(%arg17 : memref<!tpu.dma_semaphore, #tpu.memory_space<semaphore_mem>>) src(%arg9 : memref<16x768xf32, #tpu.memory_space<vmem>>) dst(%dma_wait3A_32 : memref<16x768xf32, #tpu.memory_space<hbm>>)
    return
  }
}

#map = affine_map<(d0, d1) -> (0)>
#map1 = affine_map<(d0, d1) -> (0, 0)>
module attributes {stable_mosaic.version = 14 : i64} {
  func.func @_sc_gather_body(%arg0: i32, %arg1: i32, %arg2: memref<16384xi32, #tpu.memory_space<hbm>>, %arg3: memref<30522x768xf32, #tpu.memory_space<hbm>>, %arg4: memref<16384x768xf32, #tpu.memory_space<hbm>>, %arg5: memref<512xi32, #tpu.memory_space<vmem>>, %arg6: memref<16x768xf32, #tpu.memory_space<vmem>>, %arg7: memref<16x768xf32, #tpu.memory_space<vmem>>, %arg8: memref<16x768xf32, #tpu.memory_space<vmem>>, %arg9: memref<16x768xf32, #tpu.memory_space<vmem>>, %arg10: memref<!tpu.dma_semaphore, #tpu.memory_space<semaphore_mem>>, %arg11: memref<!tpu.dma_semaphore, #tpu.memory_space<semaphore_mem>>, %arg12: memref<!tpu.dma_semaphore, #tpu.memory_space<semaphore_mem>>, %arg13: memref<!tpu.dma_semaphore, #tpu.memory_space<semaphore_mem>>, %arg14: memref<!tpu.dma_semaphore, #tpu.memory_space<semaphore_mem>>, %arg15: memref<!tpu.dma_semaphore, #tpu.memory_space<semaphore_mem>>, %arg16: memref<!tpu.dma_semaphore, #tpu.memory_space<semaphore_mem>>, %arg17: memref<!tpu.dma_semaphore, #tpu.memory_space<semaphore_mem>>) attributes {dimension_semantics = [#tpu.dimension_semantics<core_parallel>, #tpu.dimension_semantics<subcore_parallel>], iteration_bounds = array<i64: 2, 16>, scalar_prefetch = 0 : i64, scratch_operands = 13 : i64, tpu.core_type = #tpu.core_type<sc_vector_subcore>, window_params = [{transform_indices = #map}, {transform_indices = #map1}, {transform_indices = #map1}]} {
    %mul3A = arith.constant 2 : i32
    %mul3A_0 = arith.muli %arg1, %mul3A : i32
    %add3A = arith.addi %mul3A_0, %arg0 : i32
    %mul3A_1 = arith.constant 16 : i32
    %mul3A_2 = arith.muli %add3A, %mul3A_1 : i32
    %mul3A_3 = arith.constant 32 : i32
    %mul3A_4 = arith.muli %add3A, %mul3A_3 : i32
    %mul3A_5 = arith.constant 16 : i32
    %mul3A_6 = arith.muli %mul3A_4, %mul3A_5 : i32
    "tpu.region"() ({
      %run_scoped3A = tpu.sem_alloc : memref<!tpu.dma_semaphore, #tpu.memory_space<semaphore_mem>>
      %dma_start3A_33 = tpu.memref_slice %arg2[%mul3A_6] : memref<16384xi32, #tpu.memory_space<hbm>> -> memref<512xi32, #tpu.memory_space<hbm>>
      %dma_start3A_34 = tpu.memref_slice %arg2[%mul3A_6] : memref<16384xi32, #tpu.memory_space<hbm>> -> memref<512xi32, #tpu.memory_space<hbm>>
      tpu.enqueue_dma source(%dma_start3A_34 : memref<512xi32, #tpu.memory_space<hbm>>) target(%arg5 : memref<512xi32, #tpu.memory_space<vmem>>) target_semaphore(%run_scoped3A : memref<!tpu.dma_semaphore, #tpu.memory_space<semaphore_mem>>)
      %dma_wait3A_35 = tpu.memref_slice %arg2[%mul3A_6] : memref<16384xi32, #tpu.memory_space<hbm>> -> memref<512xi32, #tpu.memory_space<hbm>>
      %dma_wait3A_36 = tpu.memref_slice %arg2[%mul3A_6] : memref<16384xi32, #tpu.memory_space<hbm>> -> memref<512xi32, #tpu.memory_space<hbm>>
      tpu.wait_dma2 semaphore(%run_scoped3A : memref<!tpu.dma_semaphore, #tpu.memory_space<semaphore_mem>>) src(%dma_wait3A_36 : memref<512xi32, #tpu.memory_space<hbm>>) dst(%arg5 : memref<512xi32, #tpu.memory_space<vmem>>)
      tpu.yield
    }) : () -> ()
    %get3A = arith.constant 0 : index
    %get3A_7 = tpu.vector_load %arg5[%get3A] {strides = array<i32>} : memref<512xi32, #tpu.memory_space<vmem>>, vector<16xi32>,
    %get3A_8 = vector.shape_cast %get3A_7 : vector<16xi32> to vector<16xi32>
    %dma_start3A = arith.constant 0 : i32
    %dma_start3A_9 = arith.constant 0 : i32
    %dma_start3A_10 = tpu.memref_slice %arg3[%dma_start3A, %dma_start3A_9] : memref<30522x768xf32, #tpu.memory_space<hbm>> -> memref<30522x768xf32, #tpu.memory_space<hbm>>
    tpu.enqueue_indirect_dma source(%dma_start3A_10 : memref<30522x768xf32, #tpu.memory_space<hbm>>) target(%arg6 : memref<16x768xf32, #tpu.memory_space<vmem>>) offsets(%get3A_8 : vector<16xi32>) semaphore(%arg10 : memref<!tpu.dma_semaphore, #tpu.memory_space<semaphore_mem>>)
    %get3A_11 = arith.constant 16 : index
    %get3A_12 = tpu.vector_load %arg5[%get3A_11] {strides = array<i32>} : memref<512xi32, #tpu.memory_space<vmem>>, vector<16xi32>,
    %get3A_13 = vector.shape_cast %get3A_12 : vector<16xi32> to vector<16xi32>
    %dma_start3A_14 = arith.constant 0 : i32
    %dma_start3A_15 = arith.constant 0 : i32
    %dma_start3A_16 = tpu.memref_slice %arg3[%dma_start3A_14, %dma_start3A_15] : memref<30522x768xf32, #tpu.memory_space<hbm>> -> memref<30522x768xf32, #tpu.memory_space<hbm>>
    tpu.enqueue_indirect_dma source(%dma_start3A_16 : memref<30522x768xf32, #tpu.memory_space<hbm>>) target(%arg7 : memref<16x768xf32, #tpu.memory_space<vmem>>) offsets(%get3A_13 : vector<16xi32>) semaphore(%arg11 : memref<!tpu.dma_semaphore, #tpu.memory_space<semaphore_mem>>)
    %scan3A = arith.constant 0 : i32
    %scan3A_17 = arith.constant 0 : i32
    %scan3A_18 = arith.constant 8 : i32
    %scan3A_19 = arith.addi %scan3A_17, %scan3A_18 : i32
    %scan3A_20 = arith.constant 1 : i32
    scf.for %scan3A_33 = %scan3A_17 to %scan3A_19 step %scan3A_20  : i32 {
      %mul3A_34 = arith.constant 4 : i32
      %mul3A_35 = arith.muli %scan3A_33, %mul3A_34 : i32
      %add3A_36 = arith.constant 0 : i32
      %add3A_37 = arith.addi %mul3A_35, %add3A_36 : i32
      %ge3A = arith.constant 2 : i32
      %ge3A_38 = arith.cmpi sge, %add3A_37, %ge3A : i32
      %convert_element_type3A = arith.extui %ge3A_38 : i1 to i32
      %cond3A = arith.constant 0 : i32
      %cond3A_39 = arith.cmpi ne, %convert_element_type3A, %cond3A : i32
      scf.if %cond3A_39 {
        %dma_wait3A_146 = arith.constant 0 : i32
        %dma_wait3A_147 = arith.constant 0 : i32
        %dma_wait3A_148 = tpu.memref_slice %arg4[%dma_wait3A_146, %dma_wait3A_147] : memref<16384x768xf32, #tpu.memory_space<hbm>> -> memref<16x768xf32, #tpu.memory_space<hbm>>
        %dma_wait3A_149 = arith.constant 0 : i32
        %dma_wait3A_150 = arith.constant 0 : i32
        %dma_wait3A_151 = tpu.memref_slice %arg4[%dma_wait3A_149, %dma_wait3A_150] : memref<16384x768xf32, #tpu.memory_space<hbm>> -> memref<16x768xf32, #tpu.memory_space<hbm>>
        tpu.wait_dma2 semaphore(%arg16 : memref<!tpu.dma_semaphore, #tpu.memory_space<semaphore_mem>>) src(%arg8 : memref<16x768xf32, #tpu.memory_space<vmem>>) dst(%dma_wait3A_151 : memref<16x768xf32, #tpu.memory_space<hbm>>)
      } else {
      }
      %add3A_40 = arith.constant 2 : i32
      %add3A_41 = arith.addi %add3A_37, %add3A_40 : i32
      %lt3A = arith.constant 32 : i32
      %lt3A_42 = arith.cmpi slt, %add3A_41, %lt3A : i32
      %convert_element_type3A_43 = arith.extui %lt3A_42 : i1 to i32
      %cond3A_44 = arith.constant 0 : i32
      %cond3A_45 = arith.cmpi ne, %convert_element_type3A_43, %cond3A_44 : i32
      scf.if %cond3A_45 {
        %add3A_146 = arith.constant 2 : i32
        %add3A_147 = arith.addi %add3A_37, %add3A_146 : i32
        %mul3A_148 = arith.constant 16 : i32
        %mul3A_149 = arith.muli %add3A_147, %mul3A_148 : i32
        %get3A_150 = arith.index_cast %mul3A_149 : i32 to index
        %get3A_151 = tpu.vector_load %arg5[%get3A_150] {strides = array<i32>} : memref<512xi32, #tpu.memory_space<vmem>>, vector<16xi32>,
        %get3A_152 = vector.shape_cast %get3A_151 : vector<16xi32> to vector<16xi32>
        %dma_start3A_153 = arith.constant 0 : i32
        %dma_start3A_154 = arith.constant 0 : i32
        %dma_start3A_155 = tpu.memref_slice %arg3[%dma_start3A_153, %dma_start3A_154] : memref<30522x768xf32, #tpu.memory_space<hbm>> -> memref<30522x768xf32, #tpu.memory_space<hbm>>
        tpu.enqueue_indirect_dma source(%dma_start3A_155 : memref<30522x768xf32, #tpu.memory_space<hbm>>) target(%arg8 : memref<16x768xf32, #tpu.memory_space<vmem>>) offsets(%get3A_152 : vector<16xi32>) semaphore(%arg12 : memref<!tpu.dma_semaphore, #tpu.memory_space<semaphore_mem>>)
      } else {
      }
      %dma_wait3A_46 = arith.constant 0 : i32
      %dma_wait3A_47 = arith.constant 0 : i32
      %dma_wait3A_48 = tpu.memref_slice %arg3[%dma_wait3A_46, %dma_wait3A_47] : memref<30522x768xf32, #tpu.memory_space<hbm>> -> memref<16x768xf32, #tpu.memory_space<hbm>>
      %dma_wait3A_49 = arith.constant 0 : i32
      %dma_wait3A_50 = arith.constant 0 : i32
      %dma_wait3A_51 = tpu.memref_slice %arg3[%dma_wait3A_49, %dma_wait3A_50] : memref<30522x768xf32, #tpu.memory_space<hbm>> -> memref<16x768xf32, #tpu.memory_space<hbm>>
      tpu.wait_dma2 semaphore(%arg10 : memref<!tpu.dma_semaphore, #tpu.memory_space<semaphore_mem>>) src(%dma_wait3A_51 : memref<16x768xf32, #tpu.memory_space<hbm>>) dst(%arg6 : memref<16x768xf32, #tpu.memory_space<vmem>>)
      %mul3A_52 = arith.constant 512 : i32
      %mul3A_53 = arith.muli %add3A_37, %mul3A_52 : i32
      %add3A_54 = arith.addi %mul3A_53, %mul3A_2 : i32
      %dma_start3A_55 = arith.constant 0 : i32
      %dma_start3A_56 = tpu.memref_slice %arg4[%add3A_54, %dma_start3A_55] : memref<16384x768xf32, #tpu.memory_space<hbm>> -> memref<16x768xf32, #tpu.memory_space<hbm>>
      %dma_start3A_57 = arith.constant 0 : i32
      %dma_start3A_58 = tpu.memref_slice %arg4[%add3A_54, %dma_start3A_57] : memref<16384x768xf32, #tpu.memory_space<hbm>> -> memref<16x768xf32, #tpu.memory_space<hbm>>
      tpu.enqueue_dma source(%arg6 : memref<16x768xf32, #tpu.memory_space<vmem>>) target(%dma_start3A_58 : memref<16x768xf32, #tpu.memory_space<hbm>>) target_semaphore(%arg14 : memref<!tpu.dma_semaphore, #tpu.memory_space<semaphore_mem>>)
      %mul3A_59 = arith.constant 4 : i32
      %mul3A_60 = arith.muli %scan3A_33, %mul3A_59 : i32
      %add3A_61 = arith.constant 1 : i32
      %add3A_62 = arith.addi %mul3A_60, %add3A_61 : i32
      %ge3A_63 = arith.constant 2 : i32
      %ge3A_64 = arith.cmpi sge, %add3A_62, %ge3A_63 : i32
      %convert_element_type3A_65 = arith.extui %ge3A_64 : i1 to i32
      %cond3A_66 = arith.constant 0 : i32
      %cond3A_67 = arith.cmpi ne, %convert_element_type3A_65, %cond3A_66 : i32
      scf.if %cond3A_67 {
        %dma_wait3A_146 = arith.constant 0 : i32
        %dma_wait3A_147 = arith.constant 0 : i32
        %dma_wait3A_148 = tpu.memref_slice %arg4[%dma_wait3A_146, %dma_wait3A_147] : memref<16384x768xf32, #tpu.memory_space<hbm>> -> memref<16x768xf32, #tpu.memory_space<hbm>>
        %dma_wait3A_149 = arith.constant 0 : i32
        %dma_wait3A_150 = arith.constant 0 : i32
        %dma_wait3A_151 = tpu.memref_slice %arg4[%dma_wait3A_149, %dma_wait3A_150] : memref<16384x768xf32, #tpu.memory_space<hbm>> -> memref<16x768xf32, #tpu.memory_space<hbm>>
        tpu.wait_dma2 semaphore(%arg17 : memref<!tpu.dma_semaphore, #tpu.memory_space<semaphore_mem>>) src(%arg9 : memref<16x768xf32, #tpu.memory_space<vmem>>) dst(%dma_wait3A_151 : memref<16x768xf32, #tpu.memory_space<hbm>>)
      } else {
      }
      %add3A_68 = arith.constant 2 : i32
      %add3A_69 = arith.addi %add3A_62, %add3A_68 : i32
      %lt3A_70 = arith.constant 32 : i32
      %lt3A_71 = arith.cmpi slt, %add3A_69, %lt3A_70 : i32
      %convert_element_type3A_72 = arith.extui %lt3A_71 : i1 to i32
      %cond3A_73 = arith.constant 0 : i32
      %cond3A_74 = arith.cmpi ne, %convert_element_type3A_72, %cond3A_73 : i32
      scf.if %cond3A_74 {
        %add3A_146 = arith.constant 2 : i32
        %add3A_147 = arith.addi %add3A_62, %add3A_146 : i32
        %mul3A_148 = arith.constant 16 : i32
        %mul3A_149 = arith.muli %add3A_147, %mul3A_148 : i32
        %get3A_150 = arith.index_cast %mul3A_149 : i32 to index
        %get3A_151 = tpu.vector_load %arg5[%get3A_150] {strides = array<i32>} : memref<512xi32, #tpu.memory_space<vmem>>, vector<16xi32>,
        %get3A_152 = vector.shape_cast %get3A_151 : vector<16xi32> to vector<16xi32>
        %dma_start3A_153 = arith.constant 0 : i32
        %dma_start3A_154 = arith.constant 0 : i32
        %dma_start3A_155 = tpu.memref_slice %arg3[%dma_start3A_153, %dma_start3A_154] : memref<30522x768xf32, #tpu.memory_space<hbm>> -> memref<30522x768xf32, #tpu.memory_space<hbm>>
        tpu.enqueue_indirect_dma source(%dma_start3A_155 : memref<30522x768xf32, #tpu.memory_space<hbm>>) target(%arg9 : memref<16x768xf32, #tpu.memory_space<vmem>>) offsets(%get3A_152 : vector<16xi32>) semaphore(%arg13 : memref<!tpu.dma_semaphore, #tpu.memory_space<semaphore_mem>>)
      } else {
      }
      %dma_wait3A_75 = arith.constant 0 : i32
      %dma_wait3A_76 = arith.constant 0 : i32
      %dma_wait3A_77 = tpu.memref_slice %arg3[%dma_wait3A_75, %dma_wait3A_76] : memref<30522x768xf32, #tpu.memory_space<hbm>> -> memref<16x768xf32, #tpu.memory_space<hbm>>
      %dma_wait3A_78 = arith.constant 0 : i32
      %dma_wait3A_79 = arith.constant 0 : i32
      %dma_wait3A_80 = tpu.memref_slice %arg3[%dma_wait3A_78, %dma_wait3A_79] : memref<30522x768xf32, #tpu.memory_space<hbm>> -> memref<16x768xf32, #tpu.memory_space<hbm>>
      tpu.wait_dma2 semaphore(%arg11 : memref<!tpu.dma_semaphore, #tpu.memory_space<semaphore_mem>>) src(%dma_wait3A_80 : memref<16x768xf32, #tpu.memory_space<hbm>>) dst(%arg7 : memref<16x768xf32, #tpu.memory_space<vmem>>)
      %mul3A_81 = arith.constant 512 : i32
      %mul3A_82 = arith.muli %add3A_62, %mul3A_81 : i32
      %add3A_83 = arith.addi %mul3A_82, %mul3A_2 : i32
      %dma_start3A_84 = arith.constant 0 : i32
      %dma_start3A_85 = tpu.memref_slice %arg4[%add3A_83, %dma_start3A_84] : memref<16384x768xf32, #tpu.memory_space<hbm>> -> memref<16x768xf32, #tpu.memory_space<hbm>>
      %dma_start3A_86 = arith.constant 0 : i32
      %dma_start3A_87 = tpu.memref_slice %arg4[%add3A_83, %dma_start3A_86] : memref<16384x768xf32, #tpu.memory_space<hbm>> -> memref<16x768xf32, #tpu.memory_space<hbm>>
      tpu.enqueue_dma source(%arg7 : memref<16x768xf32, #tpu.memory_space<vmem>>) target(%dma_start3A_87 : memref<16x768xf32, #tpu.memory_space<hbm>>) target_semaphore(%arg15 : memref<!tpu.dma_semaphore, #tpu.memory_space<semaphore_mem>>)
      %mul3A_88 = arith.constant 4 : i32
      %mul3A_89 = arith.muli %scan3A_33, %mul3A_88 : i32
      %add3A_90 = arith.constant 2 : i32
      %add3A_91 = arith.addi %mul3A_89, %add3A_90 : i32
      %ge3A_92 = arith.constant 2 : i32
      %ge3A_93 = arith.cmpi sge, %add3A_91, %ge3A_92 : i32
      %convert_element_type3A_94 = arith.extui %ge3A_93 : i1 to i32
      %cond3A_95 = arith.constant 0 : i32
      %cond3A_96 = arith.cmpi ne, %convert_element_type3A_94, %cond3A_95 : i32
      scf.if %cond3A_96 {
        %dma_wait3A_146 = arith.constant 0 : i32
        %dma_wait3A_147 = arith.constant 0 : i32
        %dma_wait3A_148 = tpu.memref_slice %arg4[%dma_wait3A_146, %dma_wait3A_147] : memref<16384x768xf32, #tpu.memory_space<hbm>> -> memref<16x768xf32, #tpu.memory_space<hbm>>
        %dma_wait3A_149 = arith.constant 0 : i32
        %dma_wait3A_150 = arith.constant 0 : i32
        %dma_wait3A_151 = tpu.memref_slice %arg4[%dma_wait3A_149, %dma_wait3A_150] : memref<16384x768xf32, #tpu.memory_space<hbm>> -> memref<16x768xf32, #tpu.memory_space<hbm>>
        tpu.wait_dma2 semaphore(%arg14 : memref<!tpu.dma_semaphore, #tpu.memory_space<semaphore_mem>>) src(%arg6 : memref<16x768xf32, #tpu.memory_space<vmem>>) dst(%dma_wait3A_151 : memref<16x768xf32, #tpu.memory_space<hbm>>)
      } else {
      }
      %add3A_97 = arith.constant 2 : i32
      %add3A_98 = arith.addi %add3A_91, %add3A_97 : i32
      %lt3A_99 = arith.constant 32 : i32
      %lt3A_100 = arith.cmpi slt, %add3A_98, %lt3A_99 : i32
      %convert_element_type3A_101 = arith.extui %lt3A_100 : i1 to i32
      %cond3A_102 = arith.constant 0 : i32
      %cond3A_103 = arith.cmpi ne, %convert_element_type3A_101, %cond3A_102 : i32
      scf.if %cond3A_103 {
        %add3A_146 = arith.constant 2 : i32
        %add3A_147 = arith.addi %add3A_91, %add3A_146 : i32
        %mul3A_148 = arith.constant 16 : i32
        %mul3A_149 = arith.muli %add3A_147, %mul3A_148 : i32
        %get3A_150 = arith.index_cast %mul3A_149 : i32 to index
        %get3A_151 = tpu.vector_load %arg5[%get3A_150] {strides = array<i32>} : memref<512xi32, #tpu.memory_space<vmem>>, vector<16xi32>,
        %get3A_152 = vector.shape_cast %get3A_151 : vector<16xi32> to vector<16xi32>
        %dma_start3A_153 = arith.constant 0 : i32
        %dma_start3A_154 = arith.constant 0 : i32
        %dma_start3A_155 = tpu.memref_slice %arg3[%dma_start3A_153, %dma_start3A_154] : memref<30522x768xf32, #tpu.memory_space<hbm>> -> memref<30522x768xf32, #tpu.memory_space<hbm>>
        tpu.enqueue_indirect_dma source(%dma_start3A_155 : memref<30522x768xf32, #tpu.memory_space<hbm>>) target(%arg6 : memref<16x768xf32, #tpu.memory_space<vmem>>) offsets(%get3A_152 : vector<16xi32>) semaphore(%arg10 : memref<!tpu.dma_semaphore, #tpu.memory_space<semaphore_mem>>)
      } else {
      }
      %dma_wait3A_104 = arith.constant 0 : i32
      %dma_wait3A_105 = arith.constant 0 : i32
      %dma_wait3A_106 = tpu.memref_slice %arg3[%dma_wait3A_104, %dma_wait3A_105] : memref<30522x768xf32, #tpu.memory_space<hbm>> -> memref<16x768xf32, #tpu.memory_space<hbm>>
      %dma_wait3A_107 = arith.constant 0 : i32
      %dma_wait3A_108 = arith.constant 0 : i32
      %dma_wait3A_109 = tpu.memref_slice %arg3[%dma_wait3A_107, %dma_wait3A_108] : memref<30522x768xf32, #tpu.memory_space<hbm>> -> memref<16x768xf32, #tpu.memory_space<hbm>>
      tpu.wait_dma2 semaphore(%arg12 : memref<!tpu.dma_semaphore, #tpu.memory_space<semaphore_mem>>) src(%dma_wait3A_109 : memref<16x768xf32, #tpu.memory_space<hbm>>) dst(%arg8 : memref<16x768xf32, #tpu.memory_space<vmem>>)
      %mul3A_110 = arith.constant 512 : i32
      %mul3A_111 = arith.muli %add3A_91, %mul3A_110 : i32
      %add3A_112 = arith.addi %mul3A_111, %mul3A_2 : i32
      %dma_start3A_113 = arith.constant 0 : i32
      %dma_start3A_114 = tpu.memref_slice %arg4[%add3A_112, %dma_start3A_113] : memref<16384x768xf32, #tpu.memory_space<hbm>> -> memref<16x768xf32, #tpu.memory_space<hbm>>
      %dma_start3A_115 = arith.constant 0 : i32
      %dma_start3A_116 = tpu.memref_slice %arg4[%add3A_112, %dma_start3A_115] : memref<16384x768xf32, #tpu.memory_space<hbm>> -> memref<16x768xf32, #tpu.memory_space<hbm>>
      tpu.enqueue_dma source(%arg8 : memref<16x768xf32, #tpu.memory_space<vmem>>) target(%dma_start3A_116 : memref<16x768xf32, #tpu.memory_space<hbm>>) target_semaphore(%arg16 : memref<!tpu.dma_semaphore, #tpu.memory_space<semaphore_mem>>)
      %mul3A_117 = arith.constant 4 : i32
      %mul3A_118 = arith.muli %scan3A_33, %mul3A_117 : i32
      %add3A_119 = arith.constant 3 : i32
      %add3A_120 = arith.addi %mul3A_118, %add3A_119 : i32
      %ge3A_121 = arith.constant 2 : i32
      %ge3A_122 = arith.cmpi sge, %add3A_120, %ge3A_121 : i32
      %convert_element_type3A_123 = arith.extui %ge3A_122 : i1 to i32
      %cond3A_124 = arith.constant 0 : i32
      %cond3A_125 = arith.cmpi ne, %convert_element_type3A_123, %cond3A_124 : i32
      scf.if %cond3A_125 {
        %dma_wait3A_146 = arith.constant 0 : i32
        %dma_wait3A_147 = arith.constant 0 : i32
        %dma_wait3A_148 = tpu.memref_slice %arg4[%dma_wait3A_146, %dma_wait3A_147] : memref<16384x768xf32, #tpu.memory_space<hbm>> -> memref<16x768xf32, #tpu.memory_space<hbm>>
        %dma_wait3A_149 = arith.constant 0 : i32
        %dma_wait3A_150 = arith.constant 0 : i32
        %dma_wait3A_151 = tpu.memref_slice %arg4[%dma_wait3A_149, %dma_wait3A_150] : memref<16384x768xf32, #tpu.memory_space<hbm>> -> memref<16x768xf32, #tpu.memory_space<hbm>>
        tpu.wait_dma2 semaphore(%arg15 : memref<!tpu.dma_semaphore, #tpu.memory_space<semaphore_mem>>) src(%arg7 : memref<16x768xf32, #tpu.memory_space<vmem>>) dst(%dma_wait3A_151 : memref<16x768xf32, #tpu.memory_space<hbm>>)
      } else {
      }
      %add3A_126 = arith.constant 2 : i32
      %add3A_127 = arith.addi %add3A_120, %add3A_126 : i32
      %lt3A_128 = arith.constant 32 : i32
      %lt3A_129 = arith.cmpi slt, %add3A_127, %lt3A_128 : i32
      %convert_element_type3A_130 = arith.extui %lt3A_129 : i1 to i32
      %cond3A_131 = arith.constant 0 : i32
      %cond3A_132 = arith.cmpi ne, %convert_element_type3A_130, %cond3A_131 : i32
      scf.if %cond3A_132 {
        %add3A_146 = arith.constant 2 : i32
        %add3A_147 = arith.addi %add3A_120, %add3A_146 : i32
        %mul3A_148 = arith.constant 16 : i32
        %mul3A_149 = arith.muli %add3A_147, %mul3A_148 : i32
        %get3A_150 = arith.index_cast %mul3A_149 : i32 to index
        %get3A_151 = tpu.vector_load %arg5[%get3A_150] {strides = array<i32>} : memref<512xi32, #tpu.memory_space<vmem>>, vector<16xi32>,
        %get3A_152 = vector.shape_cast %get3A_151 : vector<16xi32> to vector<16xi32>
        %dma_start3A_153 = arith.constant 0 : i32
        %dma_start3A_154 = arith.constant 0 : i32
        %dma_start3A_155 = tpu.memref_slice %arg3[%dma_start3A_153, %dma_start3A_154] : memref<30522x768xf32, #tpu.memory_space<hbm>> -> memref<30522x768xf32, #tpu.memory_space<hbm>>
        tpu.enqueue_indirect_dma source(%dma_start3A_155 : memref<30522x768xf32, #tpu.memory_space<hbm>>) target(%arg7 : memref<16x768xf32, #tpu.memory_space<vmem>>) offsets(%get3A_152 : vector<16xi32>) semaphore(%arg11 : memref<!tpu.dma_semaphore, #tpu.memory_space<semaphore_mem>>)
      } else {
      }
      %dma_wait3A_133 = arith.constant 0 : i32
      %dma_wait3A_134 = arith.constant 0 : i32
      %dma_wait3A_135 = tpu.memref_slice %arg3[%dma_wait3A_133, %dma_wait3A_134] : memref<30522x768xf32, #tpu.memory_space<hbm>> -> memref<16x768xf32, #tpu.memory_space<hbm>>
      %dma_wait3A_136 = arith.constant 0 : i32
      %dma_wait3A_137 = arith.constant 0 : i32
      %dma_wait3A_138 = tpu.memref_slice %arg3[%dma_wait3A_136, %dma_wait3A_137] : memref<30522x768xf32, #tpu.memory_space<hbm>> -> memref<16x768xf32, #tpu.memory_space<hbm>>
      tpu.wait_dma2 semaphore(%arg13 : memref<!tpu.dma_semaphore, #tpu.memory_space<semaphore_mem>>) src(%dma_wait3A_138 : memref<16x768xf32, #tpu.memory_space<hbm>>) dst(%arg9 : memref<16x768xf32, #tpu.memory_space<vmem>>)
      %mul3A_139 = arith.constant 512 : i32
      %mul3A_140 = arith.muli %add3A_120, %mul3A_139 : i32
      %add3A_141 = arith.addi %mul3A_140, %mul3A_2 : i32
      %dma_start3A_142 = arith.constant 0 : i32
      %dma_start3A_143 = tpu.memref_slice %arg4[%add3A_141, %dma_start3A_142] : memref<16384x768xf32, #tpu.memory_space<hbm>> -> memref<16x768xf32, #tpu.memory_space<hbm>>
      %dma_start3A_144 = arith.constant 0 : i32
      %dma_start3A_145 = tpu.memref_slice %arg4[%add3A_141, %dma_start3A_144] : memref<16384x768xf32, #tpu.memory_space<hbm>> -> memref<16x768xf32, #tpu.memory_space<hbm>>
      tpu.enqueue_dma source(%arg9 : memref<16x768xf32, #tpu.memory_space<vmem>>) target(%dma_start3A_145 : memref<16x768xf32, #tpu.memory_space<hbm>>) target_semaphore(%arg17 : memref<!tpu.dma_semaphore, #tpu.memory_space<semaphore_mem>>)
    }
    %scan3A_21 = arith.constant 8 : i32
    %dma_wait3A = arith.constant 0 : i32
    %dma_wait3A_22 = arith.constant 0 : i32
    %dma_wait3A_23 = tpu.memref_slice %arg4[%dma_wait3A, %dma_wait3A_22] : memref<16384x768xf32, #tpu.memory_space<hbm>> -> memref<16x768xf32, #tpu.memory_space<hbm>>
    %dma_wait3A_24 = arith.constant 0 : i32
    %dma_wait3A_25 = arith.constant 0 : i32
    %dma_wait3A_26 = tpu.memref_slice %arg4[%dma_wait3A_24, %dma_wait3A_25] : memref<16384x768xf32, #tpu.memory_space<hbm>> -> memref<16x768xf32, #tpu.memory_space<hbm>>
    tpu.wait_dma2 semaphore(%arg16 : memref<!tpu.dma_semaphore, #tpu.memory_space<semaphore_mem>>) src(%arg8 : memref<16x768xf32, #tpu.memory_space<vmem>>) dst(%dma_wait3A_26 : memref<16x768xf32, #tpu.memory_space<hbm>>)
    %dma_wait3A_27 = arith.constant 0 : i32
    %dma_wait3A_28 = arith.constant 0 : i32
    %dma_wait3A_29 = tpu.memref_slice %arg4[%dma_wait3A_27, %dma_wait3A_28] : memref<16384x768xf32, #tpu.memory_space<hbm>> -> memref<16x768xf32, #tpu.memory_space<hbm>>
    %dma_wait3A_30 = arith.constant 0 : i32
    %dma_wait3A_31 = arith.constant 0 : i32
    %dma_wait3A_32 = tpu.memref_slice %arg4[%dma_wait3A_30, %dma_wait3A_31] : memref<16384x768xf32, #tpu.memory_space<hbm>> -> memref<16x768xf32, #tpu.memory_space<hbm>>
    tpu.wait_dma2 semaphore(%arg17 : memref<!tpu.dma_semaphore, #tpu.memory_space<semaphore_mem>>) src(%arg9 : memref<16x768xf32, #tpu.memory_space<vmem>>) dst(%dma_wait3A_32 : memref<16x768xf32, #tpu.memory_space<hbm>>)
    return
  }
}

#map = affine_map<(d0, d1) -> (0)>
#map1 = affine_map<(d0, d1) -> (0, 0)>
module attributes {stable_mosaic.version = 14 : i64} {
  func.func @_sc_gather_body(%arg0: i32, %arg1: i32, %arg2: memref<16384xi32, #tpu.memory_space<hbm>>, %arg3: memref<30522x768xf32, #tpu.memory_space<hbm>>, %arg4: memref<16384x768xf32, #tpu.memory_space<hbm>>, %arg5: memref<512xi32, #tpu.memory_space<vmem>>, %arg6: memref<16x768xf32, #tpu.memory_space<vmem>>, %arg7: memref<16x768xf32, #tpu.memory_space<vmem>>, %arg8: memref<16x768xf32, #tpu.memory_space<vmem>>, %arg9: memref<16x768xf32, #tpu.memory_space<vmem>>, %arg10: memref<!tpu.dma_semaphore, #tpu.memory_space<semaphore_mem>>, %arg11: memref<!tpu.dma_semaphore, #tpu.memory_space<semaphore_mem>>, %arg12: memref<!tpu.dma_semaphore, #tpu.memory_space<semaphore_mem>>, %arg13: memref<!tpu.dma_semaphore, #tpu.memory_space<semaphore_mem>>, %arg14: memref<!tpu.dma_semaphore, #tpu.memory_space<semaphore_mem>>, %arg15: memref<!tpu.dma_semaphore, #tpu.memory_space<semaphore_mem>>, %arg16: memref<!tpu.dma_semaphore, #tpu.memory_space<semaphore_mem>>, %arg17: memref<!tpu.dma_semaphore, #tpu.memory_space<semaphore_mem>>) attributes {dimension_semantics = [#tpu.dimension_semantics<core_parallel>, #tpu.dimension_semantics<subcore_parallel>], iteration_bounds = array<i64: 2, 16>, scalar_prefetch = 0 : i64, scratch_operands = 13 : i64, tpu.core_type = #tpu.core_type<sc_vector_subcore>, window_params = [{transform_indices = #map}, {transform_indices = #map1}, {transform_indices = #map1}]} {
    %mul3A = arith.constant 2 : i32
    %mul3A_0 = arith.muli %arg1, %mul3A : i32
    %add3A = arith.addi %mul3A_0, %arg0 : i32
    %mul3A_1 = arith.constant 16 : i32
    %mul3A_2 = arith.muli %add3A, %mul3A_1 : i32
    %mul3A_3 = arith.constant 32 : i32
    %mul3A_4 = arith.muli %add3A, %mul3A_3 : i32
    %mul3A_5 = arith.constant 16 : i32
    %mul3A_6 = arith.muli %mul3A_4, %mul3A_5 : i32
    "tpu.region"() ({
      %run_scoped3A = tpu.sem_alloc : memref<!tpu.dma_semaphore, #tpu.memory_space<semaphore_mem>>
      %dma_start3A_33 = tpu.memref_slice %arg2[%mul3A_6] : memref<16384xi32, #tpu.memory_space<hbm>> -> memref<512xi32, #tpu.memory_space<hbm>>
      %dma_start3A_34 = tpu.memref_slice %arg2[%mul3A_6] : memref<16384xi32, #tpu.memory_space<hbm>> -> memref<512xi32, #tpu.memory_space<hbm>>
      tpu.enqueue_dma source(%dma_start3A_34 : memref<512xi32, #tpu.memory_space<hbm>>) target(%arg5 : memref<512xi32, #tpu.memory_space<vmem>>) target_semaphore(%run_scoped3A : memref<!tpu.dma_semaphore, #tpu.memory_space<semaphore_mem>>)
      %dma_wait3A_35 = tpu.memref_slice %arg2[%mul3A_6] : memref<16384xi32, #tpu.memory_space<hbm>> -> memref<512xi32, #tpu.memory_space<hbm>>
      %dma_wait3A_36 = tpu.memref_slice %arg2[%mul3A_6] : memref<16384xi32, #tpu.memory_space<hbm>> -> memref<512xi32, #tpu.memory_space<hbm>>
      tpu.wait_dma2 semaphore(%run_scoped3A : memref<!tpu.dma_semaphore, #tpu.memory_space<semaphore_mem>>) src(%dma_wait3A_36 : memref<512xi32, #tpu.memory_space<hbm>>) dst(%arg5 : memref<512xi32, #tpu.memory_space<vmem>>)
      tpu.yield
    }) : () -> ()
    %get3A = arith.constant 0 : index
    %get3A_7 = tpu.vector_load %arg5[%get3A] {strides = array<i32>} : memref<512xi32, #tpu.memory_space<vmem>>, vector<16xi32>,
    %get3A_8 = vector.shape_cast %get3A_7 : vector<16xi32> to vector<16xi32>
    %dma_start3A = arith.constant 0 : i32
    %dma_start3A_9 = arith.constant 0 : i32
    %dma_start3A_10 = tpu.memref_slice %arg3[%dma_start3A, %dma_start3A_9] : memref<30522x768xf32, #tpu.memory_space<hbm>> -> memref<30522x768xf32, #tpu.memory_space<hbm>>
    tpu.enqueue_indirect_dma source(%dma_start3A_10 : memref<30522x768xf32, #tpu.memory_space<hbm>>) target(%arg6 : memref<16x768xf32, #tpu.memory_space<vmem>>) offsets(%get3A_8 : vector<16xi32>) semaphore(%arg10 : memref<!tpu.dma_semaphore, #tpu.memory_space<semaphore_mem>>)
    %get3A_11 = arith.constant 16 : index
    %get3A_12 = tpu.vector_load %arg5[%get3A_11] {strides = array<i32>} : memref<512xi32, #tpu.memory_space<vmem>>, vector<16xi32>,
    %get3A_13 = vector.shape_cast %get3A_12 : vector<16xi32> to vector<16xi32>
    %dma_start3A_14 = arith.constant 0 : i32
    %dma_start3A_15 = arith.constant 0 : i32
    %dma_start3A_16 = tpu.memref_slice %arg3[%dma_start3A_14, %dma_start3A_15] : memref<30522x768xf32, #tpu.memory_space<hbm>> -> memref<30522x768xf32, #tpu.memory_space<hbm>>
    tpu.enqueue_indirect_dma source(%dma_start3A_16 : memref<30522x768xf32, #tpu.memory_space<hbm>>) target(%arg7 : memref<16x768xf32, #tpu.memory_space<vmem>>) offsets(%get3A_13 : vector<16xi32>) semaphore(%arg11 : memref<!tpu.dma_semaphore, #tpu.memory_space<semaphore_mem>>)
    %scan3A = arith.constant 0 : i32
    %scan3A_17 = arith.constant 0 : i32
    %scan3A_18 = arith.constant 8 : i32
    %scan3A_19 = arith.addi %scan3A_17, %scan3A_18 : i32
    %scan3A_20 = arith.constant 1 : i32
    scf.for %scan3A_33 = %scan3A_17 to %scan3A_19 step %scan3A_20  : i32 {
      %mul3A_34 = arith.constant 4 : i32
      %mul3A_35 = arith.muli %scan3A_33, %mul3A_34 : i32
      %add3A_36 = arith.constant 0 : i32
      %add3A_37 = arith.addi %mul3A_35, %add3A_36 : i32
      %ge3A = arith.constant 2 : i32
      %ge3A_38 = arith.cmpi sge, %add3A_37, %ge3A : i32
      %convert_element_type3A = arith.extui %ge3A_38 : i1 to i32
      %cond3A = arith.constant 0 : i32
      %cond3A_39 = arith.cmpi ne, %convert_element_type3A, %cond3A : i32
      scf.if %cond3A_39 {
        %dma_wait3A_146 = arith.constant 0 : i32
        %dma_wait3A_147 = arith.constant 0 : i32
        %dma_wait3A_148 = tpu.memref_slice %arg4[%dma_wait3A_146, %dma_wait3A_147] : memref<16384x768xf32, #tpu.memory_space<hbm>> -> memref<16x768xf32, #tpu.memory_space<hbm>>
        %dma_wait3A_149 = arith.constant 0 : i32
        %dma_wait3A_150 = arith.constant 0 : i32
        %dma_wait3A_151 = tpu.memref_slice %arg4[%dma_wait3A_149, %dma_wait3A_150] : memref<16384x768xf32, #tpu.memory_space<hbm>> -> memref<16x768xf32, #tpu.memory_space<hbm>>
        tpu.wait_dma2 semaphore(%arg16 : memref<!tpu.dma_semaphore, #tpu.memory_space<semaphore_mem>>) src(%arg8 : memref<16x768xf32, #tpu.memory_space<vmem>>) dst(%dma_wait3A_151 : memref<16x768xf32, #tpu.memory_space<hbm>>)
      } else {
      }
      %add3A_40 = arith.constant 2 : i32
      %add3A_41 = arith.addi %add3A_37, %add3A_40 : i32
      %lt3A = arith.constant 32 : i32
      %lt3A_42 = arith.cmpi slt, %add3A_41, %lt3A : i32
      %convert_element_type3A_43 = arith.extui %lt3A_42 : i1 to i32
      %cond3A_44 = arith.constant 0 : i32
      %cond3A_45 = arith.cmpi ne, %convert_element_type3A_43, %cond3A_44 : i32
      scf.if %cond3A_45 {
        %add3A_146 = arith.constant 2 : i32
        %add3A_147 = arith.addi %add3A_37, %add3A_146 : i32
        %mul3A_148 = arith.constant 16 : i32
        %mul3A_149 = arith.muli %add3A_147, %mul3A_148 : i32
        %get3A_150 = arith.index_cast %mul3A_149 : i32 to index
        %get3A_151 = tpu.vector_load %arg5[%get3A_150] {strides = array<i32>} : memref<512xi32, #tpu.memory_space<vmem>>, vector<16xi32>,
        %get3A_152 = vector.shape_cast %get3A_151 : vector<16xi32> to vector<16xi32>
        %dma_start3A_153 = arith.constant 0 : i32
        %dma_start3A_154 = arith.constant 0 : i32
        %dma_start3A_155 = tpu.memref_slice %arg3[%dma_start3A_153, %dma_start3A_154] : memref<30522x768xf32, #tpu.memory_space<hbm>> -> memref<30522x768xf32, #tpu.memory_space<hbm>>
        tpu.enqueue_indirect_dma source(%dma_start3A_155 : memref<30522x768xf32, #tpu.memory_space<hbm>>) target(%arg8 : memref<16x768xf32, #tpu.memory_space<vmem>>) offsets(%get3A_152 : vector<16xi32>) semaphore(%arg12 : memref<!tpu.dma_semaphore, #tpu.memory_space<semaphore_mem>>)
      } else {
      }
      %dma_wait3A_46 = arith.constant 0 : i32
      %dma_wait3A_47 = arith.constant 0 : i32
      %dma_wait3A_48 = tpu.memref_slice %arg3[%dma_wait3A_46, %dma_wait3A_47] : memref<30522x768xf32, #tpu.memory_space<hbm>> -> memref<16x768xf32, #tpu.memory_space<hbm>>
      %dma_wait3A_49 = arith.constant 0 : i32
      %dma_wait3A_50 = arith.constant 0 : i32
      %dma_wait3A_51 = tpu.memref_slice %arg3[%dma_wait3A_49, %dma_wait3A_50] : memref<30522x768xf32, #tpu.memory_space<hbm>> -> memref<16x768xf32, #tpu.memory_space<hbm>>
      tpu.wait_dma2 semaphore(%arg10 : memref<!tpu.dma_semaphore, #tpu.memory_space<semaphore_mem>>) src(%dma_wait3A_51 : memref<16x768xf32, #tpu.memory_space<hbm>>) dst(%arg6 : memref<16x768xf32, #tpu.memory_space<vmem>>)
      %mul3A_52 = arith.constant 512 : i32
      %mul3A_53 = arith.muli %add3A_37, %mul3A_52 : i32
      %add3A_54 = arith.addi %mul3A_53, %mul3A_2 : i32
      %dma_start3A_55 = arith.constant 0 : i32
      %dma_start3A_56 = tpu.memref_slice %arg4[%add3A_54, %dma_start3A_55] : memref<16384x768xf32, #tpu.memory_space<hbm>> -> memref<16x768xf32, #tpu.memory_space<hbm>>
      %dma_start3A_57 = arith.constant 0 : i32
      %dma_start3A_58 = tpu.memref_slice %arg4[%add3A_54, %dma_start3A_57] : memref<16384x768xf32, #tpu.memory_space<hbm>> -> memref<16x768xf32, #tpu.memory_space<hbm>>
      tpu.enqueue_dma source(%arg6 : memref<16x768xf32, #tpu.memory_space<vmem>>) target(%dma_start3A_58 : memref<16x768xf32, #tpu.memory_space<hbm>>) target_semaphore(%arg14 : memref<!tpu.dma_semaphore, #tpu.memory_space<semaphore_mem>>)
      %mul3A_59 = arith.constant 4 : i32
      %mul3A_60 = arith.muli %scan3A_33, %mul3A_59 : i32
      %add3A_61 = arith.constant 1 : i32
      %add3A_62 = arith.addi %mul3A_60, %add3A_61 : i32
      %ge3A_63 = arith.constant 2 : i32
      %ge3A_64 = arith.cmpi sge, %add3A_62, %ge3A_63 : i32
      %convert_element_type3A_65 = arith.extui %ge3A_64 : i1 to i32
      %cond3A_66 = arith.constant 0 : i32
      %cond3A_67 = arith.cmpi ne, %convert_element_type3A_65, %cond3A_66 : i32
      scf.if %cond3A_67 {
        %dma_wait3A_146 = arith.constant 0 : i32
        %dma_wait3A_147 = arith.constant 0 : i32
        %dma_wait3A_148 = tpu.memref_slice %arg4[%dma_wait3A_146, %dma_wait3A_147] : memref<16384x768xf32, #tpu.memory_space<hbm>> -> memref<16x768xf32, #tpu.memory_space<hbm>>
        %dma_wait3A_149 = arith.constant 0 : i32
        %dma_wait3A_150 = arith.constant 0 : i32
        %dma_wait3A_151 = tpu.memref_slice %arg4[%dma_wait3A_149, %dma_wait3A_150] : memref<16384x768xf32, #tpu.memory_space<hbm>> -> memref<16x768xf32, #tpu.memory_space<hbm>>
        tpu.wait_dma2 semaphore(%arg17 : memref<!tpu.dma_semaphore, #tpu.memory_space<semaphore_mem>>) src(%arg9 : memref<16x768xf32, #tpu.memory_space<vmem>>) dst(%dma_wait3A_151 : memref<16x768xf32, #tpu.memory_space<hbm>>)
      } else {
      }
      %add3A_68 = arith.constant 2 : i32
      %add3A_69 = arith.addi %add3A_62, %add3A_68 : i32
      %lt3A_70 = arith.constant 32 : i32
      %lt3A_71 = arith.cmpi slt, %add3A_69, %lt3A_70 : i32
      %convert_element_type3A_72 = arith.extui %lt3A_71 : i1 to i32
      %cond3A_73 = arith.constant 0 : i32
      %cond3A_74 = arith.cmpi ne, %convert_element_type3A_72, %cond3A_73 : i32
      scf.if %cond3A_74 {
        %add3A_146 = arith.constant 2 : i32
        %add3A_147 = arith.addi %add3A_62, %add3A_146 : i32
        %mul3A_148 = arith.constant 16 : i32
        %mul3A_149 = arith.muli %add3A_147, %mul3A_148 : i32
        %get3A_150 = arith.index_cast %mul3A_149 : i32 to index
        %get3A_151 = tpu.vector_load %arg5[%get3A_150] {strides = array<i32>} : memref<512xi32, #tpu.memory_space<vmem>>, vector<16xi32>,
        %get3A_152 = vector.shape_cast %get3A_151 : vector<16xi32> to vector<16xi32>
        %dma_start3A_153 = arith.constant 0 : i32
        %dma_start3A_154 = arith.constant 0 : i32
        %dma_start3A_155 = tpu.memref_slice %arg3[%dma_start3A_153, %dma_start3A_154] : memref<30522x768xf32, #tpu.memory_space<hbm>> -> memref<30522x768xf32, #tpu.memory_space<hbm>>
        tpu.enqueue_indirect_dma source(%dma_start3A_155 : memref<30522x768xf32, #tpu.memory_space<hbm>>) target(%arg9 : memref<16x768xf32, #tpu.memory_space<vmem>>) offsets(%get3A_152 : vector<16xi32>) semaphore(%arg13 : memref<!tpu.dma_semaphore, #tpu.memory_space<semaphore_mem>>)
      } else {
      }
      %dma_wait3A_75 = arith.constant 0 : i32
      %dma_wait3A_76 = arith.constant 0 : i32
      %dma_wait3A_77 = tpu.memref_slice %arg3[%dma_wait3A_75, %dma_wait3A_76] : memref<30522x768xf32, #tpu.memory_space<hbm>> -> memref<16x768xf32, #tpu.memory_space<hbm>>
      %dma_wait3A_78 = arith.constant 0 : i32
      %dma_wait3A_79 = arith.constant 0 : i32
      %dma_wait3A_80 = tpu.memref_slice %arg3[%dma_wait3A_78, %dma_wait3A_79] : memref<30522x768xf32, #tpu.memory_space<hbm>> -> memref<16x768xf32, #tpu.memory_space<hbm>>
      tpu.wait_dma2 semaphore(%arg11 : memref<!tpu.dma_semaphore, #tpu.memory_space<semaphore_mem>>) src(%dma_wait3A_80 : memref<16x768xf32, #tpu.memory_space<hbm>>) dst(%arg7 : memref<16x768xf32, #tpu.memory_space<vmem>>)
      %mul3A_81 = arith.constant 512 : i32
      %mul3A_82 = arith.muli %add3A_62, %mul3A_81 : i32
      %add3A_83 = arith.addi %mul3A_82, %mul3A_2 : i32
      %dma_start3A_84 = arith.constant 0 : i32
      %dma_start3A_85 = tpu.memref_slice %arg4[%add3A_83, %dma_start3A_84] : memref<16384x768xf32, #tpu.memory_space<hbm>> -> memref<16x768xf32, #tpu.memory_space<hbm>>
      %dma_start3A_86 = arith.constant 0 : i32
      %dma_start3A_87 = tpu.memref_slice %arg4[%add3A_83, %dma_start3A_86] : memref<16384x768xf32, #tpu.memory_space<hbm>> -> memref<16x768xf32, #tpu.memory_space<hbm>>
      tpu.enqueue_dma source(%arg7 : memref<16x768xf32, #tpu.memory_space<vmem>>) target(%dma_start3A_87 : memref<16x768xf32, #tpu.memory_space<hbm>>) target_semaphore(%arg15 : memref<!tpu.dma_semaphore, #tpu.memory_space<semaphore_mem>>)
      %mul3A_88 = arith.constant 4 : i32
      %mul3A_89 = arith.muli %scan3A_33, %mul3A_88 : i32
      %add3A_90 = arith.constant 2 : i32
      %add3A_91 = arith.addi %mul3A_89, %add3A_90 : i32
      %ge3A_92 = arith.constant 2 : i32
      %ge3A_93 = arith.cmpi sge, %add3A_91, %ge3A_92 : i32
      %convert_element_type3A_94 = arith.extui %ge3A_93 : i1 to i32
      %cond3A_95 = arith.constant 0 : i32
      %cond3A_96 = arith.cmpi ne, %convert_element_type3A_94, %cond3A_95 : i32
      scf.if %cond3A_96 {
        %dma_wait3A_146 = arith.constant 0 : i32
        %dma_wait3A_147 = arith.constant 0 : i32
        %dma_wait3A_148 = tpu.memref_slice %arg4[%dma_wait3A_146, %dma_wait3A_147] : memref<16384x768xf32, #tpu.memory_space<hbm>> -> memref<16x768xf32, #tpu.memory_space<hbm>>
        %dma_wait3A_149 = arith.constant 0 : i32
        %dma_wait3A_150 = arith.constant 0 : i32
        %dma_wait3A_151 = tpu.memref_slice %arg4[%dma_wait3A_149, %dma_wait3A_150] : memref<16384x768xf32, #tpu.memory_space<hbm>> -> memref<16x768xf32, #tpu.memory_space<hbm>>
        tpu.wait_dma2 semaphore(%arg14 : memref<!tpu.dma_semaphore, #tpu.memory_space<semaphore_mem>>) src(%arg6 : memref<16x768xf32, #tpu.memory_space<vmem>>) dst(%dma_wait3A_151 : memref<16x768xf32, #tpu.memory_space<hbm>>)
      } else {
      }
      %add3A_97 = arith.constant 2 : i32
      %add3A_98 = arith.addi %add3A_91, %add3A_97 : i32
      %lt3A_99 = arith.constant 32 : i32
      %lt3A_100 = arith.cmpi slt, %add3A_98, %lt3A_99 : i32
      %convert_element_type3A_101 = arith.extui %lt3A_100 : i1 to i32
      %cond3A_102 = arith.constant 0 : i32
      %cond3A_103 = arith.cmpi ne, %convert_element_type3A_101, %cond3A_102 : i32
      scf.if %cond3A_103 {
        %add3A_146 = arith.constant 2 : i32
        %add3A_147 = arith.addi %add3A_91, %add3A_146 : i32
        %mul3A_148 = arith.constant 16 : i32
        %mul3A_149 = arith.muli %add3A_147, %mul3A_148 : i32
        %get3A_150 = arith.index_cast %mul3A_149 : i32 to index
        %get3A_151 = tpu.vector_load %arg5[%get3A_150] {strides = array<i32>} : memref<512xi32, #tpu.memory_space<vmem>>, vector<16xi32>,
        %get3A_152 = vector.shape_cast %get3A_151 : vector<16xi32> to vector<16xi32>
        %dma_start3A_153 = arith.constant 0 : i32
        %dma_start3A_154 = arith.constant 0 : i32
        %dma_start3A_155 = tpu.memref_slice %arg3[%dma_start3A_153, %dma_start3A_154] : memref<30522x768xf32, #tpu.memory_space<hbm>> -> memref<30522x768xf32, #tpu.memory_space<hbm>>
        tpu.enqueue_indirect_dma source(%dma_start3A_155 : memref<30522x768xf32, #tpu.memory_space<hbm>>) target(%arg6 : memref<16x768xf32, #tpu.memory_space<vmem>>) offsets(%get3A_152 : vector<16xi32>) semaphore(%arg10 : memref<!tpu.dma_semaphore, #tpu.memory_space<semaphore_mem>>)
      } else {
      }
      %dma_wait3A_104 = arith.constant 0 : i32
      %dma_wait3A_105 = arith.constant 0 : i32
      %dma_wait3A_106 = tpu.memref_slice %arg3[%dma_wait3A_104, %dma_wait3A_105] : memref<30522x768xf32, #tpu.memory_space<hbm>> -> memref<16x768xf32, #tpu.memory_space<hbm>>
      %dma_wait3A_107 = arith.constant 0 : i32
      %dma_wait3A_108 = arith.constant 0 : i32
      %dma_wait3A_109 = tpu.memref_slice %arg3[%dma_wait3A_107, %dma_wait3A_108] : memref<30522x768xf32, #tpu.memory_space<hbm>> -> memref<16x768xf32, #tpu.memory_space<hbm>>
      tpu.wait_dma2 semaphore(%arg12 : memref<!tpu.dma_semaphore, #tpu.memory_space<semaphore_mem>>) src(%dma_wait3A_109 : memref<16x768xf32, #tpu.memory_space<hbm>>) dst(%arg8 : memref<16x768xf32, #tpu.memory_space<vmem>>)
      %mul3A_110 = arith.constant 512 : i32
      %mul3A_111 = arith.muli %add3A_91, %mul3A_110 : i32
      %add3A_112 = arith.addi %mul3A_111, %mul3A_2 : i32
      %dma_start3A_113 = arith.constant 0 : i32
      %dma_start3A_114 = tpu.memref_slice %arg4[%add3A_112, %dma_start3A_113] : memref<16384x768xf32, #tpu.memory_space<hbm>> -> memref<16x768xf32, #tpu.memory_space<hbm>>
      %dma_start3A_115 = arith.constant 0 : i32
      %dma_start3A_116 = tpu.memref_slice %arg4[%add3A_112, %dma_start3A_115] : memref<16384x768xf32, #tpu.memory_space<hbm>> -> memref<16x768xf32, #tpu.memory_space<hbm>>
      tpu.enqueue_dma source(%arg8 : memref<16x768xf32, #tpu.memory_space<vmem>>) target(%dma_start3A_116 : memref<16x768xf32, #tpu.memory_space<hbm>>) target_semaphore(%arg16 : memref<!tpu.dma_semaphore, #tpu.memory_space<semaphore_mem>>)
      %mul3A_117 = arith.constant 4 : i32
      %mul3A_118 = arith.muli %scan3A_33, %mul3A_117 : i32
      %add3A_119 = arith.constant 3 : i32
      %add3A_120 = arith.addi %mul3A_118, %add3A_119 : i32
      %ge3A_121 = arith.constant 2 : i32
      %ge3A_122 = arith.cmpi sge, %add3A_120, %ge3A_121 : i32
      %convert_element_type3A_123 = arith.extui %ge3A_122 : i1 to i32
      %cond3A_124 = arith.constant 0 : i32
      %cond3A_125 = arith.cmpi ne, %convert_element_type3A_123, %cond3A_124 : i32
      scf.if %cond3A_125 {
        %dma_wait3A_146 = arith.constant 0 : i32
        %dma_wait3A_147 = arith.constant 0 : i32
        %dma_wait3A_148 = tpu.memref_slice %arg4[%dma_wait3A_146, %dma_wait3A_147] : memref<16384x768xf32, #tpu.memory_space<hbm>> -> memref<16x768xf32, #tpu.memory_space<hbm>>
        %dma_wait3A_149 = arith.constant 0 : i32
        %dma_wait3A_150 = arith.constant 0 : i32
        %dma_wait3A_151 = tpu.memref_slice %arg4[%dma_wait3A_149, %dma_wait3A_150] : memref<16384x768xf32, #tpu.memory_space<hbm>> -> memref<16x768xf32, #tpu.memory_space<hbm>>
        tpu.wait_dma2 semaphore(%arg15 : memref<!tpu.dma_semaphore, #tpu.memory_space<semaphore_mem>>) src(%arg7 : memref<16x768xf32, #tpu.memory_space<vmem>>) dst(%dma_wait3A_151 : memref<16x768xf32, #tpu.memory_space<hbm>>)
      } else {
      }
      %add3A_126 = arith.constant 2 : i32
      %add3A_127 = arith.addi %add3A_120, %add3A_126 : i32
      %lt3A_128 = arith.constant 32 : i32
      %lt3A_129 = arith.cmpi slt, %add3A_127, %lt3A_128 : i32
      %convert_element_type3A_130 = arith.extui %lt3A_129 : i1 to i32
      %cond3A_131 = arith.constant 0 : i32
      %cond3A_132 = arith.cmpi ne, %convert_element_type3A_130, %cond3A_131 : i32
      scf.if %cond3A_132 {
        %add3A_146 = arith.constant 2 : i32
        %add3A_147 = arith.addi %add3A_120, %add3A_146 : i32
        %mul3A_148 = arith.constant 16 : i32
        %mul3A_149 = arith.muli %add3A_147, %mul3A_148 : i32
        %get3A_150 = arith.index_cast %mul3A_149 : i32 to index
        %get3A_151 = tpu.vector_load %arg5[%get3A_150] {strides = array<i32>} : memref<512xi32, #tpu.memory_space<vmem>>, vector<16xi32>,
        %get3A_152 = vector.shape_cast %get3A_151 : vector<16xi32> to vector<16xi32>
        %dma_start3A_153 = arith.constant 0 : i32
        %dma_start3A_154 = arith.constant 0 : i32
        %dma_start3A_155 = tpu.memref_slice %arg3[%dma_start3A_153, %dma_start3A_154] : memref<30522x768xf32, #tpu.memory_space<hbm>> -> memref<30522x768xf32, #tpu.memory_space<hbm>>
        tpu.enqueue_indirect_dma source(%dma_start3A_155 : memref<30522x768xf32, #tpu.memory_space<hbm>>) target(%arg7 : memref<16x768xf32, #tpu.memory_space<vmem>>) offsets(%get3A_152 : vector<16xi32>) semaphore(%arg11 : memref<!tpu.dma_semaphore, #tpu.memory_space<semaphore_mem>>)
      } else {
      }
      %dma_wait3A_133 = arith.constant 0 : i32
      %dma_wait3A_134 = arith.constant 0 : i32
      %dma_wait3A_135 = tpu.memref_slice %arg3[%dma_wait3A_133, %dma_wait3A_134] : memref<30522x768xf32, #tpu.memory_space<hbm>> -> memref<16x768xf32, #tpu.memory_space<hbm>>
      %dma_wait3A_136 = arith.constant 0 : i32
      %dma_wait3A_137 = arith.constant 0 : i32
      %dma_wait3A_138 = tpu.memref_slice %arg3[%dma_wait3A_136, %dma_wait3A_137] : memref<30522x768xf32, #tpu.memory_space<hbm>> -> memref<16x768xf32, #tpu.memory_space<hbm>>
      tpu.wait_dma2 semaphore(%arg13 : memref<!tpu.dma_semaphore, #tpu.memory_space<semaphore_mem>>) src(%dma_wait3A_138 : memref<16x768xf32, #tpu.memory_space<hbm>>) dst(%arg9 : memref<16x768xf32, #tpu.memory_space<vmem>>)
      %mul3A_139 = arith.constant 512 : i32
      %mul3A_140 = arith.muli %add3A_120, %mul3A_139 : i32
      %add3A_141 = arith.addi %mul3A_140, %mul3A_2 : i32
      %dma_start3A_142 = arith.constant 0 : i32
      %dma_start3A_143 = tpu.memref_slice %arg4[%add3A_141, %dma_start3A_142] : memref<16384x768xf32, #tpu.memory_space<hbm>> -> memref<16x768xf32, #tpu.memory_space<hbm>>
      %dma_start3A_144 = arith.constant 0 : i32
      %dma_start3A_145 = tpu.memref_slice %arg4[%add3A_141, %dma_start3A_144] : memref<16384x768xf32, #tpu.memory_space<hbm>> -> memref<16x768xf32, #tpu.memory_space<hbm>>
      tpu.enqueue_dma source(%arg9 : memref<16x768xf32, #tpu.memory_space<vmem>>) target(%dma_start3A_145 : memref<16x768xf32, #tpu.memory_space<hbm>>) target_semaphore(%arg17 : memref<!tpu.dma_semaphore, #tpu.memory_space<semaphore_mem>>)
    }
    %scan3A_21 = arith.constant 8 : i32
    %dma_wait3A = arith.constant 0 : i32
    %dma_wait3A_22 = arith.constant 0 : i32
    %dma_wait3A_23 = tpu.memref_slice %arg4[%dma_wait3A, %dma_wait3A_22] : memref<16384x768xf32, #tpu.memory_space<hbm>> -> memref<16x768xf32, #tpu.memory_space<hbm>>
    %dma_wait3A_24 = arith.constant 0 : i32
    %dma_wait3A_25 = arith.constant 0 : i32
    %dma_wait3A_26 = tpu.memref_slice %arg4[%dma_wait3A_24, %dma_wait3A_25] : memref<16384x768xf32, #tpu.memory_space<hbm>> -> memref<16x768xf32, #tpu.memory_space<hbm>>
    tpu.wait_dma2 semaphore(%arg16 : memref<!tpu.dma_semaphore, #tpu.memory_space<semaphore_mem>>) src(%arg8 : memref<16x768xf32, #tpu.memory_space<vmem>>) dst(%dma_wait3A_26 : memref<16x768xf32, #tpu.memory_space<hbm>>)
    %dma_wait3A_27 = arith.constant 0 : i32
    %dma_wait3A_28 = arith.constant 0 : i32
    %dma_wait3A_29 = tpu.memref_slice %arg4[%dma_wait3A_27, %dma_wait3A_28] : memref<16384x768xf32, #tpu.memory_space<hbm>> -> memref<16x768xf32, #tpu.memory_space<hbm>>
    %dma_wait3A_30 = arith.constant 0 : i32
    %dma_wait3A_31 = arith.constant 0 : i32
    %dma_wait3A_32 = tpu.memref_slice %arg4[%dma_wait3A_30, %dma_wait3A_31] : memref<16384x768xf32, #tpu.memory_space<hbm>> -> memref<16x768xf32, #tpu.memory_space<hbm>>
    tpu.wait_dma2 semaphore(%arg17 : memref<!tpu.dma_semaphore, #tpu.memory_space<semaphore_mem>>) src(%arg9 : memref<16x768xf32, #tpu.memory_space<vmem>>) dst(%dma_wait3A_32 : memref<16x768xf32, #tpu.memory_space<hbm>>)
    return
  }
}

#map = affine_map<(d0, d1) -> (0)>
#map1 = affine_map<(d0, d1) -> (0, 0)>
module attributes {stable_mosaic.version = 14 : i64} {
  func.func @_sc_gather_body(%arg0: i32, %arg1: i32, %arg2: memref<16384xi32, #tpu.memory_space<hbm>>, %arg3: memref<30522x768xf32, #tpu.memory_space<hbm>>, %arg4: memref<16384x768xf32, #tpu.memory_space<hbm>>, %arg5: memref<512xi32, #tpu.memory_space<vmem>>, %arg6: memref<16x768xf32, #tpu.memory_space<vmem>>, %arg7: memref<16x768xf32, #tpu.memory_space<vmem>>, %arg8: memref<16x768xf32, #tpu.memory_space<vmem>>, %arg9: memref<16x768xf32, #tpu.memory_space<vmem>>, %arg10: memref<!tpu.dma_semaphore, #tpu.memory_space<semaphore_mem>>, %arg11: memref<!tpu.dma_semaphore, #tpu.memory_space<semaphore_mem>>, %arg12: memref<!tpu.dma_semaphore, #tpu.memory_space<semaphore_mem>>, %arg13: memref<!tpu.dma_semaphore, #tpu.memory_space<semaphore_mem>>, %arg14: memref<!tpu.dma_semaphore, #tpu.memory_space<semaphore_mem>>, %arg15: memref<!tpu.dma_semaphore, #tpu.memory_space<semaphore_mem>>, %arg16: memref<!tpu.dma_semaphore, #tpu.memory_space<semaphore_mem>>, %arg17: memref<!tpu.dma_semaphore, #tpu.memory_space<semaphore_mem>>) attributes {dimension_semantics = [#tpu.dimension_semantics<core_parallel>, #tpu.dimension_semantics<subcore_parallel>], iteration_bounds = array<i64: 2, 16>, scalar_prefetch = 0 : i64, scratch_operands = 13 : i64, tpu.core_type = #tpu.core_type<sc_vector_subcore>, window_params = [{transform_indices = #map}, {transform_indices = #map1}, {transform_indices = #map1}]} {
    %mul3A = arith.constant 2 : i32
    %mul3A_0 = arith.muli %arg1, %mul3A : i32
    %add3A = arith.addi %mul3A_0, %arg0 : i32
    %mul3A_1 = arith.constant 16 : i32
    %mul3A_2 = arith.muli %add3A, %mul3A_1 : i32
    %mul3A_3 = arith.constant 32 : i32
    %mul3A_4 = arith.muli %add3A, %mul3A_3 : i32
    %mul3A_5 = arith.constant 16 : i32
    %mul3A_6 = arith.muli %mul3A_4, %mul3A_5 : i32
    "tpu.region"() ({
      %run_scoped3A = tpu.sem_alloc : memref<!tpu.dma_semaphore, #tpu.memory_space<semaphore_mem>>
      %dma_start3A_33 = tpu.memref_slice %arg2[%mul3A_6] : memref<16384xi32, #tpu.memory_space<hbm>> -> memref<512xi32, #tpu.memory_space<hbm>>
      %dma_start3A_34 = tpu.memref_slice %arg2[%mul3A_6] : memref<16384xi32, #tpu.memory_space<hbm>> -> memref<512xi32, #tpu.memory_space<hbm>>
      tpu.enqueue_dma source(%dma_start3A_34 : memref<512xi32, #tpu.memory_space<hbm>>) target(%arg5 : memref<512xi32, #tpu.memory_space<vmem>>) target_semaphore(%run_scoped3A : memref<!tpu.dma_semaphore, #tpu.memory_space<semaphore_mem>>)
      %dma_wait3A_35 = tpu.memref_slice %arg2[%mul3A_6] : memref<16384xi32, #tpu.memory_space<hbm>> -> memref<512xi32, #tpu.memory_space<hbm>>
      %dma_wait3A_36 = tpu.memref_slice %arg2[%mul3A_6] : memref<16384xi32, #tpu.memory_space<hbm>> -> memref<512xi32, #tpu.memory_space<hbm>>
      tpu.wait_dma2 semaphore(%run_scoped3A : memref<!tpu.dma_semaphore, #tpu.memory_space<semaphore_mem>>) src(%dma_wait3A_36 : memref<512xi32, #tpu.memory_space<hbm>>) dst(%arg5 : memref<512xi32, #tpu.memory_space<vmem>>)
      tpu.yield
    }) : () -> ()
    %get3A = arith.constant 0 : index
    %get3A_7 = tpu.vector_load %arg5[%get3A] {strides = array<i32>} : memref<512xi32, #tpu.memory_space<vmem>>, vector<16xi32>,
    %get3A_8 = vector.shape_cast %get3A_7 : vector<16xi32> to vector<16xi32>
    %dma_start3A = arith.constant 0 : i32
    %dma_start3A_9 = arith.constant 0 : i32
    %dma_start3A_10 = tpu.memref_slice %arg3[%dma_start3A, %dma_start3A_9] : memref<30522x768xf32, #tpu.memory_space<hbm>> -> memref<30522x768xf32, #tpu.memory_space<hbm>>
    tpu.enqueue_indirect_dma source(%dma_start3A_10 : memref<30522x768xf32, #tpu.memory_space<hbm>>) target(%arg6 : memref<16x768xf32, #tpu.memory_space<vmem>>) offsets(%get3A_8 : vector<16xi32>) semaphore(%arg10 : memref<!tpu.dma_semaphore, #tpu.memory_space<semaphore_mem>>)
    %get3A_11 = arith.constant 16 : index
    %get3A_12 = tpu.vector_load %arg5[%get3A_11] {strides = array<i32>} : memref<512xi32, #tpu.memory_space<vmem>>, vector<16xi32>,
    %get3A_13 = vector.shape_cast %get3A_12 : vector<16xi32> to vector<16xi32>
    %dma_start3A_14 = arith.constant 0 : i32
    %dma_start3A_15 = arith.constant 0 : i32
    %dma_start3A_16 = tpu.memref_slice %arg3[%dma_start3A_14, %dma_start3A_15] : memref<30522x768xf32, #tpu.memory_space<hbm>> -> memref<30522x768xf32, #tpu.memory_space<hbm>>
    tpu.enqueue_indirect_dma source(%dma_start3A_16 : memref<30522x768xf32, #tpu.memory_space<hbm>>) target(%arg7 : memref<16x768xf32, #tpu.memory_space<vmem>>) offsets(%get3A_13 : vector<16xi32>) semaphore(%arg11 : memref<!tpu.dma_semaphore, #tpu.memory_space<semaphore_mem>>)
    %scan3A = arith.constant 0 : i32
    %scan3A_17 = arith.constant 0 : i32
    %scan3A_18 = arith.constant 8 : i32
    %scan3A_19 = arith.addi %scan3A_17, %scan3A_18 : i32
    %scan3A_20 = arith.constant 1 : i32
    scf.for %scan3A_33 = %scan3A_17 to %scan3A_19 step %scan3A_20  : i32 {
      %mul3A_34 = arith.constant 4 : i32
      %mul3A_35 = arith.muli %scan3A_33, %mul3A_34 : i32
      %add3A_36 = arith.constant 0 : i32
      %add3A_37 = arith.addi %mul3A_35, %add3A_36 : i32
      %ge3A = arith.constant 2 : i32
      %ge3A_38 = arith.cmpi sge, %add3A_37, %ge3A : i32
      %convert_element_type3A = arith.extui %ge3A_38 : i1 to i32
      %cond3A = arith.constant 0 : i32
      %cond3A_39 = arith.cmpi ne, %convert_element_type3A, %cond3A : i32
      scf.if %cond3A_39 {
        %dma_wait3A_146 = arith.constant 0 : i32
        %dma_wait3A_147 = arith.constant 0 : i32
        %dma_wait3A_148 = tpu.memref_slice %arg4[%dma_wait3A_146, %dma_wait3A_147] : memref<16384x768xf32, #tpu.memory_space<hbm>> -> memref<16x768xf32, #tpu.memory_space<hbm>>
        %dma_wait3A_149 = arith.constant 0 : i32
        %dma_wait3A_150 = arith.constant 0 : i32
        %dma_wait3A_151 = tpu.memref_slice %arg4[%dma_wait3A_149, %dma_wait3A_150] : memref<16384x768xf32, #tpu.memory_space<hbm>> -> memref<16x768xf32, #tpu.memory_space<hbm>>
        tpu.wait_dma2 semaphore(%arg16 : memref<!tpu.dma_semaphore, #tpu.memory_space<semaphore_mem>>) src(%arg8 : memref<16x768xf32, #tpu.memory_space<vmem>>) dst(%dma_wait3A_151 : memref<16x768xf32, #tpu.memory_space<hbm>>)
      } else {
      }
      %add3A_40 = arith.constant 2 : i32
      %add3A_41 = arith.addi %add3A_37, %add3A_40 : i32
      %lt3A = arith.constant 32 : i32
      %lt3A_42 = arith.cmpi slt, %add3A_41, %lt3A : i32
      %convert_element_type3A_43 = arith.extui %lt3A_42 : i1 to i32
      %cond3A_44 = arith.constant 0 : i32
      %cond3A_45 = arith.cmpi ne, %convert_element_type3A_43, %cond3A_44 : i32
      scf.if %cond3A_45 {
        %add3A_146 = arith.constant 2 : i32
        %add3A_147 = arith.addi %add3A_37, %add3A_146 : i32
        %mul3A_148 = arith.constant 16 : i32
        %mul3A_149 = arith.muli %add3A_147, %mul3A_148 : i32
        %get3A_150 = arith.index_cast %mul3A_149 : i32 to index
        %get3A_151 = tpu.vector_load %arg5[%get3A_150] {strides = array<i32>} : memref<512xi32, #tpu.memory_space<vmem>>, vector<16xi32>,
        %get3A_152 = vector.shape_cast %get3A_151 : vector<16xi32> to vector<16xi32>
        %dma_start3A_153 = arith.constant 0 : i32
        %dma_start3A_154 = arith.constant 0 : i32
        %dma_start3A_155 = tpu.memref_slice %arg3[%dma_start3A_153, %dma_start3A_154] : memref<30522x768xf32, #tpu.memory_space<hbm>> -> memref<30522x768xf32, #tpu.memory_space<hbm>>
        tpu.enqueue_indirect_dma source(%dma_start3A_155 : memref<30522x768xf32, #tpu.memory_space<hbm>>) target(%arg8 : memref<16x768xf32, #tpu.memory_space<vmem>>) offsets(%get3A_152 : vector<16xi32>) semaphore(%arg12 : memref<!tpu.dma_semaphore, #tpu.memory_space<semaphore_mem>>)
      } else {
      }
      %dma_wait3A_46 = arith.constant 0 : i32
      %dma_wait3A_47 = arith.constant 0 : i32
      %dma_wait3A_48 = tpu.memref_slice %arg3[%dma_wait3A_46, %dma_wait3A_47] : memref<30522x768xf32, #tpu.memory_space<hbm>> -> memref<16x768xf32, #tpu.memory_space<hbm>>
      %dma_wait3A_49 = arith.constant 0 : i32
      %dma_wait3A_50 = arith.constant 0 : i32
      %dma_wait3A_51 = tpu.memref_slice %arg3[%dma_wait3A_49, %dma_wait3A_50] : memref<30522x768xf32, #tpu.memory_space<hbm>> -> memref<16x768xf32, #tpu.memory_space<hbm>>
      tpu.wait_dma2 semaphore(%arg10 : memref<!tpu.dma_semaphore, #tpu.memory_space<semaphore_mem>>) src(%dma_wait3A_51 : memref<16x768xf32, #tpu.memory_space<hbm>>) dst(%arg6 : memref<16x768xf32, #tpu.memory_space<vmem>>)
      %mul3A_52 = arith.constant 512 : i32
      %mul3A_53 = arith.muli %add3A_37, %mul3A_52 : i32
      %add3A_54 = arith.addi %mul3A_53, %mul3A_2 : i32
      %dma_start3A_55 = arith.constant 0 : i32
      %dma_start3A_56 = tpu.memref_slice %arg4[%add3A_54, %dma_start3A_55] : memref<16384x768xf32, #tpu.memory_space<hbm>> -> memref<16x768xf32, #tpu.memory_space<hbm>>
      %dma_start3A_57 = arith.constant 0 : i32
      %dma_start3A_58 = tpu.memref_slice %arg4[%add3A_54, %dma_start3A_57] : memref<16384x768xf32, #tpu.memory_space<hbm>> -> memref<16x768xf32, #tpu.memory_space<hbm>>
      tpu.enqueue_dma source(%arg6 : memref<16x768xf32, #tpu.memory_space<vmem>>) target(%dma_start3A_58 : memref<16x768xf32, #tpu.memory_space<hbm>>) target_semaphore(%arg14 : memref<!tpu.dma_semaphore, #tpu.memory_space<semaphore_mem>>)
      %mul3A_59 = arith.constant 4 : i32
      %mul3A_60 = arith.muli %scan3A_33, %mul3A_59 : i32
      %add3A_61 = arith.constant 1 : i32
      %add3A_62 = arith.addi %mul3A_60, %add3A_61 : i32
      %ge3A_63 = arith.constant 2 : i32
      %ge3A_64 = arith.cmpi sge, %add3A_62, %ge3A_63 : i32
      %convert_element_type3A_65 = arith.extui %ge3A_64 : i1 to i32
      %cond3A_66 = arith.constant 0 : i32
      %cond3A_67 = arith.cmpi ne, %convert_element_type3A_65, %cond3A_66 : i32
      scf.if %cond3A_67 {
        %dma_wait3A_146 = arith.constant 0 : i32
        %dma_wait3A_147 = arith.constant 0 : i32
        %dma_wait3A_148 = tpu.memref_slice %arg4[%dma_wait3A_146, %dma_wait3A_147] : memref<16384x768xf32, #tpu.memory_space<hbm>> -> memref<16x768xf32, #tpu.memory_space<hbm>>
        %dma_wait3A_149 = arith.constant 0 : i32
        %dma_wait3A_150 = arith.constant 0 : i32
        %dma_wait3A_151 = tpu.memref_slice %arg4[%dma_wait3A_149, %dma_wait3A_150] : memref<16384x768xf32, #tpu.memory_space<hbm>> -> memref<16x768xf32, #tpu.memory_space<hbm>>
        tpu.wait_dma2 semaphore(%arg17 : memref<!tpu.dma_semaphore, #tpu.memory_space<semaphore_mem>>) src(%arg9 : memref<16x768xf32, #tpu.memory_space<vmem>>) dst(%dma_wait3A_151 : memref<16x768xf32, #tpu.memory_space<hbm>>)
      } else {
      }
      %add3A_68 = arith.constant 2 : i32
      %add3A_69 = arith.addi %add3A_62, %add3A_68 : i32
      %lt3A_70 = arith.constant 32 : i32
      %lt3A_71 = arith.cmpi slt, %add3A_69, %lt3A_70 : i32
      %convert_element_type3A_72 = arith.extui %lt3A_71 : i1 to i32
      %cond3A_73 = arith.constant 0 : i32
      %cond3A_74 = arith.cmpi ne, %convert_element_type3A_72, %cond3A_73 : i32
      scf.if %cond3A_74 {
        %add3A_146 = arith.constant 2 : i32
        %add3A_147 = arith.addi %add3A_62, %add3A_146 : i32
        %mul3A_148 = arith.constant 16 : i32
        %mul3A_149 = arith.muli %add3A_147, %mul3A_148 : i32
        %get3A_150 = arith.index_cast %mul3A_149 : i32 to index
        %get3A_151 = tpu.vector_load %arg5[%get3A_150] {strides = array<i32>} : memref<512xi32, #tpu.memory_space<vmem>>, vector<16xi32>,
        %get3A_152 = vector.shape_cast %get3A_151 : vector<16xi32> to vector<16xi32>
        %dma_start3A_153 = arith.constant 0 : i32
        %dma_start3A_154 = arith.constant 0 : i32
        %dma_start3A_155 = tpu.memref_slice %arg3[%dma_start3A_153, %dma_start3A_154] : memref<30522x768xf32, #tpu.memory_space<hbm>> -> memref<30522x768xf32, #tpu.memory_space<hbm>>
        tpu.enqueue_indirect_dma source(%dma_start3A_155 : memref<30522x768xf32, #tpu.memory_space<hbm>>) target(%arg9 : memref<16x768xf32, #tpu.memory_space<vmem>>) offsets(%get3A_152 : vector<16xi32>) semaphore(%arg13 : memref<!tpu.dma_semaphore, #tpu.memory_space<semaphore_mem>>)
      } else {
      }
      %dma_wait3A_75 = arith.constant 0 : i32
      %dma_wait3A_76 = arith.constant 0 : i32
      %dma_wait3A_77 = tpu.memref_slice %arg3[%dma_wait3A_75, %dma_wait3A_76] : memref<30522x768xf32, #tpu.memory_space<hbm>> -> memref<16x768xf32, #tpu.memory_space<hbm>>
      %dma_wait3A_78 = arith.constant 0 : i32
      %dma_wait3A_79 = arith.constant 0 : i32
      %dma_wait3A_80 = tpu.memref_slice %arg3[%dma_wait3A_78, %dma_wait3A_79] : memref<30522x768xf32, #tpu.memory_space<hbm>> -> memref<16x768xf32, #tpu.memory_space<hbm>>
      tpu.wait_dma2 semaphore(%arg11 : memref<!tpu.dma_semaphore, #tpu.memory_space<semaphore_mem>>) src(%dma_wait3A_80 : memref<16x768xf32, #tpu.memory_space<hbm>>) dst(%arg7 : memref<16x768xf32, #tpu.memory_space<vmem>>)
      %mul3A_81 = arith.constant 512 : i32
      %mul3A_82 = arith.muli %add3A_62, %mul3A_81 : i32
      %add3A_83 = arith.addi %mul3A_82, %mul3A_2 : i32
      %dma_start3A_84 = arith.constant 0 : i32
      %dma_start3A_85 = tpu.memref_slice %arg4[%add3A_83, %dma_start3A_84] : memref<16384x768xf32, #tpu.memory_space<hbm>> -> memref<16x768xf32, #tpu.memory_space<hbm>>
      %dma_start3A_86 = arith.constant 0 : i32
      %dma_start3A_87 = tpu.memref_slice %arg4[%add3A_83, %dma_start3A_86] : memref<16384x768xf32, #tpu.memory_space<hbm>> -> memref<16x768xf32, #tpu.memory_space<hbm>>
      tpu.enqueue_dma source(%arg7 : memref<16x768xf32, #tpu.memory_space<vmem>>) target(%dma_start3A_87 : memref<16x768xf32, #tpu.memory_space<hbm>>) target_semaphore(%arg15 : memref<!tpu.dma_semaphore, #tpu.memory_space<semaphore_mem>>)
      %mul3A_88 = arith.constant 4 : i32
      %mul3A_89 = arith.muli %scan3A_33, %mul3A_88 : i32
      %add3A_90 = arith.constant 2 : i32
      %add3A_91 = arith.addi %mul3A_89, %add3A_90 : i32
      %ge3A_92 = arith.constant 2 : i32
      %ge3A_93 = arith.cmpi sge, %add3A_91, %ge3A_92 : i32
      %convert_element_type3A_94 = arith.extui %ge3A_93 : i1 to i32
      %cond3A_95 = arith.constant 0 : i32
      %cond3A_96 = arith.cmpi ne, %convert_element_type3A_94, %cond3A_95 : i32
      scf.if %cond3A_96 {
        %dma_wait3A_146 = arith.constant 0 : i32
        %dma_wait3A_147 = arith.constant 0 : i32
        %dma_wait3A_148 = tpu.memref_slice %arg4[%dma_wait3A_146, %dma_wait3A_147] : memref<16384x768xf32, #tpu.memory_space<hbm>> -> memref<16x768xf32, #tpu.memory_space<hbm>>
        %dma_wait3A_149 = arith.constant 0 : i32
        %dma_wait3A_150 = arith.constant 0 : i32
        %dma_wait3A_151 = tpu.memref_slice %arg4[%dma_wait3A_149, %dma_wait3A_150] : memref<16384x768xf32, #tpu.memory_space<hbm>> -> memref<16x768xf32, #tpu.memory_space<hbm>>
        tpu.wait_dma2 semaphore(%arg14 : memref<!tpu.dma_semaphore, #tpu.memory_space<semaphore_mem>>) src(%arg6 : memref<16x768xf32, #tpu.memory_space<vmem>>) dst(%dma_wait3A_151 : memref<16x768xf32, #tpu.memory_space<hbm>>)
      } else {
      }
      %add3A_97 = arith.constant 2 : i32
      %add3A_98 = arith.addi %add3A_91, %add3A_97 : i32
      %lt3A_99 = arith.constant 32 : i32
      %lt3A_100 = arith.cmpi slt, %add3A_98, %lt3A_99 : i32
      %convert_element_type3A_101 = arith.extui %lt3A_100 : i1 to i32
      %cond3A_102 = arith.constant 0 : i32
      %cond3A_103 = arith.cmpi ne, %convert_element_type3A_101, %cond3A_102 : i32
      scf.if %cond3A_103 {
        %add3A_146 = arith.constant 2 : i32
        %add3A_147 = arith.addi %add3A_91, %add3A_146 : i32
        %mul3A_148 = arith.constant 16 : i32
        %mul3A_149 = arith.muli %add3A_147, %mul3A_148 : i32
        %get3A_150 = arith.index_cast %mul3A_149 : i32 to index
        %get3A_151 = tpu.vector_load %arg5[%get3A_150] {strides = array<i32>} : memref<512xi32, #tpu.memory_space<vmem>>, vector<16xi32>,
        %get3A_152 = vector.shape_cast %get3A_151 : vector<16xi32> to vector<16xi32>
        %dma_start3A_153 = arith.constant 0 : i32
        %dma_start3A_154 = arith.constant 0 : i32
        %dma_start3A_155 = tpu.memref_slice %arg3[%dma_start3A_153, %dma_start3A_154] : memref<30522x768xf32, #tpu.memory_space<hbm>> -> memref<30522x768xf32, #tpu.memory_space<hbm>>
        tpu.enqueue_indirect_dma source(%dma_start3A_155 : memref<30522x768xf32, #tpu.memory_space<hbm>>) target(%arg6 : memref<16x768xf32, #tpu.memory_space<vmem>>) offsets(%get3A_152 : vector<16xi32>) semaphore(%arg10 : memref<!tpu.dma_semaphore, #tpu.memory_space<semaphore_mem>>)
      } else {
      }
      %dma_wait3A_104 = arith.constant 0 : i32
      %dma_wait3A_105 = arith.constant 0 : i32
      %dma_wait3A_106 = tpu.memref_slice %arg3[%dma_wait3A_104, %dma_wait3A_105] : memref<30522x768xf32, #tpu.memory_space<hbm>> -> memref<16x768xf32, #tpu.memory_space<hbm>>
      %dma_wait3A_107 = arith.constant 0 : i32
      %dma_wait3A_108 = arith.constant 0 : i32
      %dma_wait3A_109 = tpu.memref_slice %arg3[%dma_wait3A_107, %dma_wait3A_108] : memref<30522x768xf32, #tpu.memory_space<hbm>> -> memref<16x768xf32, #tpu.memory_space<hbm>>
      tpu.wait_dma2 semaphore(%arg12 : memref<!tpu.dma_semaphore, #tpu.memory_space<semaphore_mem>>) src(%dma_wait3A_109 : memref<16x768xf32, #tpu.memory_space<hbm>>) dst(%arg8 : memref<16x768xf32, #tpu.memory_space<vmem>>)
      %mul3A_110 = arith.constant 512 : i32
      %mul3A_111 = arith.muli %add3A_91, %mul3A_110 : i32
      %add3A_112 = arith.addi %mul3A_111, %mul3A_2 : i32
      %dma_start3A_113 = arith.constant 0 : i32
      %dma_start3A_114 = tpu.memref_slice %arg4[%add3A_112, %dma_start3A_113] : memref<16384x768xf32, #tpu.memory_space<hbm>> -> memref<16x768xf32, #tpu.memory_space<hbm>>
      %dma_start3A_115 = arith.constant 0 : i32
      %dma_start3A_116 = tpu.memref_slice %arg4[%add3A_112, %dma_start3A_115] : memref<16384x768xf32, #tpu.memory_space<hbm>> -> memref<16x768xf32, #tpu.memory_space<hbm>>
      tpu.enqueue_dma source(%arg8 : memref<16x768xf32, #tpu.memory_space<vmem>>) target(%dma_start3A_116 : memref<16x768xf32, #tpu.memory_space<hbm>>) target_semaphore(%arg16 : memref<!tpu.dma_semaphore, #tpu.memory_space<semaphore_mem>>)
      %mul3A_117 = arith.constant 4 : i32
      %mul3A_118 = arith.muli %scan3A_33, %mul3A_117 : i32
      %add3A_119 = arith.constant 3 : i32
      %add3A_120 = arith.addi %mul3A_118, %add3A_119 : i32
      %ge3A_121 = arith.constant 2 : i32
      %ge3A_122 = arith.cmpi sge, %add3A_120, %ge3A_121 : i32
      %convert_element_type3A_123 = arith.extui %ge3A_122 : i1 to i32
      %cond3A_124 = arith.constant 0 : i32
      %cond3A_125 = arith.cmpi ne, %convert_element_type3A_123, %cond3A_124 : i32
      scf.if %cond3A_125 {
        %dma_wait3A_146 = arith.constant 0 : i32
        %dma_wait3A_147 = arith.constant 0 : i32
        %dma_wait3A_148 = tpu.memref_slice %arg4[%dma_wait3A_146, %dma_wait3A_147] : memref<16384x768xf32, #tpu.memory_space<hbm>> -> memref<16x768xf32, #tpu.memory_space<hbm>>
        %dma_wait3A_149 = arith.constant 0 : i32
        %dma_wait3A_150 = arith.constant 0 : i32
        %dma_wait3A_151 = tpu.memref_slice %arg4[%dma_wait3A_149, %dma_wait3A_150] : memref<16384x768xf32, #tpu.memory_space<hbm>> -> memref<16x768xf32, #tpu.memory_space<hbm>>
        tpu.wait_dma2 semaphore(%arg15 : memref<!tpu.dma_semaphore, #tpu.memory_space<semaphore_mem>>) src(%arg7 : memref<16x768xf32, #tpu.memory_space<vmem>>) dst(%dma_wait3A_151 : memref<16x768xf32, #tpu.memory_space<hbm>>)
      } else {
      }
      %add3A_126 = arith.constant 2 : i32
      %add3A_127 = arith.addi %add3A_120, %add3A_126 : i32
      %lt3A_128 = arith.constant 32 : i32
      %lt3A_129 = arith.cmpi slt, %add3A_127, %lt3A_128 : i32
      %convert_element_type3A_130 = arith.extui %lt3A_129 : i1 to i32
      %cond3A_131 = arith.constant 0 : i32
      %cond3A_132 = arith.cmpi ne, %convert_element_type3A_130, %cond3A_131 : i32
      scf.if %cond3A_132 {
        %add3A_146 = arith.constant 2 : i32
        %add3A_147 = arith.addi %add3A_120, %add3A_146 : i32
        %mul3A_148 = arith.constant 16 : i32
        %mul3A_149 = arith.muli %add3A_147, %mul3A_148 : i32
        %get3A_150 = arith.index_cast %mul3A_149 : i32 to index
        %get3A_151 = tpu.vector_load %arg5[%get3A_150] {strides = array<i32>} : memref<512xi32, #tpu.memory_space<vmem>>, vector<16xi32>,
        %get3A_152 = vector.shape_cast %get3A_151 : vector<16xi32> to vector<16xi32>
        %dma_start3A_153 = arith.constant 0 : i32
        %dma_start3A_154 = arith.constant 0 : i32
        %dma_start3A_155 = tpu.memref_slice %arg3[%dma_start3A_153, %dma_start3A_154] : memref<30522x768xf32, #tpu.memory_space<hbm>> -> memref<30522x768xf32, #tpu.memory_space<hbm>>
        tpu.enqueue_indirect_dma source(%dma_start3A_155 : memref<30522x768xf32, #tpu.memory_space<hbm>>) target(%arg7 : memref<16x768xf32, #tpu.memory_space<vmem>>) offsets(%get3A_152 : vector<16xi32>) semaphore(%arg11 : memref<!tpu.dma_semaphore, #tpu.memory_space<semaphore_mem>>)
      } else {
      }
      %dma_wait3A_133 = arith.constant 0 : i32
      %dma_wait3A_134 = arith.constant 0 : i32
      %dma_wait3A_135 = tpu.memref_slice %arg3[%dma_wait3A_133, %dma_wait3A_134] : memref<30522x768xf32, #tpu.memory_space<hbm>> -> memref<16x768xf32, #tpu.memory_space<hbm>>
      %dma_wait3A_136 = arith.constant 0 : i32
      %dma_wait3A_137 = arith.constant 0 : i32
      %dma_wait3A_138 = tpu.memref_slice %arg3[%dma_wait3A_136, %dma_wait3A_137] : memref<30522x768xf32, #tpu.memory_space<hbm>> -> memref<16x768xf32, #tpu.memory_space<hbm>>
      tpu.wait_dma2 semaphore(%arg13 : memref<!tpu.dma_semaphore, #tpu.memory_space<semaphore_mem>>) src(%dma_wait3A_138 : memref<16x768xf32, #tpu.memory_space<hbm>>) dst(%arg9 : memref<16x768xf32, #tpu.memory_space<vmem>>)
      %mul3A_139 = arith.constant 512 : i32
      %mul3A_140 = arith.muli %add3A_120, %mul3A_139 : i32
      %add3A_141 = arith.addi %mul3A_140, %mul3A_2 : i32
      %dma_start3A_142 = arith.constant 0 : i32
      %dma_start3A_143 = tpu.memref_slice %arg4[%add3A_141, %dma_start3A_142] : memref<16384x768xf32, #tpu.memory_space<hbm>> -> memref<16x768xf32, #tpu.memory_space<hbm>>
      %dma_start3A_144 = arith.constant 0 : i32
      %dma_start3A_145 = tpu.memref_slice %arg4[%add3A_141, %dma_start3A_144] : memref<16384x768xf32, #tpu.memory_space<hbm>> -> memref<16x768xf32, #tpu.memory_space<hbm>>
      tpu.enqueue_dma source(%arg9 : memref<16x768xf32, #tpu.memory_space<vmem>>) target(%dma_start3A_145 : memref<16x768xf32, #tpu.memory_space<hbm>>) target_semaphore(%arg17 : memref<!tpu.dma_semaphore, #tpu.memory_space<semaphore_mem>>)
    }
    %scan3A_21 = arith.constant 8 : i32
    %dma_wait3A = arith.constant 0 : i32
    %dma_wait3A_22 = arith.constant 0 : i32
    %dma_wait3A_23 = tpu.memref_slice %arg4[%dma_wait3A, %dma_wait3A_22] : memref<16384x768xf32, #tpu.memory_space<hbm>> -> memref<16x768xf32, #tpu.memory_space<hbm>>
    %dma_wait3A_24 = arith.constant 0 : i32
    %dma_wait3A_25 = arith.constant 0 : i32
    %dma_wait3A_26 = tpu.memref_slice %arg4[%dma_wait3A_24, %dma_wait3A_25] : memref<16384x768xf32, #tpu.memory_space<hbm>> -> memref<16x768xf32, #tpu.memory_space<hbm>>
    tpu.wait_dma2 semaphore(%arg16 : memref<!tpu.dma_semaphore, #tpu.memory_space<semaphore_mem>>) src(%arg8 : memref<16x768xf32, #tpu.memory_space<vmem>>) dst(%dma_wait3A_26 : memref<16x768xf32, #tpu.memory_space<hbm>>)
    %dma_wait3A_27 = arith.constant 0 : i32
    %dma_wait3A_28 = arith.constant 0 : i32
    %dma_wait3A_29 = tpu.memref_slice %arg4[%dma_wait3A_27, %dma_wait3A_28] : memref<16384x768xf32, #tpu.memory_space<hbm>> -> memref<16x768xf32, #tpu.memory_space<hbm>>
    %dma_wait3A_30 = arith.constant 0 : i32
    %dma_wait3A_31 = arith.constant 0 : i32
    %dma_wait3A_32 = tpu.memref_slice %arg4[%dma_wait3A_30, %dma_wait3A_31] : memref<16384x768xf32, #tpu.memory_space<hbm>> -> memref<16x768xf32, #tpu.memory_space<hbm>>
    tpu.wait_dma2 semaphore(%arg17 : memref<!tpu.dma_semaphore, #tpu.memory_space<semaphore_mem>>) src(%arg9 : memref<16x768xf32, #tpu.memory_space<vmem>>) dst(%dma_wait3A_32 : memref<16x768xf32, #tpu.memory_space<hbm>>)
    return
  }
}

module attributes {stable_mosaic.version = 14 : i64} {
  func.func @_tc_body(%arg0: i32, %arg1: memref<512x768xf32, #tpu.memory_space<vmem>>, %arg2: memref<512xf32, #tpu.memory_space<vmem>>, %arg3: memref<512x768xf32, #tpu.memory_space<vmem>>, %arg4: memref<2x768xf32, #tpu.memory_space<vmem>>, %arg5: memref<768xf32, #tpu.memory_space<vmem>>, %arg6: memref<768xf32, #tpu.memory_space<vmem>>, %arg7: memref<512x768xf32, #tpu.memory_space<vmem>>) attributes {dimension_semantics = [#tpu.dimension_semantics<arbitrary>], iteration_bounds = array<i64: 32>, scalar_prefetch = 0 : i64, scratch_operands = 0 : i64, tpu.core_type = #tpu.core_type<tc>, window_params = [{transform_indices = @transform_0, window_bounds = array<i64: 512, 768>}, {transform_indices = @transform_1, window_bounds = array<i64: 512>}, {pipeline_mode = #tpu.pipeline_mode<synchronous>, transform_indices = @transform_2, window_bounds = array<i64: 512, 768>}, {pipeline_mode = #tpu.pipeline_mode<synchronous>, transform_indices = @transform_3, window_bounds = array<i64: 2, 768>}, {pipeline_mode = #tpu.pipeline_mode<synchronous>, transform_indices = @transform_4, window_bounds = array<i64: 768>}, {pipeline_mode = #tpu.pipeline_mode<synchronous>, transform_indices = @transform_5, window_bounds = array<i64: 768>}, {transform_indices = @transform_6, window_bounds = array<i64: 512, 768>}]} {
    %get3A = arith.constant 0 : index
    %get3A_0 = arith.constant 0 : index
    %get3A_1 = vector.load %arg1[%get3A, %get3A_0] : memref<512x768xf32, #tpu.memory_space<vmem>>, vector<512x768xf32>
    %get3A_2 = arith.constant 0 : index
    %get3A_3 = arith.constant 0 : index
    %get3A_4 = vector.load %arg4[%get3A_2, %get3A_3] : memref<2x768xf32, #tpu.memory_space<vmem>>, vector<1x768xf32>
    %get3A_5 = vector.shape_cast %get3A_4 : vector<1x768xf32> to vector<768xf32>
    %broadcast_in_dim3A = vector.shape_cast %get3A_5 : vector<768xf32> to vector<1x768xf32>
    %get3A_6 = arith.constant 1 : index
    %get3A_7 = arith.constant 0 : index
    %get3A_8 = vector.load %arg4[%get3A_6, %get3A_7] : memref<2x768xf32, #tpu.memory_space<vmem>>, vector<1x768xf32>
    %get3A_9 = vector.shape_cast %get3A_8 : vector<1x768xf32> to vector<768xf32>
    %get3A_10 = arith.constant 0 : index
    %get3A_11 = arith.constant 0 : index
    %get3A_12 = vector.load %arg4[%get3A_10, %get3A_11] : memref<2x768xf32, #tpu.memory_space<vmem>>, vector<1x768xf32>
    %get3A_13 = vector.shape_cast %get3A_12 : vector<1x768xf32> to vector<768xf32>
    %sub3A = arith.subf %get3A_9, %get3A_13 : vector<768xf32>
    %broadcast_in_dim3A_14 = vector.shape_cast %sub3A : vector<768xf32> to vector<1x768xf32>
    %get3A_15 = arith.constant 0 : index
    %get3A_16 = vector.load %arg2[%get3A_15] : memref<512xf32, #tpu.memory_space<vmem>>, vector<512xf32>
    %broadcast_in_dim3A_17 = vector.shape_cast %get3A_16 : vector<512xf32> to vector<512x1xf32>
    %get3A_18 = arith.constant 0 : index
    %get3A_19 = arith.constant 0 : index
    %get3A_20 = vector.load %arg3[%get3A_18, %get3A_19] : memref<512x768xf32, #tpu.memory_space<vmem>>, vector<512x768xf32>
    %add3A = arith.addf %get3A_1, %get3A_20 : vector<512x768xf32>
    %add3A_21 = vector.broadcast %broadcast_in_dim3A : vector<1x768xf32> to vector<512x768xf32>
    %add3A_22 = arith.addf %add3A, %add3A_21 : vector<512x768xf32>
    %mul3A = vector.broadcast %broadcast_in_dim3A_17 : vector<512x1xf32> to vector<512x768xf32>
    %mul3A_23 = vector.broadcast %broadcast_in_dim3A_14 : vector<1x768xf32> to vector<512x768xf32>
    %mul3A_24 = arith.mulf %mul3A, %mul3A_23 : vector<512x768xf32>
    %add3A_25 = arith.addf %add3A_22, %mul3A_24 : vector<512x768xf32>
    %reduce_sum3A = arith.constant dense<0.000000e+00> : vector<512xf32>
    %reduce_sum3A_26 = vector.multi_reduction <add>, %add3A_25, %reduce_sum3A [1] : vector<512x768xf32> to vector<512xf32>
    %broadcast_in_dim3A_27 = vector.shape_cast %reduce_sum3A_26 : vector<512xf32> to vector<512x1xf32>
    %div3A = arith.constant 7.680000e+02 : f32
    %div3A_28 = vector.broadcast %div3A : f32 to vector<512x1xf32>
    %div3A_29 = arith.divf %broadcast_in_dim3A_27, %div3A_28 : vector<512x1xf32>
    %sub3A_30 = vector.broadcast %div3A_29 : vector<512x1xf32> to vector<512x768xf32>
    %sub3A_31 = arith.subf %add3A_25, %sub3A_30 : vector<512x768xf32>
    %mul3A_32 = arith.mulf %sub3A_31, %sub3A_31 : vector<512x768xf32>
    %reduce_sum3A_33 = arith.constant dense<0.000000e+00> : vector<512xf32>
    %reduce_sum3A_34 = vector.multi_reduction <add>, %mul3A_32, %reduce_sum3A_33 [1] : vector<512x768xf32> to vector<512xf32>
    %broadcast_in_dim3A_35 = vector.shape_cast %reduce_sum3A_34 : vector<512xf32> to vector<512x1xf32>
    %div3A_36 = arith.constant 7.680000e+02 : f32
    %div3A_37 = vector.broadcast %div3A_36 : f32 to vector<512x1xf32>
    %div3A_38 = arith.divf %broadcast_in_dim3A_35, %div3A_37 : vector<512x1xf32>
    %add3A_39 = arith.constant 9.99999996E-13 : f32
    %add3A_40 = vector.broadcast %add3A_39 : f32 to vector<512x1xf32>
    %add3A_41 = arith.addf %div3A_38, %add3A_40 : vector<512x1xf32>
    %rsqrt3A = math.rsqrt %add3A_41 : vector<512x1xf32>
    %mul3A_42 = vector.broadcast %rsqrt3A : vector<512x1xf32> to vector<512x768xf32>
    %mul3A_43 = arith.mulf %sub3A_31, %mul3A_42 : vector<512x768xf32>
    %get3A_44 = arith.constant 0 : index
    %get3A_45 = vector.load %arg5[%get3A_44] : memref<768xf32, #tpu.memory_space<vmem>>, vector<768xf32>
    %broadcast_in_dim3A_46 = vector.shape_cast %get3A_45 : vector<768xf32> to vector<1x768xf32>
    %mul3A_47 = vector.broadcast %broadcast_in_dim3A_46 : vector<1x768xf32> to vector<512x768xf32>
    %mul3A_48 = arith.mulf %mul3A_43, %mul3A_47 : vector<512x768xf32>
    %get3A_49 = arith.constant 0 : index
    %get3A_50 = vector.load %arg6[%get3A_49] : memref<768xf32, #tpu.memory_space<vmem>>, vector<768xf32>
    %broadcast_in_dim3A_51 = vector.shape_cast %get3A_50 : vector<768xf32> to vector<1x768xf32>
    %add3A_52 = vector.broadcast %broadcast_in_dim3A_51 : vector<1x768xf32> to vector<512x768xf32>
    %add3A_53 = arith.addf %mul3A_48, %add3A_52 : vector<512x768xf32>
    %swap3A = arith.constant 0 : index
    %swap3A_54 = arith.constant 0 : index
    %swap3A_55 = vector.load %arg7[%swap3A, %swap3A_54] : memref<512x768xf32, #tpu.memory_space<vmem>>, vector<512x768xf32>
    tpu.vector_store %arg7[%swap3A, %swap3A_54], %add3A_53 {strides = array<i32>} : memref<512x768xf32, #tpu.memory_space<vmem>>, vector<512x768xf32>,
    return
  }
  func.func @transform_0(%arg0: i32) -> (i32, i32) {
    %c0_i32 = arith.constant 0 : i32
    %c0_i32_0 = arith.constant 0 : i32
    return %arg0, %c0_i32 : i32, i32
  }
  func.func @transform_1(%arg0: i32) -> i32 {
    %c0_i32 = arith.constant 0 : i32
    return %arg0 : i32
  }
  func.func @transform_2(%arg0: i32) -> (i32, i32) {
    %c0_i32 = arith.constant 0 : i32
    %c0_i32_0 = arith.constant 0 : i32
    %c0_i32_1 = arith.constant 0 : i32
    return %c0_i32, %c0_i32_0 : i32, i32
  }
  func.func @transform_3(%arg0: i32) -> (i32, i32) {
    %c0_i32 = arith.constant 0 : i32
    %c0_i32_0 = arith.constant 0 : i32
    %c0_i32_1 = arith.constant 0 : i32
    return %c0_i32, %c0_i32_0 : i32, i32
  }
  func.func @transform_4(%arg0: i32) -> i32 {
    %c0_i32 = arith.constant 0 : i32
    %c0_i32_0 = arith.constant 0 : i32
    return %c0_i32 : i32
  }
  func.func @transform_5(%arg0: i32) -> i32 {
    %c0_i32 = arith.constant 0 : i32
    %c0_i32_0 = arith.constant 0 : i32
    return %c0_i32 : i32
  }
  func.func @transform_6(%arg0: i32) -> (i32, i32) {
    %c0_i32 = arith.constant 0 : i32
    %c0_i32_0 = arith.constant 0 : i32
    return %arg0, %c0_i32 : i32, i32
  }
}

</mosaic_0001>

<sc_bundles>
// kernel: kernel.10.cloned.1.call-start
scs
__scs_entry_jumppad:
0x0: {  	(pc) =	sbr.rel $0x88, $3  }
0x1: {  	(tag) =	ssettag $0x0;
	lr =	simm.s32 $0x1  }
0x2: {  	[smem:$0x3F9A] =	sst lr;
	_ =	strace $0xD0000000  }
0x3: {  	_ = 	snop  }
0x4: {  	_ = 	snop  }
0x5: {  	_ = 	snop  }
0x6: {  	_ = 	snop  }
0x7: {  	_ = 	snop  }
__scs_overlays_trampoline_lowered:
0x8: {  	[smem:$0x3FA9] =	sst s0  }
0x9: {  	[smem:$0x3FAA] =	sst s1  }
0xa: {  	[smem:$0x3FAB] =	sst s2  }
0xb: {  	[smem:$0x3FAC] =	sst s3  }
0xc: {  	[smem:$0x3FAD] =	sst s4  }
0xd: {  	[smem:$0x3FAE] =	sst s5  }
0xe: {  	[smem:$0x3FAF] =	sst s6  }
0xf: {  	[smem:$0x3FB0] =	sst s7  }
0x10: {  	[smem:$0x3FB1] =	sst s8  }
0x11: {  	[smem:$0x3FB2] =	sst s9;
	s0 =	simm.s32 @!p0 $0x0  }
0x12: {  	s1 =	sld [smem:$0x3F98];
	s0 =	simm.s32 @p0 $0x1  }
0x13: {  	[smem:$0x3FB3] =	sst s0;
	s0 =	simm.s32 @!p1 $0x0  }
0x14: {  	s2 =	sld [smem:$0x3F97];
	s0 =	simm.s32 @p1 $0x1  }
0x15: {  	[smem:$0x3FB4] =	sst s0;
	s0 =	simm.s32 @!p2 $0x0  }
0x16: {  	s3 =	sld [smem:$0x3FDB];
	s0 =	simm.s32 @p2 $0x1  }
0x17: {  	s4 =	simm.s32 $0x1BF5;
	[smem:$0x3FB6] =	sst s0  }
0x18: {  	s0 =	sld [smem:$0x3F99];
	_ =	swait.ge [sflag:s4], $0x0  }
0x19: {  	s7 =	sld [smem:$0x3F9A]  }
0x1a: {  	s8 =	sadd.s32 $0xFFFFE003, lr  }
0x1b: {  	s9 =	sadd.s32 $0xFFFFFEF7, lr;
	s5 =	simm.s32 $0xFFFFFFFF;
	p2 =	slt.u32 s8, $0xFFFFF086  }
0x1c: {  	p1 =	slt.u32 s9, $0xF7A;
	s5 =	simm.s32 @!p2 $0x0  }
0x1d: {  	s5 =	simm.s32 @p1 $0x1;
	p0 =	seq.s32 s7, s2  }
0x1e: {  	s7 =	smul.u32 @!p0 $0xF7A, s2;
	p2 =	seq.s32 @!p0 s5, $0x0  }
0x1f: {  	s9 =	smul.u32 $0xF7A, s1;
	s8 =	simm.s32 @!p0 $0x1BF5;
	p2 =	por !p2, p0  }
0x20: {  	[sflag:s8] =	ssyncset.s32 @!p0 $0xFFFFF086;
	s6 =	sadd.s32 @!p0 s3, s7;
	s7 =	simm.s32 @!p0 $0x108  }
0x21: {  	s3 =	sadd.s32 s3, s9;
	s6 =	sadd.s32 @!p0 $0x88, s6;
	s7 =	simm.s32 @p2 $0x1082  }
0x22: {  	[simem:s7], [sflag:s8] =	dma.local @!p0 [hbm:s6], $0xF7A  }
0x23: {  	s9 =	sor.u32 $0xD0000000, s2;
	s6 =	simm.s32 $0x108;
	_ =	swait.ge @!p0 [sflag:s8], $0x0  }
0x24: {  	s3 =	sadd.s32 $0x88, s3;
	s6 =	simm.s32 @!p1 $0x1082;
	[sflag:s4] =	ssyncset.s32 $0xFFFFF086  }
0x25: {  	[simem:s6], [sflag:s4] =	dma.local [hbm:s3], $0xF7A  }
0x26: {  	[smem:$0x3F9A] =	sst s1;
	(tag) =	ssettag s2;
	_ =	strace s9  }
0x27: {  	s1 =	sld [smem:$0x3FAA]  }
0x28: {  	s2 =	sld [smem:$0x3FAB]  }
0x29: {  	s4 =	sld [smem:$0x3FAD]  }
0x2a: {  	p0 =	seq.s32 s5, $0x0;
	s5 =	sld [smem:$0x3FAE]  }
0x2b: {  	s6 =	sld [smem:$0x3FAF]  }
0x2c: {  	s7 =	sld [smem:$0x3FB0]  }
0x2d: {  	s3 =	simm.s32 $0x108;
	s8 =	sld [smem:$0x3FB1]  }
0x2e: {  	s3 =	simm.s32 @!p0 $0x1082;
	s9 =	sld [smem:$0x3FB2]  }
0x2f: {  	lr =	sadd.s32 s0, s3;
	s0 =	sld [smem:$0x3FA9]  }
0x30: {  	s3 =	sld [smem:$0x3FAC]  }
0x31: {  	[smem:$0x3FB5] =	sst s10  }
0x32: {  	s10 =	sld [smem:$0x3FB3];
	_ =	sdelay $0x3  }
0x33: {  	p0 =	seq.s32 s10, $0x1;
	s10 =	sld [smem:$0x3FB5];
	_ =	sdelay $0x3  }
0x34: {  	[smem:$0x3FB5] =	sst s10  }
0x35: {  	s10 =	sld [smem:$0x3FB4];
	_ =	sdelay $0x3  }
0x36: {  	p1 =	seq.s32 s10, $0x1;
	s10 =	sld [smem:$0x3FB5];
	_ =	sdelay $0x3  }
0x37: {  	[smem:$0x3FB5] =	sst s10  }
0x38: {  	s10 =	sld [smem:$0x3FB6]  }
0x39: {  	_ = 	snop;
	(pc) =	sbr.ind lr, $3  }
0x3a: {  	_ = 	snop  }
0x3b: {  	_ = 	snop  }
0x3c: {  	p2 =	seq.s32 s10, $0x1;
	s10 =	sld [smem:$0x3FB5]  }
0x3d: {  	_ =	shalt  }
0x3e: {  	_ =	shalt  }
0x3f: {  	_ =	shalt  }
0x40: {  	_ =	shalt  }
0x41: {  	_ =	shalt  }
0x42: {  	_ =	shalt  }
0x43: {  	_ =	shalt  }
0x44: {  	_ =	shalt  }
0x45: {  	_ =	shalt  }
0x46: {  	_ =	shalt  }
0x47: {  	_ =	shalt  }
0x48: {  	_ =	shalt  }
0x49: {  	_ =	shalt  }
0x4a: {  	_ =	shalt  }
0x4b: {  	_ =	shalt  }
0x4c: {  	_ =	shalt  }
0x4d: {  	_ =	shalt  }
0x4e: {  	_ =	shalt  }
0x4f: {  	_ =	shalt  }
0x50: {  	_ =	shalt  }
0x51: {  	_ =	shalt  }
0x52: {  	_ =	shalt  }
0x53: {  	_ =	shalt  }
0x54: {  	_ =	shalt  }
0x55: {  	_ =	shalt  }
0x56: {  	_ =	shalt  }
0x57: {  	_ =	shalt  }
0x58: {  	_ =	shalt  }
0x59: {  	_ =	shalt  }
0x5a: {  	_ =	shalt  }
0x5b: {  	_ =	shalt  }
0x5c: {  	_ =	shalt  }
0x5d: {  	_ =	shalt  }
0x5e: {  	_ =	shalt  }
0x5f: {  	_ =	shalt  }
0x60: {  	_ =	shalt  }
0x61: {  	_ =	shalt  }
0x62: {  	_ =	shalt  }
0x63: {  	_ =	shalt  }
0x64: {  	_ =	shalt  }
0x65: {  	_ =	shalt  }
0x66: {  	_ =	shalt  }
0x67: {  	_ =	shalt  }
0x68: {  	_ =	shalt  }
0x69: {  	_ =	shalt  }
0x6a: {  	_ =	shalt  }
0x6b: {  	_ =	shalt  }
0x6c: {  	_ =	shalt  }
0x6d: {  	_ =	shalt  }
0x6e: {  	_ =	shalt  }
0x6f: {  	_ =	shalt  }
0x70: {  	_ =	shalt  }
0x71: {  	_ =	shalt  }
0x72: {  	_ =	shalt  }
0x73: {  	_ =	shalt  }
0x74: {  	_ =	shalt  }
0x75: {  	_ =	shalt  }
0x76: {  	_ =	shalt  }
0x77: {  	_ =	shalt  }
0x78: {  	_ =	shalt  }
0x79: {  	_ =	shalt  }
0x7a: {  	_ =	shalt  }
0x7b: {  	_ =	shalt  }
0x7c: {  	_ =	shalt  }
0x7d: {  	_ =	shalt  }
0x7e: {  	_ =	shalt  }
0x7f: {  	_ =	shalt  }
0x80: {  	_ =	shalt  }
0x81: {  	_ =	shalt  }
0x82: {  	_ =	shalt  }
0x83: {  	_ =	shalt  }
0x84: {  	_ =	shalt  }
0x85: {  	_ =	shalt  }
0x86: {  	_ =	shalt  }
0x87: {  	_ =	shalt  }
.Lfunc_end0:
.L_simem_size_0:
called_computation_lowered:
.L_overlay_start_0:
0x88: {  	s2 =	sld [smem:$0x3FD9]  }
0x89: {  	s3 =	sld [smem:$0x3FFE];
	_ =	sdelay $0x1  }
0x8a: {  	s1 =	srdreg.scid  }
0x8b: {  	s0 =	sand.u32 $0x1, s1  }
0x8c: {  	s17 =	sshll.u32 s0, $0xA;
	s2 =	sadd.s32 s3, s2  }
0x8d: {  	s2 =	sadd.s32 s2, s17  }
0x8e: {  	[smem:$0x3FC1] =	sst s2  }
0x8f: {  	_ = 	snop  }
0x90: {  	s18 =	sld [smem:$0x3FC7]  }
0x91: {  	s4 =	sld [smem:$0x3FD0];
	(tm) =	ssettm $0x1  }
0x92: {  	s19 =	sld [smem:$0x3FFB];
	_ =	sdelay $0x3  }
0x93: {  	_ =	strace s19  }
0x94: {  	s2 =	sld [smem:$0x3FFC];
	_ =	sdelay $0x3  }
0x95: {  	_ =	strace s2  }
0x96: {  	s2 =	sld [smem:$0x3FFD];
	_ =	sdelay $0x3  }
0x97: {  	_ =	strace s2  }
0x98: {  	_ =	strace $0x8FFFFFFF  }
0x99: {  	s20 =	sld [smem:$0x3FDB];
	_ =	sdelay $0x1  }
0x9a: {  	s5 =	simm.s32 $_scs_section_size  }
0x9b: {  	s6 =	simm.s32 $_size__tile_overlayer_lowered;
	s7 =	simm.s32 $_tile_overlayer_lowered  }
0x9c: {  	s8 =	simm.s32 $0x1BFF;
	s21 =	sshll.u32 s7, $0x1;
	s5 =	sadd.s32 s5, s20  }
0x9d: {  	s22 =	simm.s32 $0x0;
	s6 =	sshll.u32 s6, $0x1;
	s7 =	sadd.s32 s21, s5  }
0x9e: {  	[timem:s22], [sflag:s8] =	dma.local [hbm:s7], s6  }
0x9f: {  	_ =	swait.ge [sflag:s8], s6  }
0xa0: {  	s6 =	ssub.s32 $0x0, s6;
	[sflag:s8] =	ssyncset.done $0x0  }
0xa1: {  	[sflag:s8] =	ssyncadd.s32 s6;
	_ =	sdelay $0x1  }
0xa2: {  	s23 =	simm.s32 $0x1B8B  }
0xa3: {  	_ =	swait.ge [sflag:s23], $0x1  }
0xa4: {  	[sflag:s23] =	ssyncset.done $0x0  }
0xa5: {  	[sflag:s23] =	ssyncadd.s32 $0xFFFFFFFF  }
0xa6: {  	s6 =	sld [smem:$0x0]  }
0xa7: {  	s7 =	sand.u32 $0xFFFFFFFE, s1  }
0xa8: {  	p0 =	sne.s32 s1, s7  }
0xa9: {  	s7 =	sshll.u32 @p0 s7, $0xE  }
0xaa: {  	s7 =	sadd.s32 @p0 $0x11B8D, s7;
	s8 =	sshll.u32 @p0 s6, $0x11  }
0xab: {  	s7 =	sor.u32 @p0 s8, s7  }
0xac: {  	[sflag:s7] =	ssyncadd.remote.s32 @p0 $0x1;
	_ =	sdelay $0x1  }
0xad: {  	s7 =	simm.s32 @p0 $0x1B8D  }
0xae: {  	_ =	swait.eq @p0 [sflag:s7], $0x1  }
0xaf: {  	[sflag:s7] =	ssyncadd.s32 @p0 $0xFFFFFFFF  }
0xb0: {  	s8 =	sshll.u32 @!p0 s1, $0xE  }
0xb1: {  	s8 =	sor.u32 @!p0 $0x4000, s8;
	s7 =	simm.s32 @!p0 $0x1B8D  }
0xb2: {  	s6 =	sshll.u32 @!p0 s6, $0x11;
	s8 =	sadd.s32 @!p0 $0x11B8D, s8;
	_ =	swait.eq @!p0 [sflag:s7], $0x1  }
0xb3: {  	s6 =	sor.u32 @!p0 s6, s8;
	[sflag:s7] =	ssyncadd.s32 @!p0 $0xFFFFFFFF  }
0xb4: {  	s25 =	simm.s32 $0x1B8E;
	s24 =	sld [smem:$0x3FFE];
	[sflag:s6] =	ssyncadd.remote.s32 @!p0 $0x1  }
0xb5: {  	s26 =	simm.s32 $execute0_lowered;
	[smem:$0x3FD2] =	sst s25  }
0xb6: {  	s7 =	sshll.u32 s26, $0x1;
	_ =	strace $0x8000004F;
	[dreg:$0x1] =	wrdreg $0xFFFFFFFF  }
0xb7: {  	s28 =	simm.s32 $_size_execute0_lowered;
	s5 =	sadd.s32 s5, s7;
	[dreg:$0x0] =	wrdreg $0x0  }
0xb8: {  	s7 =	sshll.u32 s28, $0x1;
	[dreg:$0x2] =	wrdreg s5  }
0xb9: {  	[dreg:$0x3] =	wrdreg s7  }
0xba: {  	[dreg:$0x4] =	wrdreg $0xC0  }
0xbb: {  	_ =	task [dreg:s22], $0x5FFFF  }
0xbc: {  	[dreg:$0x1] =	wrdreg $0xFFFFFFFF  }
0xbd: {  	[dreg:$0x0] =	wrdreg $0x60  }
0xbe: {  	[dreg:$0x2] =	wrdreg s24  }
0xbf: {  	[dreg:$0x3] =	wrdreg s18  }
0xc0: {  	[dreg:$0x4] =	wrdreg s4  }
0xc1: {  	[dreg:$0x5] =	wrdreg $0x9  }
0xc2: {  	_ =	task.clear_ibuf [dreg:s22], $0x6FFFF;
	_ =	strace $0x9000004F  }
0xc3: {  	s29 =	simm.s32 $0x9;
	_ =	strace $0x80000051  }
0xc4: {  	_ =	swait.ge [sflag:s29], $0x1  }
0xc5: {  	[sflag:s29] =	ssyncadd.s32 $0xFFFFFFFF  }
0xc6: {  	_ =	strace $0x90000051  }
0xc7: {  	_ =	sfence  }
0xc8: {  	s30 =	sld [smem:$0x0];
	_ =	sdelay $0x2  }
0xc9: {  	s31 =	sshll.u32 s1, $0xD;
	s1 =	sshrl.u32 s1, $0x2  }
0xca: {  	s4 =	sand.u32 $0x4000, s31;
	s1 =	sadd.s32 s1, s30  }
0xcb: {  	s0 =	sor.u32 s4, s0;
	s1 =	sshll.u32 s1, $0x11  }
0xcc: {  	s0 =	sor.u32 s1, s0  }
0xcd: {  	s0 =	sadd.s32 $0x8F2B, s0  }
0xce: {  	[sflag:s0] =	ssyncadd.remote.s32 $0x1  }
0xcf: {  	_ =	sfence.sel $0xFFFF  }
0xd0: {  	[dreg:$0x0] =	wrdreg $0xFFFFFFFF;
	(pc) =	sbr.abs _section_cstart, $3  }
0xd1: {  	[dreg:$0x1] =	wrdreg $0xFFFFFFFF  }
0xd2: {  	_ =	task.clear_ibuf [dreg:s22], $0x2FFFF;
	_ =	strace $0x9FFFFFFF  }
0xd3: {  	(tm) =	ssettm $0x7FFFFFFF  }
tec
execute0_lowered:
.L_overlay_start_1:
0x0: {  	(tag) =	ssettag $0x1  }
0x1: {  	s0 =	rddreg [dreg:$0x0]  }
0x2: {  	s1 =	rddreg [dreg:$0x1]  }
0x3: {  	s2 =	rddreg [dreg:$0x2];
	s4 =	srdreg.scid;
	s3 =	simm.s32 $0x0  }
0x4: {  	s7 =	stileid.u32;
	s17 =	simm.s32 $0x6A00;
	s18 =	simm.s32 $0x7200  }
0x5: {  	s19 =	simm.s32 $0x7A00;
	s20 =	simm.s32 $0x8200;
	s21 =	simm.s32 $0x8A00  }
0x6: {  	s22 =	simm.s32 $0x9A00;
	s23 =	simm.s32 $0xA200;
	s24 =	simm.s32 $0xAA00  }
0x7: {  	s25 =	simm.s32 $0xB200;
	s26 =	simm.s32 $0xBA00;
	[smem:$0x7FF] =	sst s3  }
0x8: {  	s28 =	simm.s32 $0x6;
	_ =	strace $0x80000050;
	[dreg:$0x7] =	wrdreg s17  }
0x9: {  	s29 =	simm.s32 $0x4;
	s30 =	simm.s32 $0x7;
	[dreg:$0x8] =	wrdreg s18  }
0xa: {  	s31 =	simm.s32 $0x8;
	s4 =	sand.u32 $0x1, s4;
	[dreg:$0x9] =	wrdreg s19  }
0xb: {  	s5 =	sshll.u32 s7, $0x7;
	s7 =	sshll.u32 s7, $0x5;
	[dreg:$0xa] =	wrdreg s20  }
0xc: {  	s6 =	sshll.u32 s4, $0x6;
	s8 =	ssub.s32 $0x2, s4;
	[dreg:$0xb] =	wrdreg s21  }
0xd: {  	s4 =	sshll.u32 s4, $0x4;
	s17 =	simm.s32 $0x4200;
	[dreg:$0xc] =	wrdreg s22  }
0xe: {  	s18 =	simm.s32 $0x4A00;
	s19 =	simm.s32 $0x5200;
	[dreg:$0xd] =	wrdreg s23  }
0xf: {  	s20 =	simm.s32 $0x5A00;
	s21 =	simm.s32 $0x6200;
	[dreg:$0xe] =	wrdreg s24  }
0x10: {  	s22 =	simm.s32 $0x1;
	s23 =	simm.s32 $0x9200;
	[dreg:$0xf] =	wrdreg s25  }
0x11: {  	[dreg:$0x10] =	wrdreg s26;
	s24 =	simm.s32 $0x2;
	s25 =	simm.s32 $0x5  }
0x12: {  	s26 =	simm.s32 $0x3;
	s5 =	sor.u32 s6, s5;
	s9 =	sshrl.u32 s8, $0x1  }
0x13: {  	s4 =	sor.u32 s4, s7;
	s0 =	sadd.s32 s5, s0;
	s10 =	ssub.s32 s8, s9  }
0x14: {  	s11 =	sshrl.u32 s4, $0x3;
	s12 =	sor.u32 $0x600, s4;
	s14 =	sor.u32 $0x400, s4  }
0x15: {  	s5 =	sadd.s32 $0x100, s1;
	s8 =	smul.u32 $0x300, s11;
	s13 =	sshrl.u32 s12, $0x3  }
0x16: {  	s4 =	sadd.s32 $0x483A00, s0;
	s6 =	sshrl.u32 s14, $0x3;
	s15 =	smul.u32 $0x300, s13  }
0x17: {  	s7 =	smax.u32 s10, $0x1;
	s9 =	smul.u32 $0x300, s6;
	s8 =	sadd.s32 s8, s2  }
0x18: {  	s14 =	simm.s32 $0x2A00;
	s6 =	sadd.s32 $0x200, s1;
	[dreg:$0x4] =	wrdreg s8  }
0x19: {  	v2 =	vlaneseq.u32;
	s0 =	sadd.s32 s15, s2;
	s16 =	sadd.s32 s9, s2;
	s8 =	simm.s32 $0x9  }
0x1a: {  	vm0 =	vmmov $0xffff;
	v1 =	vshrl.u32 v2, $0x3;
	s9 =	simm.s32 $0x200;
	s15 =	simm.s32 $0x3200;
	[dreg:$0x5] =	wrdreg s0  }
0x1b: {  	v0 =	vand.u32 $0x7, v2;
	v2 =	vor.u32 $0x8, v2;
	v1 =	vmul.u32 $0x8, v1;
	[dreg:$0x6] =	wrdreg s16;
	s16 =	simm.s32 $0x3A00;
	s0 =	simm.s32 $0x0  }
.LBB2_1:
0x1c: {  	[tilespmem:s3], [sflag:$0x9] =	stream.linear.gather [hbm4b:s4+s3], $0x200, $0x38;
	[tilespmem:$0xC200] =	vst v63  }
0x1d: {  	_ =	swait.ge [sflag:s8], $0x200  }
0x1e: {  	[sflag:s8] =	ssyncset.done $0x0  }
0x1f: {  	[sflag:s8] =	ssyncadd.s32 $0xFFFFFE00  }
0x20: {  	v3 =	vld [tilespmem:$0x0];
	_ =	sdelay $0x4  }
0x21: {  	v4 =	vshrl.u32 v3, $0x3  }
0x22: {  	v4 =	vmul.u32 $0x30, v4  }
0x23: {  	v3 =	vand.u32 $0x7, v3  }
0x24: {  	v3 =	vor.u32 v3, v4  }
0x25: {  	v4 =	vperm.xlane v3, v0;
	_ =	sdelay $0x1  }
0x26: {  	v4 =	vadd.s32 v1, v4;
	_ =	sdelay $0x3  }
0x27: {  	v3 =	vperm.xlane v3, v2  }
0x28: {  	[tilespmem:s9], [sflag:$0x1] =	stream.indirect_vreg.gather [hbm4b:s1+s3], $0x80, v4, vm0, $0xb8;
	[tilespmem:$0xC200] =	vst v63  }
0x29: {  	s2 =	simm.s32 $0xA00;
	v3 =	vadd.s32 v1, v3  }
0x2a: {  	[tilespmem:s2], [sflag:$0x1] =	stream.indirect_vreg.gather [hbm4b:s5+s3], $0x80, v4, vm0, $0xb8;
	[tilespmem:$0xC200] =	vst v63  }
0x2b: {  	s11 =	simm.s32 $0x1200  }
0x2c: {  	[tilespmem:s11], [sflag:$0x1] =	stream.indirect_vreg.gather [hbm4b:s6+s3], $0x80, v4, vm0, $0xb8;
	[tilespmem:$0xC200] =	vst v63  }
0x2d: {  	s12 =	simm.s32 $0x1A00  }
0x2e: {  	[tilespmem:s12], [sflag:$0x1] =	stream.indirect_vreg.gather [hbm4b:s1+s3], $0x80, v3, vm0, $0xb8;
	[tilespmem:$0xC200] =	vst v63  }
0x2f: {  	s13 =	simm.s32 $0x2200  }
0x30: {  	[tilespmem:s13], [sflag:$0x1] =	stream.indirect_vreg.gather [hbm4b:s5+s3], $0x80, v3, vm0, $0xb8;
	[tilespmem:$0xC200] =	vst v63  }
0x31: {  	_ = 	snop  }
0x32: {  	[tilespmem:s14], [sflag:$0x1] =	stream.indirect_vreg.gather [hbm4b:s6+s3], $0x80, v3, vm0, $0xb8;
	[tilespmem:$0xC200] =	vst v63  }
0x33: {  	v3 =	vld [tilespmem:$0x10];
	_ =	sdelay $0x4  }
0x34: {  	v63 =	vshrl.u32 v3, $0x3  }
0x35: {  	v4 =	vmul.u32 $0x30, v63  }
0x36: {  	v3 =	vand.u32 $0x7, v3  }
0x37: {  	v3 =	vor.u32 v3, v4  }
0x38: {  	v4 =	vperm.xlane v3, v0;
	_ =	sdelay $0x1  }
0x39: {  	v4 =	vadd.s32 v1, v4;
	_ =	sdelay $0x3  }
0x3a: {  	v3 =	vperm.xlane v3, v2  }
0x3b: {  	[tilespmem:s15], [sflag:$0x2] =	stream.indirect_vreg.gather [hbm4b:s1+s3], $0x80, v4, vm0, $0xb8;
	[tilespmem:$0xC200] =	vst v63  }
0x3c: {  	v3 =	vadd.s32 v1, v3  }
0x3d: {  	[tilespmem:s16], [sflag:$0x2] =	stream.indirect_vreg.gather [hbm4b:s5+s3], $0x80, v4, vm0, $0xb8;
	[tilespmem:$0xC200] =	vst v63  }
0x3e: {  	_ = 	snop  }
0x3f: {  	[tilespmem:s17], [sflag:$0x2] =	stream.indirect_vreg.gather [hbm4b:s6+s3], $0x80, v4, vm0, $0xb8;
	[tilespmem:$0xC200] =	vst v63  }
0x40: {  	_ = 	snop  }
0x41: {  	[tilespmem:s18], [sflag:$0x2] =	stream.indirect_vreg.gather [hbm4b:s1+s3], $0x80, v3, vm0, $0xb8;
	[tilespmem:$0xC200] =	vst v63  }
0x42: {  	_ = 	snop  }
0x43: {  	[tilespmem:s19], [sflag:$0x2] =	stream.indirect_vreg.gather [hbm4b:s5+s3], $0x80, v3, vm0, $0xb8;
	[tilespmem:$0xC200] =	vst v63  }
0x44: {  	s10 =	simm.s32 $0x0;
	s2 =	simm.s32 $0x30  }
0x45: {  	[tilespmem:s20], [sflag:$0x2] =	stream.indirect_vreg.gather [hbm4b:s6+s3], $0x80, v3, vm0, $0xb8;
	[tilespmem:$0xC200] =	vst v63  }
.LBB2_2:
0x46: {  	p0 =	seq.s32 s10, $0x0  }
0x47: {  	s11 =	simm.s32 @!p0 $0x7  }
0x48: {  	_ =	swait.ge @!p0 [sflag:s11], $0x3000  }
0x49: {  	[sflag:s11] =	ssyncset.done @!p0 $0x0  }
0x4a: {  	[sflag:s11] =	ssyncadd.s32 @!p0 $0xFFFFD000  }
0x4b: {  	v3 =	vld [tilespmem:s2+$0xFFFFFFF0];
	_ =	sdelay $0x4  }
0x4c: {  	v4 =	vshrl.u32 v3, $0x3  }
0x4d: {  	v4 =	vmul.u32 $0x30, v4  }
0x4e: {  	v3 =	vand.u32 $0x7, v3  }
0x4f: {  	v3 =	vor.u32 v3, v4  }
0x50: {  	v4 =	vperm.xlane v3, v0;
	_ =	sdelay $0x1  }
0x51: {  	v4 =	vadd.s32 v1, v4;
	_ =	sdelay $0x3  }
0x52: {  	v3 =	vperm.xlane v3, v2  }
0x53: {  	[tilespmem:s21], [sflag:$0x3] =	stream.indirect_vreg.gather [hbm4b:s1+s3], $0x80, v4, vm0, $0xb8;
	[tilespmem:$0xC200] =	vst v63  }
0x54: {  	s13 =	rddreg [dreg:$0x7];
	v3 =	vadd.s32 v1, v3  }
0x55: {  	[tilespmem:s13], [sflag:$0x3] =	stream.indirect_vreg.gather [hbm4b:s5+s3], $0x80, v4, vm0, $0xb8;
	[tilespmem:$0xC200] =	vst v63  }
0x56: {  	s12 =	rddreg [dreg:$0x8]  }
0x57: {  	[tilespmem:s12], [sflag:$0x3] =	stream.indirect_vreg.gather [hbm4b:s6+s3], $0x80, v4, vm0, $0xb8;
	[tilespmem:$0xC200] =	vst v63  }
0x58: {  	s13 =	rddreg [dreg:$0x9]  }
0x59: {  	[tilespmem:s13], [sflag:$0x3] =	stream.indirect_vreg.gather [hbm4b:s1+s3], $0x80, v3, vm0, $0xb8;
	[tilespmem:$0xC200] =	vst v63  }
0x5a: {  	s12 =	rddreg [dreg:$0xa]  }
0x5b: {  	[tilespmem:s12], [sflag:$0x3] =	stream.indirect_vreg.gather [hbm4b:s5+s3], $0x80, v3, vm0, $0xb8;
	[tilespmem:$0xC200] =	vst v63  }
0x5c: {  	s13 =	rddreg [dreg:$0xb]  }
0x5d: {  	[tilespmem:s13], [sflag:$0x3] =	stream.indirect_vreg.gather [hbm4b:s6+s3], $0x80, v3, vm0, $0xb8;
	[tilespmem:$0xC200] =	vst v63  }
0x5e: {  	_ =	swait.ge [sflag:s22], $0x3000  }
0x5f: {  	s12 =	rddreg [dreg:$0x4];
	[sflag:s22] =	ssyncset.done $0x0  }
0x60: {  	[sflag:s22] =	ssyncadd.s32 $0xFFFFD000;
	s11 =	sadd.s32 s10, s12;
	s12 =	simm.s32 @!p0 $0x8  }
0x61: {  	[hbm4b:s11+s3] =	stream.linear.scatter [tilespmem:s9], [sflag:$0x5], $0x3000, $0x38;
	[tilespmem:$0xC200] =	vst v63  }
0x62: {  	_ =	swait.ge @!p0 [sflag:s12], $0x3000  }
0x63: {  	[sflag:s12] =	ssyncset.done @!p0 $0x0  }
0x64: {  	[sflag:s12] =	ssyncadd.s32 @!p0 $0xFFFFD000  }
0x65: {  	v3 =	vld [tilespmem:s2+$0x0];
	_ =	sdelay $0x4  }
0x66: {  	v63 =	vshrl.u32 v3, $0x3  }
0x67: {  	v4 =	vmul.u32 $0x30, v63  }
0x68: {  	v3 =	vand.u32 $0x7, v3  }
0x69: {  	v3 =	vor.u32 v3, v4  }
0x6a: {  	v4 =	vperm.xlane v3, v0;
	_ =	sdelay $0x1  }
0x6b: {  	v4 =	vadd.s32 v1, v4;
	_ =	sdelay $0x3  }
0x6c: {  	v3 =	vperm.xlane v3, v2  }
0x6d: {  	[tilespmem:s23], [sflag:$0x4] =	stream.indirect_vreg.gather [hbm4b:s1+s3], $0x80, v4, vm0, $0xb8;
	[tilespmem:$0xC200] =	vst v63  }
0x6e: {  	s12 =	rddreg [dreg:$0xc];
	v3 =	vadd.s32 v1, v3  }
0x6f: {  	[tilespmem:s12], [sflag:$0x4] =	stream.indirect_vreg.gather [hbm4b:s5+s3], $0x80, v4, vm0, $0xb8;
	[tilespmem:$0xC200] =	vst v63  }
0x70: {  	s13 =	rddreg [dreg:$0xd]  }
0x71: {  	[tilespmem:s13], [sflag:$0x4] =	stream.indirect_vreg.gather [hbm4b:s6+s3], $0x80, v4, vm0, $0xb8;
	[tilespmem:$0xC200] =	vst v63  }
0x72: {  	s12 =	rddreg [dreg:$0xe]  }
0x73: {  	[tilespmem:s12], [sflag:$0x4] =	stream.indirect_vreg.gather [hbm4b:s1+s3], $0x80, v3, vm0, $0xb8;
	[tilespmem:$0xC200] =	vst v63  }
0x74: {  	s13 =	rddreg [dreg:$0xf]  }
0x75: {  	[tilespmem:s13], [sflag:$0x4] =	stream.indirect_vreg.gather [hbm4b:s5+s3], $0x80, v3, vm0, $0xb8;
	[tilespmem:$0xC200] =	vst v63  }
0x76: {  	s12 =	rddreg [dreg:$0x10]  }
0x77: {  	[tilespmem:s12], [sflag:$0x4] =	stream.indirect_vreg.gather [hbm4b:s6+s3], $0x80, v3, vm0, $0xb8;
	[tilespmem:$0xC200] =	vst v63  }
0x78: {  	_ =	swait.ge [sflag:s24], $0x3000  }
0x79: {  	[sflag:s24] =	ssyncset.done $0x0  }
0x7a: {  	s11 =	sadd.s32 $0xC000, s11;
	[sflag:s24] =	ssyncadd.s32 $0xFFFFD000  }
0x7b: {  	[hbm4b:s11+s3] =	stream.linear.scatter [tilespmem:s15], [sflag:$0x6], $0x3000, $0x38;
	[tilespmem:$0xC200] =	vst v63  }
0x7c: {  	_ =	swait.ge [sflag:s25], $0x3000  }
0x7d: {  	[sflag:s25] =	ssyncset.done $0x0  }
0x7e: {  	p0 =	seq.s32 s10, $0x150000;
	[sflag:s25] =	ssyncadd.s32 $0xFFFFD000  }
0x7f: {  	v3 =	vld @!p0 [tilespmem:s2+$0x10];
	_ =	sdelay $0x4  }
0x80: {  	v4 =	vshrl.u32 @!p0 v3, $0x3  }
0x81: {  	v4 =	vmul.u32 @!p0 $0x30, v4  }
0x82: {  	v5 =	vlaneseq.u32 @!p0;
	v3 =	vand.u32 @!p0 $0x7, v3  }
0x83: {  	v6 =	vshrl.u32 @!p0 v5, $0x3;
	v3 =	vor.u32 @!p0 v3, v4;
	v4 =	vand.u32 @!p0 $0x7, v5  }
0x84: {  	v6 =	vmul.u32 @!p0 $0x8, v6;
	v7 =	vperm.xlane @!p0 v3, v4;
	_ =	sdelay $0x1  }
0x85: {  	v7 =	vadd.s32 @!p0 v6, v7;
	_ =	sdelay $0x2  }
0x86: {  	v5 =	vor.u32 @!p0 $0x8, v5  }
0x87: {  	vm1 =	vmmov @!p0 $0xffff;
	s12 =	simm.s32 @!p0 $0x200;
	s11 =	simm.s32 @!p0 $0x0;
	v3 =	vperm.xlane @!p0 v3, v5  }
0x88: {  	[tilespmem:s12], [sflag:$0x1] =	stream.indirect_vreg.gather @!p0 [hbm4b:s1+s11], $0x80, v7, vm1, $0xb8;
	[tilespmem:$0xC200] =	vst v63  }
0x89: {  	v3 =	vadd.s32 @!p0 v6, v3;
	s12 =	simm.s32 @!p0 $0xA00  }
0x8a: {  	[tilespmem:s12], [sflag:$0x1] =	stream.indirect_vreg.gather @!p0 [hbm4b:s5+s11], $0x80, v7, vm1, $0xb8;
	[tilespmem:$0xC200] =	vst v63  }
0x8b: {  	s12 =	simm.s32 @!p0 $0x1200  }
0x8c: {  	[tilespmem:s12], [sflag:$0x1] =	stream.indirect_vreg.gather @!p0 [hbm4b:s6+s11], $0x80, v7, vm1, $0xb8;
	[tilespmem:$0xC200] =	vst v63  }
0x8d: {  	s12 =	simm.s32 @!p0 $0x1A00  }
0x8e: {  	[tilespmem:s12], [sflag:$0x1] =	stream.indirect_vreg.gather @!p0 [hbm4b:s1+s11], $0x80, v3, vm1, $0xb8;
	[tilespmem:$0xC200] =	vst v63  }
0x8f: {  	s12 =	simm.s32 @!p0 $0x2200  }
0x90: {  	[tilespmem:s12], [sflag:$0x1] =	stream.indirect_vreg.gather @!p0 [hbm4b:s5+s11], $0x80, v3, vm1, $0xb8;
	[tilespmem:$0xC200] =	vst v63  }
0x91: {  	s12 =	simm.s32 @!p0 $0x2A00  }
0x92: {  	[tilespmem:s12], [sflag:$0x1] =	stream.indirect_vreg.gather @!p0 [hbm4b:s6+s11], $0x80, v3, vm1, $0xb8;
	[tilespmem:$0xC200] =	vst v63  }
0x93: {  	_ =	swait.ge [sflag:s26], $0x3000  }
0x94: {  	s13 =	rddreg [dreg:$0x6];
	[sflag:s26] =	ssyncset.done $0x0  }
0x95: {  	[sflag:s26] =	ssyncadd.s32 $0xFFFFD000;
	s12 =	sadd.s32 s10, s13  }
0x96: {  	[hbm4b:s12+s3] =	stream.linear.scatter [tilespmem:s21], [sflag:$0x7], $0x3000, $0x38;
	[tilespmem:$0xC200] =	vst v63  }
0x97: {  	_ =	swait.ge [sflag:s28], $0x3000  }
0x98: {  	[sflag:s28] =	ssyncset.done $0x0  }
0x99: {  	[sflag:s28] =	ssyncadd.s32 $0xFFFFD000  }
0x9a: {  	v3 =	vld @!p0 [tilespmem:s2+$0x20];
	_ =	sdelay $0x4  }
0x9b: {  	v7 =	vshrl.u32 @!p0 v3, $0x3  }
0x9c: {  	v7 =	vmul.u32 @!p0 $0x30, v7  }
0x9d: {  	v3 =	vand.u32 @!p0 $0x7, v3  }
0x9e: {  	v3 =	vor.u32 @!p0 v3, v7  }
0x9f: {  	v4 =	vperm.xlane @!p0 v3, v4;
	_ =	sdelay $0x1  }
0xa0: {  	v4 =	vadd.s32 @!p0 v6, v4;
	_ =	sdelay $0x3  }
0xa1: {  	s12 =	simm.s32 @!p0 $0x3200;
	v3 =	vperm.xlane @!p0 v3, v5  }
0xa2: {  	[tilespmem:s12], [sflag:$0x2] =	stream.indirect_vreg.gather @!p0 [hbm4b:s1+s11], $0x80, v4, vm1, $0xb8;
	[tilespmem:$0xC200] =	vst v63  }
0xa3: {  	v3 =	vadd.s32 @!p0 v6, v3;
	s12 =	simm.s32 @!p0 $0x3A00  }
0xa4: {  	[tilespmem:s12], [sflag:$0x2] =	stream.indirect_vreg.gather @!p0 [hbm4b:s5+s11], $0x80, v4, vm1, $0xb8;
	[tilespmem:$0xC200] =	vst v63  }
0xa5: {  	s12 =	simm.s32 @!p0 $0x4200  }
0xa6: {  	[tilespmem:s12], [sflag:$0x2] =	stream.indirect_vreg.gather @!p0 [hbm4b:s6+s11], $0x80, v4, vm1, $0xb8;
	[tilespmem:$0xC200] =	vst v63  }
0xa7: {  	s12 =	simm.s32 @!p0 $0x4A00  }
0xa8: {  	[tilespmem:s12], [sflag:$0x2] =	stream.indirect_vreg.gather @!p0 [hbm4b:s1+s11], $0x80, v3, vm1, $0xb8;
	[tilespmem:$0xC200] =	vst v63  }
0xa9: {  	s12 =	simm.s32 @!p0 $0x5200  }
0xaa: {  	[tilespmem:s12], [sflag:$0x2] =	stream.indirect_vreg.gather @!p0 [hbm4b:s5+s11], $0x80, v3, vm1, $0xb8;
	[tilespmem:$0xC200] =	vst v63  }
0xab: {  	s12 =	simm.s32 @!p0 $0x5A00  }
0xac: {  	[tilespmem:s12], [sflag:$0x2] =	stream.indirect_vreg.gather @!p0 [hbm4b:s6+s11], $0x80, v3, vm1, $0xb8;
	[tilespmem:$0xC200] =	vst v63  }
0xad: {  	_ =	swait.ge [sflag:s29], $0x3000  }
0xae: {  	s13 =	rddreg [dreg:$0x5]  }
0xaf: {  	s11 =	sadd.s32 s10, s13;
	s10 =	sadd.s32 $0x30000, s10  }
0xb0: {  	p0 =	sne.s32 s10, $0x180000  }
.Ltmp0:
0xb1: {  	_ = 	snop;
	(pc) =	sbr.rel @p0 .LBB2_2-.Ltmp0, $4  }
0xb2: {  	_ = 	snop  }
0xb3: {  	[sflag:s29] =	ssyncset.done $0x0  }
0xb4: {  	s2 =	sadd.s32 $0x40, s2;
	[sflag:s29] =	ssyncadd.s32 $0xFFFFD000  }
0xb5: {  	[hbm4b:s11+s3] =	stream.linear.scatter [tilespmem:s23], [sflag:$0x8], $0x3000, $0x38;
	[tilespmem:$0xC200] =	vst v63  }
0xb6: {  	s0 =	sadd.s32 $0x1, s0  }
0xb7: {  	_ =	swait.ge [sflag:s30], $0x3000;
	p0 =	sne.s32 s0, s7  }
.Ltmp1:
0xb8: {  	[sflag:s30] =	ssyncset.done $0x0;
	(pc) =	sbr.rel @p0 .LBB2_1-.Ltmp1, $4  }
0xb9: {  	[sflag:s30] =	ssyncadd.s32 $0xFFFFD000  }
0xba: {  	_ =	swait.ge [sflag:s31], $0x3000  }
0xbb: {  	[sflag:s31] =	ssyncset.done $0x0  }
0xbc: {  	[sflag:s31] =	ssyncadd.s32 $0xFFFFD000  }
0xbd: {  	_ =	sfence.sel $0x180000  }
0xbe: {  	[bflag:$0x0] =	sbarrier.arrive $0xFFFF  }
0xbf: {  	_ =	strace $0x90000050  }
0xc0: {  	s0 =	stileid.u32;
	[bflag:$0x2] =	sbarrier.arrive $0xFFFF  }
0xc1: {  	p0 =	sne.s32 s0, $0x0;
	s0 =	rddreg [dreg:$0x3]  }
0xc2: {  	s0 =	sadd.s32 @!p0 $0x100000, s0  }
0xc3: {  	[sflag:s0] =	ssyncadd.tile.s32 @!p0 $0x1;
	_ =	shalt  }
.Lfunc_end2:
_tile_overlayer_lowered:
.L_overlay_start_2:
0xc4: {  	(tag) =	ssettag $0x2  }
0xc5: {  	s0 =	rddreg [dreg:$0x0];
	s2 =	stileid.u32  }
0xc6: {  	s1 =	rddreg [dreg:$0x1];
	p0 =	sne.s32 s2, $0x0  }
0xc7: {  	s3 =	rddreg [dreg:$0x2];
	[bflag:$0x3] =	sbarrier.arrive $0xFFFF;
	s2 =	simm.s32 @!p0 $0x1C09  }
0xc8: {  	[timem:s3], [sflag:s2] =	dma.local @!p0 [hbm:s0], s1  }
0xc9: {  	s0 =	simm.s32 @!p0 $0x9  }
0xca: {  	_ =	swait.ge @!p0 [sflag:s0], s1  }
0xcb: {  	s1 =	ssub.s32 @!p0 $0x0, s1;
	[sflag:s0] =	ssyncset.done @!p0 $0x0  }
0xcc: {  	[sflag:s0] =	ssyncadd.s32 @!p0 s1  }
0xcd: {  	[bflag:$0x3] =	sbarrier.arrive $0xFFFF  }
0xce: {  	_ =	shalt  }

// kernel: kernel.13.cloned.1.call-start
scs
__scs_entry_jumppad:
0x0: {  	(pc) =	sbr.rel $0x88, $3  }
0x1: {  	(tag) =	ssettag $0x0;
	lr =	simm.s32 $0x1  }
0x2: {  	[smem:$0x3F9A] =	sst lr;
	_ =	strace $0xD0000000  }
0x3: {  	_ = 	snop  }
0x4: {  	_ = 	snop  }
0x5: {  	_ = 	snop  }
0x6: {  	_ = 	snop  }
0x7: {  	_ = 	snop  }
__scs_overlays_trampoline_lowered:
0x8: {  	[smem:$0x3FA9] =	sst s0  }
0x9: {  	[smem:$0x3FAA] =	sst s1  }
0xa: {  	[smem:$0x3FAB] =	sst s2  }
0xb: {  	[smem:$0x3FAC] =	sst s3  }
0xc: {  	[smem:$0x3FAD] =	sst s4  }
0xd: {  	[smem:$0x3FAE] =	sst s5  }
0xe: {  	[smem:$0x3FAF] =	sst s6  }
0xf: {  	[smem:$0x3FB0] =	sst s7  }
0x10: {  	[smem:$0x3FB1] =	sst s8  }
0x11: {  	[smem:$0x3FB2] =	sst s9;
	s0 =	simm.s32 @!p0 $0x0  }
0x12: {  	s1 =	sld [smem:$0x3F98];
	s0 =	simm.s32 @p0 $0x1  }
0x13: {  	[smem:$0x3FB3] =	sst s0;
	s0 =	simm.s32 @!p1 $0x0  }
0x14: {  	s2 =	sld [smem:$0x3F97];
	s0 =	simm.s32 @p1 $0x1  }
0x15: {  	[smem:$0x3FB4] =	sst s0;
	s0 =	simm.s32 @!p2 $0x0  }
0x16: {  	s3 =	sld [smem:$0x3FDB];
	s0 =	simm.s32 @p2 $0x1  }
0x17: {  	s4 =	simm.s32 $0x1BF5;
	[smem:$0x3FB6] =	sst s0  }
0x18: {  	s0 =	sld [smem:$0x3F99];
	_ =	swait.ge [sflag:s4], $0x0  }
0x19: {  	s7 =	sld [smem:$0x3F9A]  }
0x1a: {  	s8 =	sadd.s32 $0xFFFFE003, lr  }
0x1b: {  	s9 =	sadd.s32 $0xFFFFFEF7, lr;
	s5 =	simm.s32 $0xFFFFFFFF;
	p2 =	slt.u32 s8, $0xFFFFF086  }
0x1c: {  	p1 =	slt.u32 s9, $0xF7A;
	s5 =	simm.s32 @!p2 $0x0  }
0x1d: {  	s5 =	simm.s32 @p1 $0x1;
	p0 =	seq.s32 s7, s2  }
0x1e: {  	s7 =	smul.u32 @!p0 $0xF7A, s2;
	p2 =	seq.s32 @!p0 s5, $0x0  }
0x1f: {  	s9 =	smul.u32 $0xF7A, s1;
	s8 =	simm.s32 @!p0 $0x1BF5;
	p2 =	por !p2, p0  }
0x20: {  	[sflag:s8] =	ssyncset.s32 @!p0 $0xFFFFF086;
	s6 =	sadd.s32 @!p0 s3, s7;
	s7 =	simm.s32 @!p0 $0x108  }
0x21: {  	s3 =	sadd.s32 s3, s9;
	s6 =	sadd.s32 @!p0 $0x88, s6;
	s7 =	simm.s32 @p2 $0x1082  }
0x22: {  	[simem:s7], [sflag:s8] =	dma.local @!p0 [hbm:s6], $0xF7A  }
0x23: {  	s9 =	sor.u32 $0xD0000000, s2;
	s6 =	simm.s32 $0x108;
	_ =	swait.ge @!p0 [sflag:s8], $0x0  }
0x24: {  	s3 =	sadd.s32 $0x88, s3;
	s6 =	simm.s32 @!p1 $0x1082;
	[sflag:s4] =	ssyncset.s32 $0xFFFFF086  }
0x25: {  	[simem:s6], [sflag:s4] =	dma.local [hbm:s3], $0xF7A  }
0x26: {  	[smem:$0x3F9A] =	sst s1;
	(tag) =	ssettag s2;
	_ =	strace s9  }
0x27: {  	s1 =	sld [smem:$0x3FAA]  }
0x28: {  	s2 =	sld [smem:$0x3FAB]  }
0x29: {  	s4 =	sld [smem:$0x3FAD]  }
0x2a: {  	p0 =	seq.s32 s5, $0x0;
	s5 =	sld [smem:$0x3FAE]  }
0x2b: {  	s6 =	sld [smem:$0x3FAF]  }
0x2c: {  	s7 =	sld [smem:$0x3FB0]  }
0x2d: {  	s3 =	simm.s32 $0x108;
	s8 =	sld [smem:$0x3FB1]  }
0x2e: {  	s3 =	simm.s32 @!p0 $0x1082;
	s9 =	sld [smem:$0x3FB2]  }
0x2f: {  	lr =	sadd.s32 s0, s3;
	s0 =	sld [smem:$0x3FA9]  }
0x30: {  	s3 =	sld [smem:$0x3FAC]  }
0x31: {  	[smem:$0x3FB5] =	sst s10  }
0x32: {  	s10 =	sld [smem:$0x3FB3];
	_ =	sdelay $0x3  }
0x33: {  	p0 =	seq.s32 s10, $0x1;
	s10 =	sld [smem:$0x3FB5];
	_ =	sdelay $0x3  }
0x34: {  	[smem:$0x3FB5] =	sst s10  }
0x35: {  	s10 =	sld [smem:$0x3FB4];
	_ =	sdelay $0x3  }
0x36: {  	p1 =	seq.s32 s10, $0x1;
	s10 =	sld [smem:$0x3FB5];
	_ =	sdelay $0x3  }
0x37: {  	[smem:$0x3FB5] =	sst s10  }
0x38: {  	s10 =	sld [smem:$0x3FB6]  }
0x39: {  	_ = 	snop;
	(pc) =	sbr.ind lr, $3  }
0x3a: {  	_ = 	snop  }
0x3b: {  	_ = 	snop  }
0x3c: {  	p2 =	seq.s32 s10, $0x1;
	s10 =	sld [smem:$0x3FB5]  }
0x3d: {  	_ =	shalt  }
0x3e: {  	_ =	shalt  }
0x3f: {  	_ =	shalt  }
0x40: {  	_ =	shalt  }
0x41: {  	_ =	shalt  }
0x42: {  	_ =	shalt  }
0x43: {  	_ =	shalt  }
0x44: {  	_ =	shalt  }
0x45: {  	_ =	shalt  }
0x46: {  	_ =	shalt  }
0x47: {  	_ =	shalt  }
0x48: {  	_ =	shalt  }
0x49: {  	_ =	shalt  }
0x4a: {  	_ =	shalt  }
0x4b: {  	_ =	shalt  }
0x4c: {  	_ =	shalt  }
0x4d: {  	_ =	shalt  }
0x4e: {  	_ =	shalt  }
0x4f: {  	_ =	shalt  }
0x50: {  	_ =	shalt  }
0x51: {  	_ =	shalt  }
0x52: {  	_ =	shalt  }
0x53: {  	_ =	shalt  }
0x54: {  	_ =	shalt  }
0x55: {  	_ =	shalt  }
0x56: {  	_ =	shalt  }
0x57: {  	_ =	shalt  }
0x58: {  	_ =	shalt  }
0x59: {  	_ =	shalt  }
0x5a: {  	_ =	shalt  }
0x5b: {  	_ =	shalt  }
0x5c: {  	_ =	shalt  }
0x5d: {  	_ =	shalt  }
0x5e: {  	_ =	shalt  }
0x5f: {  	_ =	shalt  }
0x60: {  	_ =	shalt  }
0x61: {  	_ =	shalt  }
0x62: {  	_ =	shalt  }
0x63: {  	_ =	shalt  }
0x64: {  	_ =	shalt  }
0x65: {  	_ =	shalt  }
0x66: {  	_ =	shalt  }
0x67: {  	_ =	shalt  }
0x68: {  	_ =	shalt  }
0x69: {  	_ =	shalt  }
0x6a: {  	_ =	shalt  }
0x6b: {  	_ =	shalt  }
0x6c: {  	_ =	shalt  }
0x6d: {  	_ =	shalt  }
0x6e: {  	_ =	shalt  }
0x6f: {  	_ =	shalt  }
0x70: {  	_ =	shalt  }
0x71: {  	_ =	shalt  }
0x72: {  	_ =	shalt  }
0x73: {  	_ =	shalt  }
0x74: {  	_ =	shalt  }
0x75: {  	_ =	shalt  }
0x76: {  	_ =	shalt  }
0x77: {  	_ =	shalt  }
0x78: {  	_ =	shalt  }
0x79: {  	_ =	shalt  }
0x7a: {  	_ =	shalt  }
0x7b: {  	_ =	shalt  }
0x7c: {  	_ =	shalt  }
0x7d: {  	_ =	shalt  }
0x7e: {  	_ =	shalt  }
0x7f: {  	_ =	shalt  }
0x80: {  	_ =	shalt  }
0x81: {  	_ =	shalt  }
0x82: {  	_ =	shalt  }
0x83: {  	_ =	shalt  }
0x84: {  	_ =	shalt  }
0x85: {  	_ =	shalt  }
0x86: {  	_ =	shalt  }
0x87: {  	_ =	shalt  }
.Lfunc_end0:
.L_simem_size_0:
called_computation.1_lowered:
.L_overlay_start_0:
0x88: {  	s2 =	sld [smem:$0x3FD9]  }
0x89: {  	s3 =	sld [smem:$0x3FFE];
	_ =	sdelay $0x1  }
0x8a: {  	s1 =	srdreg.scid  }
0x8b: {  	s0 =	sand.u32 $0x1, s1  }
0x8c: {  	s17 =	sshll.u32 s0, $0xA;
	s2 =	sadd.s32 s3, s2  }
0x8d: {  	s2 =	sadd.s32 s2, s17  }
0x8e: {  	[smem:$0x3FC1] =	sst s2  }
0x8f: {  	_ = 	snop  }
0x90: {  	s18 =	sld [smem:$0x3FC7];
	(tm) =	ssettm $0x1  }
0x91: {  	s19 =	sld [smem:$0x3FFB];
	_ =	sdelay $0x3  }
0x92: {  	_ =	strace s19  }
0x93: {  	s2 =	sld [smem:$0x3FFC];
	_ =	sdelay $0x3  }
0x94: {  	_ =	strace s2  }
0x95: {  	s2 =	sld [smem:$0x3FFD];
	_ =	sdelay $0x3  }
0x96: {  	_ =	strace s2  }
0x97: {  	_ =	strace $0x8FFFFFFF  }
0x98: {  	s20 =	sld [smem:$0x3FDB];
	_ =	sdelay $0x1  }
0x99: {  	s4 =	simm.s32 $_scs_section_size  }
0x9a: {  	s5 =	simm.s32 $_size__tile_overlayer_lowered;
	s6 =	simm.s32 $_tile_overlayer_lowered  }
0x9b: {  	s7 =	simm.s32 $0x1BFF;
	s21 =	sshll.u32 s6, $0x1;
	s4 =	sadd.s32 s4, s20  }
0x9c: {  	s22 =	simm.s32 $0x0;
	s5 =	sshll.u32 s5, $0x1;
	s6 =	sadd.s32 s21, s4  }
0x9d: {  	[timem:s22], [sflag:s7] =	dma.local [hbm:s6], s5  }
0x9e: {  	_ =	swait.ge [sflag:s7], s5  }
0x9f: {  	s5 =	ssub.s32 $0x0, s5;
	[sflag:s7] =	ssyncset.done $0x0  }
0xa0: {  	[sflag:s7] =	ssyncadd.s32 s5;
	_ =	sdelay $0x1  }
0xa1: {  	s23 =	simm.s32 $0x1B8B  }
0xa2: {  	_ =	swait.ge [sflag:s23], $0x1  }
0xa3: {  	[sflag:s23] =	ssyncset.done $0x0  }
0xa4: {  	[sflag:s23] =	ssyncadd.s32 $0xFFFFFFFF  }
0xa5: {  	s5 =	sld [smem:$0x0]  }
0xa6: {  	s6 =	sand.u32 $0xFFFFFFFE, s1  }
0xa7: {  	p0 =	sne.s32 s1, s6  }
0xa8: {  	s6 =	sshll.u32 @p0 s6, $0xE  }
0xa9: {  	s6 =	sadd.s32 @p0 $0x11B8D, s6;
	s7 =	sshll.u32 @p0 s5, $0x11  }
0xaa: {  	s6 =	sor.u32 @p0 s7, s6  }
0xab: {  	[sflag:s6] =	ssyncadd.remote.s32 @p0 $0x1;
	_ =	sdelay $0x1  }
0xac: {  	s6 =	simm.s32 @p0 $0x1B8D  }
0xad: {  	_ =	swait.eq @p0 [sflag:s6], $0x1  }
0xae: {  	[sflag:s6] =	ssyncadd.s32 @p0 $0xFFFFFFFF  }
0xaf: {  	s7 =	sshll.u32 @!p0 s1, $0xE  }
0xb0: {  	s7 =	sor.u32 @!p0 $0x4000, s7;
	s6 =	simm.s32 @!p0 $0x1B8D  }
0xb1: {  	s5 =	sshll.u32 @!p0 s5, $0x11;
	s7 =	sadd.s32 @!p0 $0x11B8D, s7;
	_ =	swait.eq @!p0 [sflag:s6], $0x1  }
0xb2: {  	s5 =	sor.u32 @!p0 s5, s7;
	[sflag:s6] =	ssyncadd.s32 @!p0 $0xFFFFFFFF  }
0xb3: {  	s25 =	simm.s32 $0x1B8E;
	s24 =	sld [smem:$0x3FFE];
	[sflag:s5] =	ssyncadd.remote.s32 @!p0 $0x1  }
0xb4: {  	s26 =	simm.s32 $execute0_lowered;
	[smem:$0x3FD2] =	sst s25  }
0xb5: {  	s6 =	sshll.u32 s26, $0x1;
	_ =	strace $0x80000049;
	[dreg:$0x1] =	wrdreg $0xFFFFFFFF  }
0xb6: {  	s28 =	simm.s32 $_size_execute0_lowered;
	s4 =	sadd.s32 s4, s6;
	[dreg:$0x0] =	wrdreg $0x0  }
0xb7: {  	s6 =	sshll.u32 s28, $0x1;
	[dreg:$0x2] =	wrdreg s4  }
0xb8: {  	[dreg:$0x3] =	wrdreg s6  }
0xb9: {  	[dreg:$0x4] =	wrdreg $0xC0  }
0xba: {  	_ =	task [dreg:s22], $0x5FFFF  }
0xbb: {  	[dreg:$0x1] =	wrdreg $0xFFFFFFFF  }
0xbc: {  	[dreg:$0x0] =	wrdreg $0x60  }
0xbd: {  	[dreg:$0x2] =	wrdreg s24  }
0xbe: {  	[dreg:$0x3] =	wrdreg s18  }
0xbf: {  	[dreg:$0x4] =	wrdreg $0xA  }
0xc0: {  	_ =	task.clear_ibuf [dreg:s22], $0x5FFFF;
	_ =	strace $0x90000049  }
0xc1: {  	s29 =	simm.s32 $0xA;
	_ =	strace $0x8000004B  }
0xc2: {  	_ =	swait.ge [sflag:s29], $0x1  }
0xc3: {  	[sflag:s29] =	ssyncadd.s32 $0xFFFFFFFF  }
0xc4: {  	_ =	strace $0x9000004B  }
0xc5: {  	_ =	sfence  }
0xc6: {  	s30 =	sld [smem:$0x0];
	_ =	sdelay $0x2  }
0xc7: {  	s31 =	sshll.u32 s1, $0xD;
	s1 =	sshrl.u32 s1, $0x2  }
0xc8: {  	s4 =	sand.u32 $0x4000, s31;
	s1 =	sadd.s32 s1, s30  }
0xc9: {  	s0 =	sor.u32 s4, s0;
	s1 =	sshll.u32 s1, $0x11  }
0xca: {  	s0 =	sor.u32 s1, s0  }
0xcb: {  	s0 =	sadd.s32 $0x8F2B, s0  }
0xcc: {  	[sflag:s0] =	ssyncadd.remote.s32 $0x1  }
0xcd: {  	_ =	sfence.sel $0xFFFF  }
0xce: {  	[dreg:$0x0] =	wrdreg $0xFFFFFFFF;
	(pc) =	sbr.abs _section_cstart, $3  }
0xcf: {  	[dreg:$0x1] =	wrdreg $0xFFFFFFFF  }
0xd0: {  	_ =	task.clear_ibuf [dreg:s22], $0x2FFFF;
	_ =	strace $0x9FFFFFFF  }
0xd1: {  	(tm) =	ssettm $0x7FFFFFFF  }
tec
execute0_lowered:
.L_overlay_start_1:
0x0: {  	(tag) =	ssettag $0x1  }
0x1: {  	s0 =	rddreg [dreg:$0x0]  }
0x2: {  	s2 =	rddreg [dreg:$0x1]  }
0x3: {  	s1 =	srdreg.scid;
	s6 =	stileid.u32;
	s3 =	simm.s32 $0x0  }
0x4: {  	s17 =	simm.s32 $0x6A00;
	s18 =	simm.s32 $0x7200;
	s19 =	simm.s32 $0x7A00  }
0x5: {  	s20 =	simm.s32 $0x8200;
	s21 =	simm.s32 $0x8A00;
	s22 =	simm.s32 $0x9A00  }
0x6: {  	s23 =	simm.s32 $0xA200;
	s24 =	simm.s32 $0xAA00;
	[smem:$0x7FF] =	sst s3  }
0x7: {  	s25 =	simm.s32 $0xB200;
	_ =	strace $0x8000004A;
	[dreg:$0x6] =	wrdreg s17  }
0x8: {  	s26 =	simm.s32 $0xBA00;
	s28 =	simm.s32 $0x6;
	[dreg:$0x7] =	wrdreg s18  }
0x9: {  	s29 =	simm.s32 $0x4;
	s30 =	simm.s32 $0x7;
	[dreg:$0x8] =	wrdreg s19  }
0xa: {  	s31 =	simm.s32 $0x8;
	s1 =	sand.u32 $0x1, s1;
	[dreg:$0x9] =	wrdreg s20  }
0xb: {  	s4 =	sshll.u32 s6, $0x7;
	s6 =	sshll.u32 s6, $0x5;
	[dreg:$0xa] =	wrdreg s21  }
0xc: {  	s5 =	sshll.u32 s1, $0x6;
	s13 =	ssub.s32 $0x2, s1;
	[dreg:$0xb] =	wrdreg s22  }
0xd: {  	s1 =	sshll.u32 s1, $0x4;
	s17 =	simm.s32 $0x4200;
	[dreg:$0xc] =	wrdreg s23  }
0xe: {  	s18 =	simm.s32 $0x4A00;
	s19 =	simm.s32 $0x5200;
	[dreg:$0xd] =	wrdreg s24  }
0xf: {  	s20 =	simm.s32 $0x5A00;
	s21 =	simm.s32 $0x6200;
	[dreg:$0xe] =	wrdreg s25  }
0x10: {  	s22 =	simm.s32 $0x1;
	s23 =	simm.s32 $0x9200;
	[dreg:$0xf] =	wrdreg s26  }
0x11: {  	s24 =	simm.s32 $0x2;
	s25 =	simm.s32 $0x5;
	s26 =	simm.s32 $0x3  }
0x12: {  	s4 =	sor.u32 s5, s4;
	s7 =	sshrl.u32 s13, $0x1;
	s1 =	sor.u32 s1, s6  }
0x13: {  	s5 =	sadd.s32 $0x100, s2;
	s4 =	sadd.s32 s4, s0;
	s0 =	sadd.s32 $0x183A00, s0  }
0x14: {  	s7 =	ssub.s32 s13, s7;
	s14 =	sshrl.u32 s1, $0x3;
	s6 =	sor.u32 $0x600, s1  }
0x15: {  	s1 =	sor.u32 $0x400, s1;
	s8 =	smul.u32 $0x300, s14;
	s15 =	sshrl.u32 s6, $0x3  }
0x16: {  	s4 =	sadd.s32 $0x183200, s4;
	s1 =	sshrl.u32 s1, $0x3;
	s9 =	smul.u32 $0x300, s15  }
0x17: {  	s6 =	sadd.s32 $0x200, s2;
	s7 =	smax.u32 s7, $0x1;
	s1 =	smul.u32 $0x300, s1  }
0x18: {  	s14 =	simm.s32 $0x2A00;
	s15 =	simm.s32 $0x3200;
	s8 =	sadd.s32 s8, s0  }
0x19: {  	v2 =	vlaneseq.u32;
	[dreg:$0x3] =	wrdreg s8;
	s16 =	sadd.s32 s9, s0;
	s0 =	sadd.s32 s1, s0  }
0x1a: {  	vm0 =	vmmov $0xffff;
	v1 =	vshrl.u32 v2, $0x3;
	s8 =	simm.s32 $0x9;
	s9 =	simm.s32 $0x200;
	[dreg:$0x4] =	wrdreg s16  }
0x1b: {  	v0 =	vand.u32 $0x7, v2;
	v2 =	vor.u32 $0x8, v2;
	v1 =	vmul.u32 $0x8, v1;
	[dreg:$0x5] =	wrdreg s0;
	s16 =	simm.s32 $0x3A00;
	s0 =	simm.s32 $0x0  }
.LBB2_1:
0x1c: {  	[tilespmem:s3], [sflag:$0x9] =	stream.linear.gather [hbm4b:s4+s3], $0x200, $0x38;
	[tilespmem:$0xC200] =	vst v63  }
0x1d: {  	_ =	swait.ge [sflag:s8], $0x200  }
0x1e: {  	[sflag:s8] =	ssyncset.done $0x0  }
0x1f: {  	[sflag:s8] =	ssyncadd.s32 $0xFFFFFE00  }
0x20: {  	v3 =	vld [tilespmem:$0x0];
	_ =	sdelay $0x4  }
0x21: {  	v4 =	vshrl.u32 v3, $0x3  }
0x22: {  	v4 =	vmul.u32 $0x30, v4  }
0x23: {  	v3 =	vand.u32 $0x7, v3  }
0x24: {  	v3 =	vor.u32 v3, v4  }
0x25: {  	v4 =	vperm.xlane v3, v0;
	_ =	sdelay $0x1  }
0x26: {  	v4 =	vadd.s32 v1, v4;
	_ =	sdelay $0x3  }
0x27: {  	v3 =	vperm.xlane v3, v2  }
0x28: {  	[tilespmem:s9], [sflag:$0x1] =	stream.indirect_vreg.gather [hbm4b:s2+s3], $0x80, v4, vm0, $0xb8;
	[tilespmem:$0xC200] =	vst v63  }
0x29: {  	s1 =	simm.s32 $0xA00;
	v3 =	vadd.s32 v1, v3  }
0x2a: {  	[tilespmem:s1], [sflag:$0x1] =	stream.indirect_vreg.gather [hbm4b:s5+s3], $0x80, v4, vm0, $0xb8;
	[tilespmem:$0xC200] =	vst v63  }
0x2b: {  	s11 =	simm.s32 $0x1200  }
0x2c: {  	[tilespmem:s11], [sflag:$0x1] =	stream.indirect_vreg.gather [hbm4b:s6+s3], $0x80, v4, vm0, $0xb8;
	[tilespmem:$0xC200] =	vst v63  }
0x2d: {  	s12 =	simm.s32 $0x1A00  }
0x2e: {  	[tilespmem:s12], [sflag:$0x1] =	stream.indirect_vreg.gather [hbm4b:s2+s3], $0x80, v3, vm0, $0xb8;
	[tilespmem:$0xC200] =	vst v63  }
0x2f: {  	s13 =	simm.s32 $0x2200  }
0x30: {  	[tilespmem:s13], [sflag:$0x1] =	stream.indirect_vreg.gather [hbm4b:s5+s3], $0x80, v3, vm0, $0xb8;
	[tilespmem:$0xC200] =	vst v63  }
0x31: {  	_ = 	snop  }
0x32: {  	[tilespmem:s14], [sflag:$0x1] =	stream.indirect_vreg.gather [hbm4b:s6+s3], $0x80, v3, vm0, $0xb8;
	[tilespmem:$0xC200] =	vst v63  }
0x33: {  	v3 =	vld [tilespmem:$0x10];
	_ =	sdelay $0x4  }
0x34: {  	v63 =	vshrl.u32 v3, $0x3  }
0x35: {  	v4 =	vmul.u32 $0x30, v63  }
0x36: {  	v3 =	vand.u32 $0x7, v3  }
0x37: {  	v3 =	vor.u32 v3, v4  }
0x38: {  	v4 =	vperm.xlane v3, v0;
	_ =	sdelay $0x1  }
0x39: {  	v4 =	vadd.s32 v1, v4;
	_ =	sdelay $0x3  }
0x3a: {  	v3 =	vperm.xlane v3, v2  }
0x3b: {  	[tilespmem:s15], [sflag:$0x2] =	stream.indirect_vreg.gather [hbm4b:s2+s3], $0x80, v4, vm0, $0xb8;
	[tilespmem:$0xC200] =	vst v63  }
0x3c: {  	v3 =	vadd.s32 v1, v3  }
0x3d: {  	[tilespmem:s16], [sflag:$0x2] =	stream.indirect_vreg.gather [hbm4b:s5+s3], $0x80, v4, vm0, $0xb8;
	[tilespmem:$0xC200] =	vst v63  }
0x3e: {  	_ = 	snop  }
0x3f: {  	[tilespmem:s17], [sflag:$0x2] =	stream.indirect_vreg.gather [hbm4b:s6+s3], $0x80, v4, vm0, $0xb8;
	[tilespmem:$0xC200] =	vst v63  }
0x40: {  	_ = 	snop  }
0x41: {  	[tilespmem:s18], [sflag:$0x2] =	stream.indirect_vreg.gather [hbm4b:s2+s3], $0x80, v3, vm0, $0xb8;
	[tilespmem:$0xC200] =	vst v63  }
0x42: {  	_ = 	snop  }
0x43: {  	[tilespmem:s19], [sflag:$0x2] =	stream.indirect_vreg.gather [hbm4b:s5+s3], $0x80, v3, vm0, $0xb8;
	[tilespmem:$0xC200] =	vst v63  }
0x44: {  	s10 =	simm.s32 $0x0;
	s1 =	simm.s32 $0x30  }
0x45: {  	[tilespmem:s20], [sflag:$0x2] =	stream.indirect_vreg.gather [hbm4b:s6+s3], $0x80, v3, vm0, $0xb8;
	[tilespmem:$0xC200] =	vst v63  }
.LBB2_2:
0x46: {  	p0 =	seq.s32 s10, $0x0  }
0x47: {  	s11 =	simm.s32 @!p0 $0x7  }
0x48: {  	_ =	swait.ge @!p0 [sflag:s11], $0x3000  }
0x49: {  	[sflag:s11] =	ssyncset.done @!p0 $0x0  }
0x4a: {  	[sflag:s11] =	ssyncadd.s32 @!p0 $0xFFFFD000  }
0x4b: {  	v3 =	vld [tilespmem:s1+$0xFFFFFFF0];
	_ =	sdelay $0x4  }
0x4c: {  	v4 =	vshrl.u32 v3, $0x3  }
0x4d: {  	v4 =	vmul.u32 $0x30, v4  }
0x4e: {  	v3 =	vand.u32 $0x7, v3  }
0x4f: {  	v3 =	vor.u32 v3, v4  }
0x50: {  	v4 =	vperm.xlane v3, v0;
	_ =	sdelay $0x1  }
0x51: {  	v4 =	vadd.s32 v1, v4;
	_ =	sdelay $0x3  }
0x52: {  	v3 =	vperm.xlane v3, v2  }
0x53: {  	[tilespmem:s21], [sflag:$0x3] =	stream.indirect_vreg.gather [hbm4b:s2+s3], $0x80, v4, vm0, $0xb8;
	[tilespmem:$0xC200] =	vst v63  }
0x54: {  	s13 =	rddreg [dreg:$0x6];
	v3 =	vadd.s32 v1, v3  }
0x55: {  	[tilespmem:s13], [sflag:$0x3] =	stream.indirect_vreg.gather [hbm4b:s5+s3], $0x80, v4, vm0, $0xb8;
	[tilespmem:$0xC200] =	vst v63  }
0x56: {  	s12 =	rddreg [dreg:$0x7]  }
0x57: {  	[tilespmem:s12], [sflag:$0x3] =	stream.indirect_vreg.gather [hbm4b:s6+s3], $0x80, v4, vm0, $0xb8;
	[tilespmem:$0xC200] =	vst v63  }
0x58: {  	s13 =	rddreg [dreg:$0x8]  }
0x59: {  	[tilespmem:s13], [sflag:$0x3] =	stream.indirect_vreg.gather [hbm4b:s2+s3], $0x80, v3, vm0, $0xb8;
	[tilespmem:$0xC200] =	vst v63  }
0x5a: {  	s12 =	rddreg [dreg:$0x9]  }
0x5b: {  	[tilespmem:s12], [sflag:$0x3] =	stream.indirect_vreg.gather [hbm4b:s5+s3], $0x80, v3, vm0, $0xb8;
	[tilespmem:$0xC200] =	vst v63  }
0x5c: {  	s13 =	rddreg [dreg:$0xa]  }
0x5d: {  	[tilespmem:s13], [sflag:$0x3] =	stream.indirect_vreg.gather [hbm4b:s6+s3], $0x80, v3, vm0, $0xb8;
	[tilespmem:$0xC200] =	vst v63  }
0x5e: {  	_ =	swait.ge [sflag:s22], $0x3000  }
0x5f: {  	s12 =	rddreg [dreg:$0x3];
	[sflag:s22] =	ssyncset.done $0x0  }
0x60: {  	[sflag:s22] =	ssyncadd.s32 $0xFFFFD000;
	s11 =	sadd.s32 s10, s12;
	s12 =	simm.s32 @!p0 $0x8  }
0x61: {  	[hbm4b:s11+s3] =	stream.linear.scatter [tilespmem:s9], [sflag:$0x5], $0x3000, $0x38;
	[tilespmem:$0xC200] =	vst v63  }
0x62: {  	_ =	swait.ge @!p0 [sflag:s12], $0x3000  }
0x63: {  	[sflag:s12] =	ssyncset.done @!p0 $0x0  }
0x64: {  	[sflag:s12] =	ssyncadd.s32 @!p0 $0xFFFFD000  }
0x65: {  	v3 =	vld [tilespmem:s1+$0x0];
	_ =	sdelay $0x4  }
0x66: {  	v63 =	vshrl.u32 v3, $0x3  }
0x67: {  	v4 =	vmul.u32 $0x30, v63  }
0x68: {  	v3 =	vand.u32 $0x7, v3  }
0x69: {  	v3 =	vor.u32 v3, v4  }
0x6a: {  	v4 =	vperm.xlane v3, v0;
	_ =	sdelay $0x1  }
0x6b: {  	v4 =	vadd.s32 v1, v4;
	_ =	sdelay $0x3  }
0x6c: {  	v3 =	vperm.xlane v3, v2  }
0x6d: {  	[tilespmem:s23], [sflag:$0x4] =	stream.indirect_vreg.gather [hbm4b:s2+s3], $0x80, v4, vm0, $0xb8;
	[tilespmem:$0xC200] =	vst v63  }
0x6e: {  	s12 =	rddreg [dreg:$0xb];
	v3 =	vadd.s32 v1, v3  }
0x6f: {  	[tilespmem:s12], [sflag:$0x4] =	stream.indirect_vreg.gather [hbm4b:s5+s3], $0x80, v4, vm0, $0xb8;
	[tilespmem:$0xC200] =	vst v63  }
0x70: {  	s13 =	rddreg [dreg:$0xc]  }
0x71: {  	[tilespmem:s13], [sflag:$0x4] =	stream.indirect_vreg.gather [hbm4b:s6+s3], $0x80, v4, vm0, $0xb8;
	[tilespmem:$0xC200] =	vst v63  }
0x72: {  	s12 =	rddreg [dreg:$0xd]  }
0x73: {  	[tilespmem:s12], [sflag:$0x4] =	stream.indirect_vreg.gather [hbm4b:s2+s3], $0x80, v3, vm0, $0xb8;
	[tilespmem:$0xC200] =	vst v63  }
0x74: {  	s13 =	rddreg [dreg:$0xe]  }
0x75: {  	[tilespmem:s13], [sflag:$0x4] =	stream.indirect_vreg.gather [hbm4b:s5+s3], $0x80, v3, vm0, $0xb8;
	[tilespmem:$0xC200] =	vst v63  }
0x76: {  	s12 =	rddreg [dreg:$0xf]  }
0x77: {  	[tilespmem:s12], [sflag:$0x4] =	stream.indirect_vreg.gather [hbm4b:s6+s3], $0x80, v3, vm0, $0xb8;
	[tilespmem:$0xC200] =	vst v63  }
0x78: {  	_ =	swait.ge [sflag:s24], $0x3000  }
0x79: {  	[sflag:s24] =	ssyncset.done $0x0  }
0x7a: {  	s11 =	sadd.s32 $0xC000, s11;
	[sflag:s24] =	ssyncadd.s32 $0xFFFFD000  }
0x7b: {  	[hbm4b:s11+s3] =	stream.linear.scatter [tilespmem:s15], [sflag:$0x6], $0x3000, $0x38;
	[tilespmem:$0xC200] =	vst v63  }
0x7c: {  	_ =	swait.ge [sflag:s25], $0x3000  }
0x7d: {  	[sflag:s25] =	ssyncset.done $0x0  }
0x7e: {  	p0 =	seq.s32 s10, $0x150000;
	[sflag:s25] =	ssyncadd.s32 $0xFFFFD000  }
0x7f: {  	v3 =	vld @!p0 [tilespmem:s1+$0x10];
	_ =	sdelay $0x4  }
0x80: {  	v4 =	vshrl.u32 @!p0 v3, $0x3  }
0x81: {  	v4 =	vmul.u32 @!p0 $0x30, v4  }
0x82: {  	v5 =	vlaneseq.u32 @!p0;
	v3 =	vand.u32 @!p0 $0x7, v3  }
0x83: {  	v6 =	vshrl.u32 @!p0 v5, $0x3;
	v3 =	vor.u32 @!p0 v3, v4;
	v4 =	vand.u32 @!p0 $0x7, v5  }
0x84: {  	v6 =	vmul.u32 @!p0 $0x8, v6;
	v7 =	vperm.xlane @!p0 v3, v4;
	_ =	sdelay $0x1  }
0x85: {  	v7 =	vadd.s32 @!p0 v6, v7;
	_ =	sdelay $0x2  }
0x86: {  	v5 =	vor.u32 @!p0 $0x8, v5  }
0x87: {  	vm1 =	vmmov @!p0 $0xffff;
	s12 =	simm.s32 @!p0 $0x200;
	s11 =	simm.s32 @!p0 $0x0;
	v3 =	vperm.xlane @!p0 v3, v5  }
0x88: {  	[tilespmem:s12], [sflag:$0x1] =	stream.indirect_vreg.gather @!p0 [hbm4b:s2+s11], $0x80, v7, vm1, $0xb8;
	[tilespmem:$0xC200] =	vst v63  }
0x89: {  	v3 =	vadd.s32 @!p0 v6, v3;
	s12 =	simm.s32 @!p0 $0xA00  }
0x8a: {  	[tilespmem:s12], [sflag:$0x1] =	stream.indirect_vreg.gather @!p0 [hbm4b:s5+s11], $0x80, v7, vm1, $0xb8;
	[tilespmem:$0xC200] =	vst v63  }
0x8b: {  	s12 =	simm.s32 @!p0 $0x1200  }
0x8c: {  	[tilespmem:s12], [sflag:$0x1] =	stream.indirect_vreg.gather @!p0 [hbm4b:s6+s11], $0x80, v7, vm1, $0xb8;
	[tilespmem:$0xC200] =	vst v63  }
0x8d: {  	s12 =	simm.s32 @!p0 $0x1A00  }
0x8e: {  	[tilespmem:s12], [sflag:$0x1] =	stream.indirect_vreg.gather @!p0 [hbm4b:s2+s11], $0x80, v3, vm1, $0xb8;
	[tilespmem:$0xC200] =	vst v63  }
0x8f: {  	s12 =	simm.s32 @!p0 $0x2200  }
0x90: {  	[tilespmem:s12], [sflag:$0x1] =	stream.indirect_vreg.gather @!p0 [hbm4b:s5+s11], $0x80, v3, vm1, $0xb8;
	[tilespmem:$0xC200] =	vst v63  }
0x91: {  	s12 =	simm.s32 @!p0 $0x2A00  }
0x92: {  	[tilespmem:s12], [sflag:$0x1] =	stream.indirect_vreg.gather @!p0 [hbm4b:s6+s11], $0x80, v3, vm1, $0xb8;
	[tilespmem:$0xC200] =	vst v63  }
0x93: {  	_ =	swait.ge [sflag:s26], $0x3000  }
0x94: {  	s13 =	rddreg [dreg:$0x5];
	[sflag:s26] =	ssyncset.done $0x0  }
0x95: {  	[sflag:s26] =	ssyncadd.s32 $0xFFFFD000;
	s12 =	sadd.s32 s10, s13  }
0x96: {  	[hbm4b:s12+s3] =	stream.linear.scatter [tilespmem:s21], [sflag:$0x7], $0x3000, $0x38;
	[tilespmem:$0xC200] =	vst v63  }
0x97: {  	_ =	swait.ge [sflag:s28], $0x3000  }
0x98: {  	[sflag:s28] =	ssyncset.done $0x0  }
0x99: {  	[sflag:s28] =	ssyncadd.s32 $0xFFFFD000  }
0x9a: {  	v3 =	vld @!p0 [tilespmem:s1+$0x20];
	_ =	sdelay $0x4  }
0x9b: {  	v7 =	vshrl.u32 @!p0 v3, $0x3  }
0x9c: {  	v7 =	vmul.u32 @!p0 $0x30, v7  }
0x9d: {  	v3 =	vand.u32 @!p0 $0x7, v3  }
0x9e: {  	v3 =	vor.u32 @!p0 v3, v7  }
0x9f: {  	v4 =	vperm.xlane @!p0 v3, v4;
	_ =	sdelay $0x1  }
0xa0: {  	v4 =	vadd.s32 @!p0 v6, v4;
	_ =	sdelay $0x3  }
0xa1: {  	s12 =	simm.s32 @!p0 $0x3200;
	v3 =	vperm.xlane @!p0 v3, v5  }
0xa2: {  	[tilespmem:s12], [sflag:$0x2] =	stream.indirect_vreg.gather @!p0 [hbm4b:s2+s11], $0x80, v4, vm1, $0xb8;
	[tilespmem:$0xC200] =	vst v63  }
0xa3: {  	v3 =	vadd.s32 @!p0 v6, v3;
	s12 =	simm.s32 @!p0 $0x3A00  }
0xa4: {  	[tilespmem:s12], [sflag:$0x2] =	stream.indirect_vreg.gather @!p0 [hbm4b:s5+s11], $0x80, v4, vm1, $0xb8;
	[tilespmem:$0xC200] =	vst v63  }
0xa5: {  	s12 =	simm.s32 @!p0 $0x4200  }
0xa6: {  	[tilespmem:s12], [sflag:$0x2] =	stream.indirect_vreg.gather @!p0 [hbm4b:s6+s11], $0x80, v4, vm1, $0xb8;
	[tilespmem:$0xC200] =	vst v63  }
0xa7: {  	s12 =	simm.s32 @!p0 $0x4A00  }
0xa8: {  	[tilespmem:s12], [sflag:$0x2] =	stream.indirect_vreg.gather @!p0 [hbm4b:s2+s11], $0x80, v3, vm1, $0xb8;
	[tilespmem:$0xC200] =	vst v63  }
0xa9: {  	s12 =	simm.s32 @!p0 $0x5200  }
0xaa: {  	[tilespmem:s12], [sflag:$0x2] =	stream.indirect_vreg.gather @!p0 [hbm4b:s5+s11], $0x80, v3, vm1, $0xb8;
	[tilespmem:$0xC200] =	vst v63  }
0xab: {  	s12 =	simm.s32 @!p0 $0x5A00  }
0xac: {  	[tilespmem:s12], [sflag:$0x2] =	stream.indirect_vreg.gather @!p0 [hbm4b:s6+s11], $0x80, v3, vm1, $0xb8;
	[tilespmem:$0xC200] =	vst v63  }
0xad: {  	_ =	swait.ge [sflag:s29], $0x3000  }
0xae: {  	s13 =	rddreg [dreg:$0x4]  }
0xaf: {  	s11 =	sadd.s32 s10, s13;
	s10 =	sadd.s32 $0x30000, s10  }
0xb0: {  	p0 =	sne.s32 s10, $0x180000  }
.Ltmp0:
0xb1: {  	_ = 	snop;
	(pc) =	sbr.rel @p0 .LBB2_2-.Ltmp0, $4  }
0xb2: {  	_ = 	snop  }
0xb3: {  	[sflag:s29] =	ssyncset.done $0x0  }
0xb4: {  	s1 =	sadd.s32 $0x40, s1;
	[sflag:s29] =	ssyncadd.s32 $0xFFFFD000  }
0xb5: {  	[hbm4b:s11+s3] =	stream.linear.scatter [tilespmem:s23], [sflag:$0x8], $0x3000, $0x38;
	[tilespmem:$0xC200] =	vst v63  }
0xb6: {  	s0 =	sadd.s32 $0x1, s0  }
0xb7: {  	_ =	swait.ge [sflag:s30], $0x3000;
	p0 =	sne.s32 s0, s7  }
.Ltmp1:
0xb8: {  	[sflag:s30] =	ssyncset.done $0x0;
	(pc) =	sbr.rel @p0 .LBB2_1-.Ltmp1, $4  }
0xb9: {  	[sflag:s30] =	ssyncadd.s32 $0xFFFFD000  }
0xba: {  	_ =	swait.ge [sflag:s31], $0x3000  }
0xbb: {  	[sflag:s31] =	ssyncset.done $0x0  }
0xbc: {  	[sflag:s31] =	ssyncadd.s32 $0xFFFFD000  }
0xbd: {  	_ =	sfence.sel $0x180000  }
0xbe: {  	[bflag:$0x0] =	sbarrier.arrive $0xFFFF  }
0xbf: {  	_ =	strace $0x9000004A  }
0xc0: {  	s0 =	stileid.u32;
	[bflag:$0x2] =	sbarrier.arrive $0xFFFF  }
0xc1: {  	p0 =	sne.s32 s0, $0x0;
	s0 =	rddreg [dreg:$0x2]  }
0xc2: {  	s0 =	sadd.s32 @!p0 $0x100000, s0  }
0xc3: {  	[sflag:s0] =	ssyncadd.tile.s32 @!p0 $0x1;
	_ =	shalt  }
.Lfunc_end2:
_tile_overlayer_lowered:
.L_overlay_start_2:
0xc4: {  	(tag) =	ssettag $0x2  }
0xc5: {  	s0 =	rddreg [dreg:$0x0];
	s2 =	stileid.u32  }
0xc6: {  	s1 =	rddreg [dreg:$0x1];
	p0 =	sne.s32 s2, $0x0  }
0xc7: {  	s3 =	rddreg [dreg:$0x2];
	[bflag:$0x3] =	sbarrier.arrive $0xFFFF;
	s2 =	simm.s32 @!p0 $0x1C09  }
0xc8: {  	[timem:s3], [sflag:s2] =	dma.local @!p0 [hbm:s0], s1  }
0xc9: {  	s0 =	simm.s32 @!p0 $0x9  }
0xca: {  	_ =	swait.ge @!p0 [sflag:s0], s1  }
0xcb: {  	s1 =	ssub.s32 @!p0 $0x0, s1;
	[sflag:s0] =	ssyncset.done @!p0 $0x0  }
0xcc: {  	[sflag:s0] =	ssyncadd.s32 @!p0 s1  }
0xcd: {  	[bflag:$0x3] =	sbarrier.arrive $0xFFFF  }
0xce: {  	_ =	shalt  }

// kernel: kernel.16.cloned.1.call-start
scs
__scs_entry_jumppad:
0x0: {  	(pc) =	sbr.rel $0x88, $3  }
0x1: {  	(tag) =	ssettag $0x0;
	lr =	simm.s32 $0x1  }
0x2: {  	[smem:$0x3F9A] =	sst lr;
	_ =	strace $0xD0000000  }
0x3: {  	_ = 	snop  }
0x4: {  	_ = 	snop  }
0x5: {  	_ = 	snop  }
0x6: {  	_ = 	snop  }
0x7: {  	_ = 	snop  }
__scs_overlays_trampoline_lowered:
0x8: {  	[smem:$0x3FA9] =	sst s0  }
0x9: {  	[smem:$0x3FAA] =	sst s1  }
0xa: {  	[smem:$0x3FAB] =	sst s2  }
0xb: {  	[smem:$0x3FAC] =	sst s3  }
0xc: {  	[smem:$0x3FAD] =	sst s4  }
0xd: {  	[smem:$0x3FAE] =	sst s5  }
0xe: {  	[smem:$0x3FAF] =	sst s6  }
0xf: {  	[smem:$0x3FB0] =	sst s7  }
0x10: {  	[smem:$0x3FB1] =	sst s8  }
0x11: {  	[smem:$0x3FB2] =	sst s9;
	s0 =	simm.s32 @!p0 $0x0  }
0x12: {  	s1 =	sld [smem:$0x3F98];
	s0 =	simm.s32 @p0 $0x1  }
0x13: {  	[smem:$0x3FB3] =	sst s0;
	s0 =	simm.s32 @!p1 $0x0  }
0x14: {  	s2 =	sld [smem:$0x3F97];
	s0 =	simm.s32 @p1 $0x1  }
0x15: {  	[smem:$0x3FB4] =	sst s0;
	s0 =	simm.s32 @!p2 $0x0  }
0x16: {  	s3 =	sld [smem:$0x3FDB];
	s0 =	simm.s32 @p2 $0x1  }
0x17: {  	s4 =	simm.s32 $0x1BF5;
	[smem:$0x3FB6] =	sst s0  }
0x18: {  	s0 =	sld [smem:$0x3F99];
	_ =	swait.ge [sflag:s4], $0x0  }
0x19: {  	s7 =	sld [smem:$0x3F9A]  }
0x1a: {  	s8 =	sadd.s32 $0xFFFFE003, lr  }
0x1b: {  	s9 =	sadd.s32 $0xFFFFFEF7, lr;
	s5 =	simm.s32 $0xFFFFFFFF;
	p2 =	slt.u32 s8, $0xFFFFF086  }
0x1c: {  	p1 =	slt.u32 s9, $0xF7A;
	s5 =	simm.s32 @!p2 $0x0  }
0x1d: {  	s5 =	simm.s32 @p1 $0x1;
	p0 =	seq.s32 s7, s2  }
0x1e: {  	s7 =	smul.u32 @!p0 $0xF7A, s2;
	p2 =	seq.s32 @!p0 s5, $0x0  }
0x1f: {  	s9 =	smul.u32 $0xF7A, s1;
	s8 =	simm.s32 @!p0 $0x1BF5;
	p2 =	por !p2, p0  }
0x20: {  	[sflag:s8] =	ssyncset.s32 @!p0 $0xFFFFF086;
	s6 =	sadd.s32 @!p0 s3, s7;
	s7 =	simm.s32 @!p0 $0x108  }
0x21: {  	s3 =	sadd.s32 s3, s9;
	s6 =	sadd.s32 @!p0 $0x88, s6;
	s7 =	simm.s32 @p2 $0x1082  }
0x22: {  	[simem:s7], [sflag:s8] =	dma.local @!p0 [hbm:s6], $0xF7A  }
0x23: {  	s9 =	sor.u32 $0xD0000000, s2;
	s6 =	simm.s32 $0x108;
	_ =	swait.ge @!p0 [sflag:s8], $0x0  }
0x24: {  	s3 =	sadd.s32 $0x88, s3;
	s6 =	simm.s32 @!p1 $0x1082;
	[sflag:s4] =	ssyncset.s32 $0xFFFFF086  }
0x25: {  	[simem:s6], [sflag:s4] =	dma.local [hbm:s3], $0xF7A  }
0x26: {  	[smem:$0x3F9A] =	sst s1;
	(tag) =	ssettag s2;
	_ =	strace s9  }
0x27: {  	s1 =	sld [smem:$0x3FAA]  }
0x28: {  	s2 =	sld [smem:$0x3FAB]  }
0x29: {  	s4 =	sld [smem:$0x3FAD]  }
0x2a: {  	p0 =	seq.s32 s5, $0x0;
	s5 =	sld [smem:$0x3FAE]  }
0x2b: {  	s6 =	sld [smem:$0x3FAF]  }
0x2c: {  	s7 =	sld [smem:$0x3FB0]  }
0x2d: {  	s3 =	simm.s32 $0x108;
	s8 =	sld [smem:$0x3FB1]  }
0x2e: {  	s3 =	simm.s32 @!p0 $0x1082;
	s9 =	sld [smem:$0x3FB2]  }
0x2f: {  	lr =	sadd.s32 s0, s3;
	s0 =	sld [smem:$0x3FA9]  }
0x30: {  	s3 =	sld [smem:$0x3FAC]  }
0x31: {  	[smem:$0x3FB5] =	sst s10  }
0x32: {  	s10 =	sld [smem:$0x3FB3];
	_ =	sdelay $0x3  }
0x33: {  	p0 =	seq.s32 s10, $0x1;
	s10 =	sld [smem:$0x3FB5];
	_ =	sdelay $0x3  }
0x34: {  	[smem:$0x3FB5] =	sst s10  }
0x35: {  	s10 =	sld [smem:$0x3FB4];
	_ =	sdelay $0x3  }
0x36: {  	p1 =	seq.s32 s10, $0x1;
	s10 =	sld [smem:$0x3FB5];
	_ =	sdelay $0x3  }
0x37: {  	[smem:$0x3FB5] =	sst s10  }
0x38: {  	s10 =	sld [smem:$0x3FB6]  }
0x39: {  	_ = 	snop;
	(pc) =	sbr.ind lr, $3  }
0x3a: {  	_ = 	snop  }
0x3b: {  	_ = 	snop  }
0x3c: {  	p2 =	seq.s32 s10, $0x1;
	s10 =	sld [smem:$0x3FB5]  }
0x3d: {  	_ =	shalt  }
0x3e: {  	_ =	shalt  }
0x3f: {  	_ =	shalt  }
0x40: {  	_ =	shalt  }
0x41: {  	_ =	shalt  }
0x42: {  	_ =	shalt  }
0x43: {  	_ =	shalt  }
0x44: {  	_ =	shalt  }
0x45: {  	_ =	shalt  }
0x46: {  	_ =	shalt  }
0x47: {  	_ =	shalt  }
0x48: {  	_ =	shalt  }
0x49: {  	_ =	shalt  }
0x4a: {  	_ =	shalt  }
0x4b: {  	_ =	shalt  }
0x4c: {  	_ =	shalt  }
0x4d: {  	_ =	shalt  }
0x4e: {  	_ =	shalt  }
0x4f: {  	_ =	shalt  }
0x50: {  	_ =	shalt  }
0x51: {  	_ =	shalt  }
0x52: {  	_ =	shalt  }
0x53: {  	_ =	shalt  }
0x54: {  	_ =	shalt  }
0x55: {  	_ =	shalt  }
0x56: {  	_ =	shalt  }
0x57: {  	_ =	shalt  }
0x58: {  	_ =	shalt  }
0x59: {  	_ =	shalt  }
0x5a: {  	_ =	shalt  }
0x5b: {  	_ =	shalt  }
0x5c: {  	_ =	shalt  }
0x5d: {  	_ =	shalt  }
0x5e: {  	_ =	shalt  }
0x5f: {  	_ =	shalt  }
0x60: {  	_ =	shalt  }
0x61: {  	_ =	shalt  }
0x62: {  	_ =	shalt  }
0x63: {  	_ =	shalt  }
0x64: {  	_ =	shalt  }
0x65: {  	_ =	shalt  }
0x66: {  	_ =	shalt  }
0x67: {  	_ =	shalt  }
0x68: {  	_ =	shalt  }
0x69: {  	_ =	shalt  }
0x6a: {  	_ =	shalt  }
0x6b: {  	_ =	shalt  }
0x6c: {  	_ =	shalt  }
0x6d: {  	_ =	shalt  }
0x6e: {  	_ =	shalt  }
0x6f: {  	_ =	shalt  }
0x70: {  	_ =	shalt  }
0x71: {  	_ =	shalt  }
0x72: {  	_ =	shalt  }
0x73: {  	_ =	shalt  }
0x74: {  	_ =	shalt  }
0x75: {  	_ =	shalt  }
0x76: {  	_ =	shalt  }
0x77: {  	_ =	shalt  }
0x78: {  	_ =	shalt  }
0x79: {  	_ =	shalt  }
0x7a: {  	_ =	shalt  }
0x7b: {  	_ =	shalt  }
0x7c: {  	_ =	shalt  }
0x7d: {  	_ =	shalt  }
0x7e: {  	_ =	shalt  }
0x7f: {  	_ =	shalt  }
0x80: {  	_ =	shalt  }
0x81: {  	_ =	shalt  }
0x82: {  	_ =	shalt  }
0x83: {  	_ =	shalt  }
0x84: {  	_ =	shalt  }
0x85: {  	_ =	shalt  }
0x86: {  	_ =	shalt  }
0x87: {  	_ =	shalt  }
.Lfunc_end0:
.L_simem_size_0:
called_computation.2_lowered:
.L_overlay_start_0:
0x88: {  	s2 =	sld [smem:$0x3FD9]  }
0x89: {  	s3 =	sld [smem:$0x3FFE];
	_ =	sdelay $0x1  }
0x8a: {  	s1 =	srdreg.scid  }
0x8b: {  	s0 =	sand.u32 $0x1, s1  }
0x8c: {  	s17 =	sshll.u32 s0, $0xA;
	s2 =	sadd.s32 s3, s2  }
0x8d: {  	s2 =	sadd.s32 s2, s17  }
0x8e: {  	[smem:$0x3FC1] =	sst s2  }
0x8f: {  	_ = 	snop  }
0x90: {  	s18 =	sld [smem:$0x3FC7];
	(tm) =	ssettm $0x1  }
0x91: {  	s19 =	sld [smem:$0x3FFB];
	_ =	sdelay $0x3  }
0x92: {  	_ =	strace s19  }
0x93: {  	s2 =	sld [smem:$0x3FFC];
	_ =	sdelay $0x3  }
0x94: {  	_ =	strace s2  }
0x95: {  	s2 =	sld [smem:$0x3FFD];
	_ =	sdelay $0x3  }
0x96: {  	_ =	strace s2  }
0x97: {  	_ =	strace $0x8FFFFFFF  }
0x98: {  	s20 =	sld [smem:$0x3FDB];
	_ =	sdelay $0x1  }
0x99: {  	s4 =	simm.s32 $_scs_section_size  }
0x9a: {  	s5 =	simm.s32 $_size__tile_overlayer_lowered;
	s6 =	simm.s32 $_tile_overlayer_lowered  }
0x9b: {  	s7 =	simm.s32 $0x1BFF;
	s21 =	sshll.u32 s6, $0x1;
	s4 =	sadd.s32 s4, s20  }
0x9c: {  	s22 =	simm.s32 $0x0;
	s5 =	sshll.u32 s5, $0x1;
	s6 =	sadd.s32 s21, s4  }
0x9d: {  	[timem:s22], [sflag:s7] =	dma.local [hbm:s6], s5  }
0x9e: {  	_ =	swait.ge [sflag:s7], s5  }
0x9f: {  	s5 =	ssub.s32 $0x0, s5;
	[sflag:s7] =	ssyncset.done $0x0  }
0xa0: {  	[sflag:s7] =	ssyncadd.s32 s5;
	_ =	sdelay $0x1  }
0xa1: {  	s23 =	simm.s32 $0x1B8B  }
0xa2: {  	_ =	swait.ge [sflag:s23], $0x1  }
0xa3: {  	[sflag:s23] =	ssyncset.done $0x0  }
0xa4: {  	[sflag:s23] =	ssyncadd.s32 $0xFFFFFFFF  }
0xa5: {  	s5 =	sld [smem:$0x0]  }
0xa6: {  	s6 =	sand.u32 $0xFFFFFFFE, s1  }
0xa7: {  	p0 =	sne.s32 s1, s6  }
0xa8: {  	s6 =	sshll.u32 @p0 s6, $0xE  }
0xa9: {  	s6 =	sadd.s32 @p0 $0x11B8D, s6;
	s7 =	sshll.u32 @p0 s5, $0x11  }
0xaa: {  	s6 =	sor.u32 @p0 s7, s6  }
0xab: {  	[sflag:s6] =	ssyncadd.remote.s32 @p0 $0x1;
	_ =	sdelay $0x1  }
0xac: {  	s6 =	simm.s32 @p0 $0x1B8D  }
0xad: {  	_ =	swait.eq @p0 [sflag:s6], $0x1  }
0xae: {  	[sflag:s6] =	ssyncadd.s32 @p0 $0xFFFFFFFF  }
0xaf: {  	s7 =	sshll.u32 @!p0 s1, $0xE  }
0xb0: {  	s7 =	sor.u32 @!p0 $0x4000, s7;
	s6 =	simm.s32 @!p0 $0x1B8D  }
0xb1: {  	s5 =	sshll.u32 @!p0 s5, $0x11;
	s7 =	sadd.s32 @!p0 $0x11B8D, s7;
	_ =	swait.eq @!p0 [sflag:s6], $0x1  }
0xb2: {  	s5 =	sor.u32 @!p0 s5, s7;
	[sflag:s6] =	ssyncadd.s32 @!p0 $0xFFFFFFFF  }
0xb3: {  	s25 =	simm.s32 $0x1B8E;
	s24 =	sld [smem:$0x3FFE];
	[sflag:s5] =	ssyncadd.remote.s32 @!p0 $0x1  }
0xb4: {  	s26 =	simm.s32 $execute0_lowered;
	[smem:$0x3FD2] =	sst s25  }
0xb5: {  	s6 =	sshll.u32 s26, $0x1;
	_ =	strace $0x8000004C;
	[dreg:$0x1] =	wrdreg $0xFFFFFFFF  }
0xb6: {  	s28 =	simm.s32 $_size_execute0_lowered;
	s4 =	sadd.s32 s4, s6;
	[dreg:$0x0] =	wrdreg $0x0  }
0xb7: {  	s6 =	sshll.u32 s28, $0x1;
	[dreg:$0x2] =	wrdreg s4  }
0xb8: {  	[dreg:$0x3] =	wrdreg s6  }
0xb9: {  	[dreg:$0x4] =	wrdreg $0xC0  }
0xba: {  	_ =	task [dreg:s22], $0x5FFFF  }
0xbb: {  	[dreg:$0x1] =	wrdreg $0xFFFFFFFF  }
0xbc: {  	[dreg:$0x0] =	wrdreg $0x60  }
0xbd: {  	[dreg:$0x2] =	wrdreg s24  }
0xbe: {  	[dreg:$0x3] =	wrdreg s18  }
0xbf: {  	[dreg:$0x4] =	wrdreg $0xB  }
0xc0: {  	_ =	task.clear_ibuf [dreg:s22], $0x5FFFF;
	_ =	strace $0x9000004C  }
0xc1: {  	s29 =	simm.s32 $0xB;
	_ =	strace $0x8000004E  }
0xc2: {  	_ =	swait.ge [sflag:s29], $0x1  }
0xc3: {  	[sflag:s29] =	ssyncadd.s32 $0xFFFFFFFF  }
0xc4: {  	_ =	strace $0x9000004E  }
0xc5: {  	_ =	sfence  }
0xc6: {  	s30 =	sld [smem:$0x0];
	_ =	sdelay $0x2  }
0xc7: {  	s31 =	sshll.u32 s1, $0xD;
	s1 =	sshrl.u32 s1, $0x2  }
0xc8: {  	s4 =	sand.u32 $0x4000, s31;
	s1 =	sadd.s32 s1, s30  }
0xc9: {  	s0 =	sor.u32 s4, s0;
	s1 =	sshll.u32 s1, $0x11  }
0xca: {  	s0 =	sor.u32 s1, s0  }
0xcb: {  	s0 =	sadd.s32 $0x8F2B, s0  }
0xcc: {  	[sflag:s0] =	ssyncadd.remote.s32 $0x1  }
0xcd: {  	_ =	sfence.sel $0xFFFF  }
0xce: {  	[dreg:$0x0] =	wrdreg $0xFFFFFFFF;
	(pc) =	sbr.abs _section_cstart, $3  }
0xcf: {  	[dreg:$0x1] =	wrdreg $0xFFFFFFFF  }
0xd0: {  	_ =	task.clear_ibuf [dreg:s22], $0x2FFFF;
	_ =	strace $0x9FFFFFFF  }
0xd1: {  	(tm) =	ssettm $0x7FFFFFFF  }
tec
execute0_lowered:
.L_overlay_start_1:
0x0: {  	(tag) =	ssettag $0x1  }
0x1: {  	s0 =	rddreg [dreg:$0x0]  }
0x2: {  	s2 =	rddreg [dreg:$0x1]  }
0x3: {  	s1 =	srdreg.scid;
	s6 =	stileid.u32;
	s3 =	simm.s32 $0x0  }
0x4: {  	s17 =	simm.s32 $0x6A00;
	s18 =	simm.s32 $0x7200;
	s19 =	simm.s32 $0x7A00  }
0x5: {  	s20 =	simm.s32 $0x8200;
	s21 =	simm.s32 $0x8A00;
	s22 =	simm.s32 $0x9A00  }
0x6: {  	s23 =	simm.s32 $0xA200;
	s24 =	simm.s32 $0xAA00;
	[smem:$0x7FF] =	sst s3  }
0x7: {  	s25 =	simm.s32 $0xB200;
	_ =	strace $0x8000004D;
	[dreg:$0x6] =	wrdreg s17  }
0x8: {  	s26 =	simm.s32 $0xBA00;
	s28 =	simm.s32 $0x6;
	[dreg:$0x7] =	wrdreg s18  }
0x9: {  	s29 =	simm.s32 $0x4;
	s30 =	simm.s32 $0x7;
	[dreg:$0x8] =	wrdreg s19  }
0xa: {  	s31 =	simm.s32 $0x8;
	s1 =	sand.u32 $0x1, s1;
	[dreg:$0x9] =	wrdreg s20  }
0xb: {  	s4 =	sshll.u32 s6, $0x7;
	s6 =	sshll.u32 s6, $0x5;
	[dreg:$0xa] =	wrdreg s21  }
0xc: {  	s5 =	sshll.u32 s1, $0x6;
	s13 =	ssub.s32 $0x2, s1;
	[dreg:$0xb] =	wrdreg s22  }
0xd: {  	s1 =	sshll.u32 s1, $0x4;
	s17 =	simm.s32 $0x4200;
	[dreg:$0xc] =	wrdreg s23  }
0xe: {  	s18 =	simm.s32 $0x4A00;
	s19 =	simm.s32 $0x5200;
	[dreg:$0xd] =	wrdreg s24  }
0xf: {  	s20 =	simm.s32 $0x5A00;
	s21 =	simm.s32 $0x6200;
	[dreg:$0xe] =	wrdreg s25  }
0x10: {  	s22 =	simm.s32 $0x1;
	s23 =	simm.s32 $0x9200;
	[dreg:$0xf] =	wrdreg s26  }
0x11: {  	s24 =	simm.s32 $0x2;
	s25 =	simm.s32 $0x5;
	s26 =	simm.s32 $0x3  }
0x12: {  	s4 =	sor.u32 s5, s4;
	s7 =	sshrl.u32 s13, $0x1;
	s1 =	sor.u32 s1, s6  }
0x13: {  	s5 =	sadd.s32 $0x100, s2;
	s4 =	sadd.s32 s4, s0;
	s0 =	sadd.s32 $0x303A00, s0  }
0x14: {  	s7 =	ssub.s32 s13, s7;
	s14 =	sshrl.u32 s1, $0x3;
	s6 =	sor.u32 $0x600, s1  }
0x15: {  	s1 =	sor.u32 $0x400, s1;
	s8 =	smul.u32 $0x300, s14;
	s15 =	sshrl.u32 s6, $0x3  }
0x16: {  	s4 =	sadd.s32 $0x2200, s4;
	s1 =	sshrl.u32 s1, $0x3;
	s9 =	smul.u32 $0x300, s15  }
0x17: {  	s6 =	sadd.s32 $0x200, s2;
	s7 =	smax.u32 s7, $0x1;
	s1 =	smul.u32 $0x300, s1  }
0x18: {  	s14 =	simm.s32 $0x2A00;
	s15 =	simm.s32 $0x3200;
	s8 =	sadd.s32 s8, s0  }
0x19: {  	v2 =	vlaneseq.u32;
	[dreg:$0x3] =	wrdreg s8;
	s16 =	sadd.s32 s9, s0;
	s0 =	sadd.s32 s1, s0  }
0x1a: {  	vm0 =	vmmov $0xffff;
	v1 =	vshrl.u32 v2, $0x3;
	s8 =	simm.s32 $0x9;
	s9 =	simm.s32 $0x200;
	[dreg:$0x4] =	wrdreg s16  }
0x1b: {  	v0 =	vand.u32 $0x7, v2;
	v2 =	vor.u32 $0x8, v2;
	v1 =	vmul.u32 $0x8, v1;
	[dreg:$0x5] =	wrdreg s0;
	s16 =	simm.s32 $0x3A00;
	s0 =	simm.s32 $0x0  }
.LBB2_1:
0x1c: {  	[tilespmem:s3], [sflag:$0x9] =	stream.linear.gather [hbm4b:s4+s3], $0x200, $0x38;
	[tilespmem:$0xC200] =	vst v63  }
0x1d: {  	_ =	swait.ge [sflag:s8], $0x200  }
0x1e: {  	[sflag:s8] =	ssyncset.done $0x0  }
0x1f: {  	[sflag:s8] =	ssyncadd.s32 $0xFFFFFE00  }
0x20: {  	v3 =	vld [tilespmem:$0x0];
	_ =	sdelay $0x4  }
0x21: {  	v4 =	vshrl.u32 v3, $0x3  }
0x22: {  	v4 =	vmul.u32 $0x30, v4  }
0x23: {  	v3 =	vand.u32 $0x7, v3  }
0x24: {  	v3 =	vor.u32 v3, v4  }
0x25: {  	v4 =	vperm.xlane v3, v0;
	_ =	sdelay $0x1  }
0x26: {  	v4 =	vadd.s32 v1, v4;
	_ =	sdelay $0x3  }
0x27: {  	v3 =	vperm.xlane v3, v2  }
0x28: {  	[tilespmem:s9], [sflag:$0x1] =	stream.indirect_vreg.gather [hbm4b:s2+s3], $0x80, v4, vm0, $0xb8;
	[tilespmem:$0xC200] =	vst v63  }
0x29: {  	s1 =	simm.s32 $0xA00;
	v3 =	vadd.s32 v1, v3  }
0x2a: {  	[tilespmem:s1], [sflag:$0x1] =	stream.indirect_vreg.gather [hbm4b:s5+s3], $0x80, v4, vm0, $0xb8;
	[tilespmem:$0xC200] =	vst v63  }
0x2b: {  	s11 =	simm.s32 $0x1200  }
0x2c: {  	[tilespmem:s11], [sflag:$0x1] =	stream.indirect_vreg.gather [hbm4b:s6+s3], $0x80, v4, vm0, $0xb8;
	[tilespmem:$0xC200] =	vst v63  }
0x2d: {  	s12 =	simm.s32 $0x1A00  }
0x2e: {  	[tilespmem:s12], [sflag:$0x1] =	stream.indirect_vreg.gather [hbm4b:s2+s3], $0x80, v3, vm0, $0xb8;
	[tilespmem:$0xC200] =	vst v63  }
0x2f: {  	s13 =	simm.s32 $0x2200  }
0x30: {  	[tilespmem:s13], [sflag:$0x1] =	stream.indirect_vreg.gather [hbm4b:s5+s3], $0x80, v3, vm0, $0xb8;
	[tilespmem:$0xC200] =	vst v63  }
0x31: {  	_ = 	snop  }
0x32: {  	[tilespmem:s14], [sflag:$0x1] =	stream.indirect_vreg.gather [hbm4b:s6+s3], $0x80, v3, vm0, $0xb8;
	[tilespmem:$0xC200] =	vst v63  }
0x33: {  	v3 =	vld [tilespmem:$0x10];
	_ =	sdelay $0x4  }
0x34: {  	v63 =	vshrl.u32 v3, $0x3  }
0x35: {  	v4 =	vmul.u32 $0x30, v63  }
0x36: {  	v3 =	vand.u32 $0x7, v3  }
0x37: {  	v3 =	vor.u32 v3, v4  }
0x38: {  	v4 =	vperm.xlane v3, v0;
	_ =	sdelay $0x1  }
0x39: {  	v4 =	vadd.s32 v1, v4;
	_ =	sdelay $0x3  }
0x3a: {  	v3 =	vperm.xlane v3, v2  }
0x3b: {  	[tilespmem:s15], [sflag:$0x2] =	stream.indirect_vreg.gather [hbm4b:s2+s3], $0x80, v4, vm0, $0xb8;
	[tilespmem:$0xC200] =	vst v63  }
0x3c: {  	v3 =	vadd.s32 v1, v3  }
0x3d: {  	[tilespmem:s16], [sflag:$0x2] =	stream.indirect_vreg.gather [hbm4b:s5+s3], $0x80, v4, vm0, $0xb8;
	[tilespmem:$0xC200] =	vst v63  }
0x3e: {  	_ = 	snop  }
0x3f: {  	[tilespmem:s17], [sflag:$0x2] =	stream.indirect_vreg.gather [hbm4b:s6+s3], $0x80, v4, vm0, $0xb8;
	[tilespmem:$0xC200] =	vst v63  }
0x40: {  	_ = 	snop  }
0x41: {  	[tilespmem:s18], [sflag:$0x2] =	stream.indirect_vreg.gather [hbm4b:s2+s3], $0x80, v3, vm0, $0xb8;
	[tilespmem:$0xC200] =	vst v63  }
0x42: {  	_ = 	snop  }
0x43: {  	[tilespmem:s19], [sflag:$0x2] =	stream.indirect_vreg.gather [hbm4b:s5+s3], $0x80, v3, vm0, $0xb8;
	[tilespmem:$0xC200] =	vst v63  }
0x44: {  	s10 =	simm.s32 $0x0;
	s1 =	simm.s32 $0x30  }
0x45: {  	[tilespmem:s20], [sflag:$0x2] =	stream.indirect_vreg.gather [hbm4b:s6+s3], $0x80, v3, vm0, $0xb8;
	[tilespmem:$0xC200] =	vst v63  }
.LBB2_2:
0x46: {  	p0 =	seq.s32 s10, $0x0  }
0x47: {  	s11 =	simm.s32 @!p0 $0x7  }
0x48: {  	_ =	swait.ge @!p0 [sflag:s11], $0x3000  }
0x49: {  	[sflag:s11] =	ssyncset.done @!p0 $0x0  }
0x4a: {  	[sflag:s11] =	ssyncadd.s32 @!p0 $0xFFFFD000  }
0x4b: {  	v3 =	vld [tilespmem:s1+$0xFFFFFFF0];
	_ =	sdelay $0x4  }
0x4c: {  	v4 =	vshrl.u32 v3, $0x3  }
0x4d: {  	v4 =	vmul.u32 $0x30, v4  }
0x4e: {  	v3 =	vand.u32 $0x7, v3  }
0x4f: {  	v3 =	vor.u32 v3, v4  }
0x50: {  	v4 =	vperm.xlane v3, v0;
	_ =	sdelay $0x1  }
0x51: {  	v4 =	vadd.s32 v1, v4;
	_ =	sdelay $0x3  }
0x52: {  	v3 =	vperm.xlane v3, v2  }
0x53: {  	[tilespmem:s21], [sflag:$0x3] =	stream.indirect_vreg.gather [hbm4b:s2+s3], $0x80, v4, vm0, $0xb8;
	[tilespmem:$0xC200] =	vst v63  }
0x54: {  	s13 =	rddreg [dreg:$0x6];
	v3 =	vadd.s32 v1, v3  }
0x55: {  	[tilespmem:s13], [sflag:$0x3] =	stream.indirect_vreg.gather [hbm4b:s5+s3], $0x80, v4, vm0, $0xb8;
	[tilespmem:$0xC200] =	vst v63  }
0x56: {  	s12 =	rddreg [dreg:$0x7]  }
0x57: {  	[tilespmem:s12], [sflag:$0x3] =	stream.indirect_vreg.gather [hbm4b:s6+s3], $0x80, v4, vm0, $0xb8;
	[tilespmem:$0xC200] =	vst v63  }
0x58: {  	s13 =	rddreg [dreg:$0x8]  }
0x59: {  	[tilespmem:s13], [sflag:$0x3] =	stream.indirect_vreg.gather [hbm4b:s2+s3], $0x80, v3, vm0, $0xb8;
	[tilespmem:$0xC200] =	vst v63  }
0x5a: {  	s12 =	rddreg [dreg:$0x9]  }
0x5b: {  	[tilespmem:s12], [sflag:$0x3] =	stream.indirect_vreg.gather [hbm4b:s5+s3], $0x80, v3, vm0, $0xb8;
	[tilespmem:$0xC200] =	vst v63  }
0x5c: {  	s13 =	rddreg [dreg:$0xa]  }
0x5d: {  	[tilespmem:s13], [sflag:$0x3] =	stream.indirect_vreg.gather [hbm4b:s6+s3], $0x80, v3, vm0, $0xb8;
	[tilespmem:$0xC200] =	vst v63  }
0x5e: {  	_ =	swait.ge [sflag:s22], $0x3000  }
0x5f: {  	s12 =	rddreg [dreg:$0x3];
	[sflag:s22] =	ssyncset.done $0x0  }
0x60: {  	[sflag:s22] =	ssyncadd.s32 $0xFFFFD000;
	s11 =	sadd.s32 s10, s12;
	s12 =	simm.s32 @!p0 $0x8  }
0x61: {  	[hbm4b:s11+s3] =	stream.linear.scatter [tilespmem:s9], [sflag:$0x5], $0x3000, $0x38;
	[tilespmem:$0xC200] =	vst v63  }
0x62: {  	_ =	swait.ge @!p0 [sflag:s12], $0x3000  }
0x63: {  	[sflag:s12] =	ssyncset.done @!p0 $0x0  }
0x64: {  	[sflag:s12] =	ssyncadd.s32 @!p0 $0xFFFFD000  }
0x65: {  	v3 =	vld [tilespmem:s1+$0x0];
	_ =	sdelay $0x4  }
0x66: {  	v63 =	vshrl.u32 v3, $0x3  }
0x67: {  	v4 =	vmul.u32 $0x30, v63  }
0x68: {  	v3 =	vand.u32 $0x7, v3  }
0x69: {  	v3 =	vor.u32 v3, v4  }
0x6a: {  	v4 =	vperm.xlane v3, v0;
	_ =	sdelay $0x1  }
0x6b: {  	v4 =	vadd.s32 v1, v4;
	_ =	sdelay $0x3  }
0x6c: {  	v3 =	vperm.xlane v3, v2  }
0x6d: {  	[tilespmem:s23], [sflag:$0x4] =	stream.indirect_vreg.gather [hbm4b:s2+s3], $0x80, v4, vm0, $0xb8;
	[tilespmem:$0xC200] =	vst v63  }
0x6e: {  	s12 =	rddreg [dreg:$0xb];
	v3 =	vadd.s32 v1, v3  }
0x6f: {  	[tilespmem:s12], [sflag:$0x4] =	stream.indirect_vreg.gather [hbm4b:s5+s3], $0x80, v4, vm0, $0xb8;
	[tilespmem:$0xC200] =	vst v63  }
0x70: {  	s13 =	rddreg [dreg:$0xc]  }
0x71: {  	[tilespmem:s13], [sflag:$0x4] =	stream.indirect_vreg.gather [hbm4b:s6+s3], $0x80, v4, vm0, $0xb8;
	[tilespmem:$0xC200] =	vst v63  }
0x72: {  	s12 =	rddreg [dreg:$0xd]  }
0x73: {  	[tilespmem:s12], [sflag:$0x4] =	stream.indirect_vreg.gather [hbm4b:s2+s3], $0x80, v3, vm0, $0xb8;
	[tilespmem:$0xC200] =	vst v63  }
0x74: {  	s13 =	rddreg [dreg:$0xe]  }
0x75: {  	[tilespmem:s13], [sflag:$0x4] =	stream.indirect_vreg.gather [hbm4b:s5+s3], $0x80, v3, vm0, $0xb8;
	[tilespmem:$0xC200] =	vst v63  }
0x76: {  	s12 =	rddreg [dreg:$0xf]  }
0x77: {  	[tilespmem:s12], [sflag:$0x4] =	stream.indirect_vreg.gather [hbm4b:s6+s3], $0x80, v3, vm0, $0xb8;
	[tilespmem:$0xC200] =	vst v63  }
0x78: {  	_ =	swait.ge [sflag:s24], $0x3000  }
0x79: {  	[sflag:s24] =	ssyncset.done $0x0  }
0x7a: {  	s11 =	sadd.s32 $0xC000, s11;
	[sflag:s24] =	ssyncadd.s32 $0xFFFFD000  }
0x7b: {  	[hbm4b:s11+s3] =	stream.linear.scatter [tilespmem:s15], [sflag:$0x6], $0x3000, $0x38;
	[tilespmem:$0xC200] =	vst v63  }
0x7c: {  	_ =	swait.ge [sflag:s25], $0x3000  }
0x7d: {  	[sflag:s25] =	ssyncset.done $0x0  }
0x7e: {  	p0 =	seq.s32 s10, $0x150000;
	[sflag:s25] =	ssyncadd.s32 $0xFFFFD000  }
0x7f: {  	v3 =	vld @!p0 [tilespmem:s1+$0x10];
	_ =	sdelay $0x4  }
0x80: {  	v4 =	vshrl.u32 @!p0 v3, $0x3  }
0x81: {  	v4 =	vmul.u32 @!p0 $0x30, v4  }
0x82: {  	v5 =	vlaneseq.u32 @!p0;
	v3 =	vand.u32 @!p0 $0x7, v3  }
0x83: {  	v6 =	vshrl.u32 @!p0 v5, $0x3;
	v3 =	vor.u32 @!p0 v3, v4;
	v4 =	vand.u32 @!p0 $0x7, v5  }
0x84: {  	v6 =	vmul.u32 @!p0 $0x8, v6;
	v7 =	vperm.xlane @!p0 v3, v4;
	_ =	sdelay $0x1  }
0x85: {  	v7 =	vadd.s32 @!p0 v6, v7;
	_ =	sdelay $0x2  }
0x86: {  	v5 =	vor.u32 @!p0 $0x8, v5  }
0x87: {  	vm1 =	vmmov @!p0 $0xffff;
	s12 =	simm.s32 @!p0 $0x200;
	s11 =	simm.s32 @!p0 $0x0;
	v3 =	vperm.xlane @!p0 v3, v5  }
0x88: {  	[tilespmem:s12], [sflag:$0x1] =	stream.indirect_vreg.gather @!p0 [hbm4b:s2+s11], $0x80, v7, vm1, $0xb8;
	[tilespmem:$0xC200] =	vst v63  }
0x89: {  	v3 =	vadd.s32 @!p0 v6, v3;
	s12 =	simm.s32 @!p0 $0xA00  }
0x8a: {  	[tilespmem:s12], [sflag:$0x1] =	stream.indirect_vreg.gather @!p0 [hbm4b:s5+s11], $0x80, v7, vm1, $0xb8;
	[tilespmem:$0xC200] =	vst v63  }
0x8b: {  	s12 =	simm.s32 @!p0 $0x1200  }
0x8c: {  	[tilespmem:s12], [sflag:$0x1] =	stream.indirect_vreg.gather @!p0 [hbm4b:s6+s11], $0x80, v7, vm1, $0xb8;
	[tilespmem:$0xC200] =	vst v63  }
0x8d: {  	s12 =	simm.s32 @!p0 $0x1A00  }
0x8e: {  	[tilespmem:s12], [sflag:$0x1] =	stream.indirect_vreg.gather @!p0 [hbm4b:s2+s11], $0x80, v3, vm1, $0xb8;
	[tilespmem:$0xC200] =	vst v63  }
0x8f: {  	s12 =	simm.s32 @!p0 $0x2200  }
0x90: {  	[tilespmem:s12], [sflag:$0x1] =	stream.indirect_vreg.gather @!p0 [hbm4b:s5+s11], $0x80, v3, vm1, $0xb8;
	[tilespmem:$0xC200] =	vst v63  }
0x91: {  	s12 =	simm.s32 @!p0 $0x2A00  }
0x92: {  	[tilespmem:s12], [sflag:$0x1] =	stream.indirect_vreg.gather @!p0 [hbm4b:s6+s11], $0x80, v3, vm1, $0xb8;
	[tilespmem:$0xC200] =	vst v63  }
0x93: {  	_ =	swait.ge [sflag:s26], $0x3000  }
0x94: {  	s13 =	rddreg [dreg:$0x5];
	[sflag:s26] =	ssyncset.done $0x0  }
0x95: {  	[sflag:s26] =	ssyncadd.s32 $0xFFFFD000;
	s12 =	sadd.s32 s10, s13  }
0x96: {  	[hbm4b:s12+s3] =	stream.linear.scatter [tilespmem:s21], [sflag:$0x7], $0x3000, $0x38;
	[tilespmem:$0xC200] =	vst v63  }
0x97: {  	_ =	swait.ge [sflag:s28], $0x3000  }
0x98: {  	[sflag:s28] =	ssyncset.done $0x0  }
0x99: {  	[sflag:s28] =	ssyncadd.s32 $0xFFFFD000  }
0x9a: {  	v3 =	vld @!p0 [tilespmem:s1+$0x20];
	_ =	sdelay $0x4  }
0x9b: {  	v7 =	vshrl.u32 @!p0 v3, $0x3  }
0x9c: {  	v7 =	vmul.u32 @!p0 $0x30, v7  }
0x9d: {  	v3 =	vand.u32 @!p0 $0x7, v3  }
0x9e: {  	v3 =	vor.u32 @!p0 v3, v7  }
0x9f: {  	v4 =	vperm.xlane @!p0 v3, v4;
	_ =	sdelay $0x1  }
0xa0: {  	v4 =	vadd.s32 @!p0 v6, v4;
	_ =	sdelay $0x3  }
0xa1: {  	s12 =	simm.s32 @!p0 $0x3200;
	v3 =	vperm.xlane @!p0 v3, v5  }
0xa2: {  	[tilespmem:s12], [sflag:$0x2] =	stream.indirect_vreg.gather @!p0 [hbm4b:s2+s11], $0x80, v4, vm1, $0xb8;
	[tilespmem:$0xC200] =	vst v63  }
0xa3: {  	v3 =	vadd.s32 @!p0 v6, v3;
	s12 =	simm.s32 @!p0 $0x3A00  }
0xa4: {  	[tilespmem:s12], [sflag:$0x2] =	stream.indirect_vreg.gather @!p0 [hbm4b:s5+s11], $0x80, v4, vm1, $0xb8;
	[tilespmem:$0xC200] =	vst v63  }
0xa5: {  	s12 =	simm.s32 @!p0 $0x4200  }
0xa6: {  	[tilespmem:s12], [sflag:$0x2] =	stream.indirect_vreg.gather @!p0 [hbm4b:s6+s11], $0x80, v4, vm1, $0xb8;
	[tilespmem:$0xC200] =	vst v63  }
0xa7: {  	s12 =	simm.s32 @!p0 $0x4A00  }
0xa8: {  	[tilespmem:s12], [sflag:$0x2] =	stream.indirect_vreg.gather @!p0 [hbm4b:s2+s11], $0x80, v3, vm1, $0xb8;
	[tilespmem:$0xC200] =	vst v63  }
0xa9: {  	s12 =	simm.s32 @!p0 $0x5200  }
0xaa: {  	[tilespmem:s12], [sflag:$0x2] =	stream.indirect_vreg.gather @!p0 [hbm4b:s5+s11], $0x80, v3, vm1, $0xb8;
	[tilespmem:$0xC200] =	vst v63  }
0xab: {  	s12 =	simm.s32 @!p0 $0x5A00  }
0xac: {  	[tilespmem:s12], [sflag:$0x2] =	stream.indirect_vreg.gather @!p0 [hbm4b:s6+s11], $0x80, v3, vm1, $0xb8;
	[tilespmem:$0xC200] =	vst v63  }
0xad: {  	_ =	swait.ge [sflag:s29], $0x3000  }
0xae: {  	s13 =	rddreg [dreg:$0x4]  }
0xaf: {  	s11 =	sadd.s32 s10, s13;
	s10 =	sadd.s32 $0x30000, s10  }
0xb0: {  	p0 =	sne.s32 s10, $0x180000  }
.Ltmp0:
0xb1: {  	_ = 	snop;
	(pc) =	sbr.rel @p0 .LBB2_2-.Ltmp0, $4  }
0xb2: {  	_ = 	snop  }
0xb3: {  	[sflag:s29] =	ssyncset.done $0x0  }
0xb4: {  	s1 =	sadd.s32 $0x40, s1;
	[sflag:s29] =	ssyncadd.s32 $0xFFFFD000  }
0xb5: {  	[hbm4b:s11+s3] =	stream.linear.scatter [tilespmem:s23], [sflag:$0x8], $0x3000, $0x38;
	[tilespmem:$0xC200] =	vst v63  }
0xb6: {  	s0 =	sadd.s32 $0x1, s0  }
0xb7: {  	_ =	swait.ge [sflag:s30], $0x3000;
	p0 =	sne.s32 s0, s7  }
.Ltmp1:
0xb8: {  	[sflag:s30] =	ssyncset.done $0x0;
	(pc) =	sbr.rel @p0 .LBB2_1-.Ltmp1, $4  }
0xb9: {  	[sflag:s30] =	ssyncadd.s32 $0xFFFFD000  }
0xba: {  	_ =	swait.ge [sflag:s31], $0x3000  }
0xbb: {  	[sflag:s31] =	ssyncset.done $0x0  }
0xbc: {  	[sflag:s31] =	ssyncadd.s32 $0xFFFFD000  }
0xbd: {  	_ =	sfence.sel $0x180000  }
0xbe: {  	[bflag:$0x0] =	sbarrier.arrive $0xFFFF  }
0xbf: {  	_ =	strace $0x9000004D  }
0xc0: {  	s0 =	stileid.u32;
	[bflag:$0x2] =	sbarrier.arrive $0xFFFF  }
0xc1: {  	p0 =	sne.s32 s0, $0x0;
	s0 =	rddreg [dreg:$0x2]  }
0xc2: {  	s0 =	sadd.s32 @!p0 $0x100000, s0  }
0xc3: {  	[sflag:s0] =	ssyncadd.tile.s32 @!p0 $0x1;
	_ =	shalt  }
.Lfunc_end2:
_tile_overlayer_lowered:
.L_overlay_start_2:
0xc4: {  	(tag) =	ssettag $0x2  }
0xc5: {  	s0 =	rddreg [dreg:$0x0];
	s2 =	stileid.u32  }
0xc6: {  	s1 =	rddreg [dreg:$0x1];
	p0 =	sne.s32 s2, $0x0  }
0xc7: {  	s3 =	rddreg [dreg:$0x2];
	[bflag:$0x3] =	sbarrier.arrive $0xFFFF;
	s2 =	simm.s32 @!p0 $0x1C09  }
0xc8: {  	[timem:s3], [sflag:s2] =	dma.local @!p0 [hbm:s0], s1  }
0xc9: {  	s0 =	simm.s32 @!p0 $0x9  }
0xca: {  	_ =	swait.ge @!p0 [sflag:s0], s1  }
0xcb: {  	s1 =	ssub.s32 @!p0 $0x0, s1;
	[sflag:s0] =	ssyncset.done @!p0 $0x0  }
0xcc: {  	[sflag:s0] =	ssyncadd.s32 @!p0 s1  }
0xcd: {  	[bflag:$0x3] =	sbarrier.arrive $0xFFFF  }
0xce: {  	_ =	shalt  }

// kernel: kernel.19.cloned.1.call-start
scs
__scs_entry_jumppad:
0x0: {  	(pc) =	sbr.rel $0x88, $3  }
0x1: {  	(tag) =	ssettag $0x0;
	lr =	simm.s32 $0x1  }
0x2: {  	[smem:$0x3F9A] =	sst lr;
	_ =	strace $0xD0000000  }
0x3: {  	_ = 	snop  }
0x4: {  	_ = 	snop  }
0x5: {  	_ = 	snop  }
0x6: {  	_ = 	snop  }
0x7: {  	_ = 	snop  }
__scs_overlays_trampoline_lowered:
0x8: {  	[smem:$0x3FA9] =	sst s0  }
0x9: {  	[smem:$0x3FAA] =	sst s1  }
0xa: {  	[smem:$0x3FAB] =	sst s2  }
0xb: {  	[smem:$0x3FAC] =	sst s3  }
0xc: {  	[smem:$0x3FAD] =	sst s4  }
0xd: {  	[smem:$0x3FAE] =	sst s5  }
0xe: {  	[smem:$0x3FAF] =	sst s6  }
0xf: {  	[smem:$0x3FB0] =	sst s7  }
0x10: {  	[smem:$0x3FB1] =	sst s8  }
0x11: {  	[smem:$0x3FB2] =	sst s9;
	s0 =	simm.s32 @!p0 $0x0  }
0x12: {  	s1 =	sld [smem:$0x3F98];
	s0 =	simm.s32 @p0 $0x1  }
0x13: {  	[smem:$0x3FB3] =	sst s0;
	s0 =	simm.s32 @!p1 $0x0  }
0x14: {  	s2 =	sld [smem:$0x3F97];
	s0 =	simm.s32 @p1 $0x1  }
0x15: {  	[smem:$0x3FB4] =	sst s0;
	s0 =	simm.s32 @!p2 $0x0  }
0x16: {  	s3 =	sld [smem:$0x3FDB];
	s0 =	simm.s32 @p2 $0x1  }
0x17: {  	s4 =	simm.s32 $0x1BF5;
	[smem:$0x3FB6] =	sst s0  }
0x18: {  	s0 =	sld [smem:$0x3F99];
	_ =	swait.ge [sflag:s4], $0x0  }
0x19: {  	s7 =	sld [smem:$0x3F9A]  }
0x1a: {  	s8 =	sadd.s32 $0xFFFFE003, lr  }
0x1b: {  	s9 =	sadd.s32 $0xFFFFFEF7, lr;
	s5 =	simm.s32 $0xFFFFFFFF;
	p2 =	slt.u32 s8, $0xFFFFF086  }
0x1c: {  	p1 =	slt.u32 s9, $0xF7A;
	s5 =	simm.s32 @!p2 $0x0  }
0x1d: {  	s5 =	simm.s32 @p1 $0x1;
	p0 =	seq.s32 s7, s2  }
0x1e: {  	s7 =	smul.u32 @!p0 $0xF7A, s2;
	p2 =	seq.s32 @!p0 s5, $0x0  }
0x1f: {  	s9 =	smul.u32 $0xF7A, s1;
	s8 =	simm.s32 @!p0 $0x1BF5;
	p2 =	por !p2, p0  }
0x20: {  	[sflag:s8] =	ssyncset.s32 @!p0 $0xFFFFF086;
	s6 =	sadd.s32 @!p0 s3, s7;
	s7 =	simm.s32 @!p0 $0x108  }
0x21: {  	s3 =	sadd.s32 s3, s9;
	s6 =	sadd.s32 @!p0 $0x88, s6;
	s7 =	simm.s32 @p2 $0x1082  }
0x22: {  	[simem:s7], [sflag:s8] =	dma.local @!p0 [hbm:s6], $0xF7A  }
0x23: {  	s9 =	sor.u32 $0xD0000000, s2;
	s6 =	simm.s32 $0x108;
	_ =	swait.ge @!p0 [sflag:s8], $0x0  }
0x24: {  	s3 =	sadd.s32 $0x88, s3;
	s6 =	simm.s32 @!p1 $0x1082;
	[sflag:s4] =	ssyncset.s32 $0xFFFFF086  }
0x25: {  	[simem:s6], [sflag:s4] =	dma.local [hbm:s3], $0xF7A  }
0x26: {  	[smem:$0x3F9A] =	sst s1;
	(tag) =	ssettag s2;
	_ =	strace s9  }
0x27: {  	s1 =	sld [smem:$0x3FAA]  }
0x28: {  	s2 =	sld [smem:$0x3FAB]  }
0x29: {  	s4 =	sld [smem:$0x3FAD]  }
0x2a: {  	p0 =	seq.s32 s5, $0x0;
	s5 =	sld [smem:$0x3FAE]  }
0x2b: {  	s6 =	sld [smem:$0x3FAF]  }
0x2c: {  	s7 =	sld [smem:$0x3FB0]  }
0x2d: {  	s3 =	simm.s32 $0x108;
	s8 =	sld [smem:$0x3FB1]  }
0x2e: {  	s3 =	simm.s32 @!p0 $0x1082;
	s9 =	sld [smem:$0x3FB2]  }
0x2f: {  	lr =	sadd.s32 s0, s3;
	s0 =	sld [smem:$0x3FA9]  }
0x30: {  	s3 =	sld [smem:$0x3FAC]  }
0x31: {  	[smem:$0x3FB5] =	sst s10  }
0x32: {  	s10 =	sld [smem:$0x3FB3];
	_ =	sdelay $0x3  }
0x33: {  	p0 =	seq.s32 s10, $0x1;
	s10 =	sld [smem:$0x3FB5];
	_ =	sdelay $0x3  }
0x34: {  	[smem:$0x3FB5] =	sst s10  }
0x35: {  	s10 =	sld [smem:$0x3FB4];
	_ =	sdelay $0x3  }
0x36: {  	p1 =	seq.s32 s10, $0x1;
	s10 =	sld [smem:$0x3FB5];
	_ =	sdelay $0x3  }
0x37: {  	[smem:$0x3FB5] =	sst s10  }
0x38: {  	s10 =	sld [smem:$0x3FB6]  }
0x39: {  	_ = 	snop;
	(pc) =	sbr.ind lr, $3  }
0x3a: {  	_ = 	snop  }
0x3b: {  	_ = 	snop  }
0x3c: {  	p2 =	seq.s32 s10, $0x1;
	s10 =	sld [smem:$0x3FB5]  }
0x3d: {  	_ =	shalt  }
0x3e: {  	_ =	shalt  }
0x3f: {  	_ =	shalt  }
0x40: {  	_ =	shalt  }
0x41: {  	_ =	shalt  }
0x42: {  	_ =	shalt  }
0x43: {  	_ =	shalt  }
0x44: {  	_ =	shalt  }
0x45: {  	_ =	shalt  }
0x46: {  	_ =	shalt  }
0x47: {  	_ =	shalt  }
0x48: {  	_ =	shalt  }
0x49: {  	_ =	shalt  }
0x4a: {  	_ =	shalt  }
0x4b: {  	_ =	shalt  }
0x4c: {  	_ =	shalt  }
0x4d: {  	_ =	shalt  }
0x4e: {  	_ =	shalt  }
0x4f: {  	_ =	shalt  }
0x50: {  	_ =	shalt  }
0x51: {  	_ =	shalt  }
0x52: {  	_ =	shalt  }
0x53: {  	_ =	shalt  }
0x54: {  	_ =	shalt  }
0x55: {  	_ =	shalt  }
0x56: {  	_ =	shalt  }
0x57: {  	_ =	shalt  }
0x58: {  	_ =	shalt  }
0x59: {  	_ =	shalt  }
0x5a: {  	_ =	shalt  }
0x5b: {  	_ =	shalt  }
0x5c: {  	_ =	shalt  }
0x5d: {  	_ =	shalt  }
0x5e: {  	_ =	shalt  }
0x5f: {  	_ =	shalt  }
0x60: {  	_ =	shalt  }
0x61: {  	_ =	shalt  }
0x62: {  	_ =	shalt  }
0x63: {  	_ =	shalt  }
0x64: {  	_ =	shalt  }
0x65: {  	_ =	shalt  }
0x66: {  	_ =	shalt  }
0x67: {  	_ =	shalt  }
0x68: {  	_ =	shalt  }
0x69: {  	_ =	shalt  }
0x6a: {  	_ =	shalt  }
0x6b: {  	_ =	shalt  }
0x6c: {  	_ =	shalt  }
0x6d: {  	_ =	shalt  }
0x6e: {  	_ =	shalt  }
0x6f: {  	_ =	shalt  }
0x70: {  	_ =	shalt  }
0x71: {  	_ =	shalt  }
0x72: {  	_ =	shalt  }
0x73: {  	_ =	shalt  }
0x74: {  	_ =	shalt  }
0x75: {  	_ =	shalt  }
0x76: {  	_ =	shalt  }
0x77: {  	_ =	shalt  }
0x78: {  	_ =	shalt  }
0x79: {  	_ =	shalt  }
0x7a: {  	_ =	shalt  }
0x7b: {  	_ =	shalt  }
0x7c: {  	_ =	shalt  }
0x7d: {  	_ =	shalt  }
0x7e: {  	_ =	shalt  }
0x7f: {  	_ =	shalt  }
0x80: {  	_ =	shalt  }
0x81: {  	_ =	shalt  }
0x82: {  	_ =	shalt  }
0x83: {  	_ =	shalt  }
0x84: {  	_ =	shalt  }
0x85: {  	_ =	shalt  }
0x86: {  	_ =	shalt  }
0x87: {  	_ =	shalt  }
.Lfunc_end0:
.L_simem_size_0:
called_computation.3_lowered:
.L_overlay_start_0:
0x88: {  	s2 =	sld [smem:$0x3FD9]  }
0x89: {  	s3 =	sld [smem:$0x3FFE];
	_ =	sdelay $0x1  }
0x8a: {  	s1 =	srdreg.scid  }
0x8b: {  	s0 =	sand.u32 $0x1, s1  }
0x8c: {  	s17 =	sshll.u32 s0, $0xA;
	s2 =	sadd.s32 s3, s2  }
0x8d: {  	s2 =	sadd.s32 s2, s17  }
0x8e: {  	[smem:$0x3FC1] =	sst s2  }
0x8f: {  	_ = 	snop  }
0x90: {  	s2 =	sld [smem:$0x3FC7];
	(tm) =	ssettm $0x1  }
0x91: {  	s18 =	sld [smem:$0x3FFB];
	_ =	sdelay $0x3  }
0x92: {  	_ =	strace s18  }
0x93: {  	s3 =	sld [smem:$0x3FFC];
	_ =	sdelay $0x3  }
0x94: {  	_ =	strace s3  }
0x95: {  	s3 =	sld [smem:$0x3FFD];
	_ =	sdelay $0x3  }
0x96: {  	_ =	strace s3  }
0x97: {  	_ =	strace $0x8FFFFFFF  }
0x98: {  	s19 =	sld [smem:$0x3FDB];
	_ =	sdelay $0x1  }
0x99: {  	s4 =	simm.s32 $_scs_section_size  }
0x9a: {  	s5 =	simm.s32 $_size__tile_overlayer_lowered;
	s6 =	simm.s32 $_tile_overlayer_lowered  }
0x9b: {  	s22 =	simm.s32 $0x1BFF;
	s21 =	sshll.u32 s6, $0x1;
	s3 =	sadd.s32 s4, s19  }
0x9c: {  	s7 =	simm.s32 $0x0;
	s20 =	sshll.u32 s5, $0x1;
	s5 =	sadd.s32 s21, s3  }
0x9d: {  	[timem:s7], [sflag:s22] =	dma.local [hbm:s5], s20  }
0x9e: {  	_ =	swait.ge [sflag:s22], s20  }
0x9f: {  	s4 =	ssub.s32 $0x0, s20;
	[sflag:s22] =	ssyncset.done $0x0  }
0xa0: {  	[sflag:s22] =	ssyncadd.s32 s4;
	_ =	sdelay $0x1  }
0xa1: {  	s23 =	simm.s32 $0x1B8B  }
0xa2: {  	_ =	swait.ge [sflag:s23], $0x1  }
0xa3: {  	[sflag:s23] =	ssyncset.done $0x0  }
0xa4: {  	s25 =	simm.s32 $0x1B8E;
	s24 =	sld [smem:$0x3FFE];
	[sflag:s23] =	ssyncadd.s32 $0xFFFFFFFF  }
0xa5: {  	s26 =	simm.s32 $execute0_lowered;
	[smem:$0x3FD2] =	sst s25  }
0xa6: {  	s5 =	sshll.u32 s26, $0x1;
	_ =	strace $0x80000046;
	[dreg:$0x1] =	wrdreg $0xFFFFFFFF  }
0xa7: {  	s28 =	simm.s32 $_size_execute0_lowered;
	s3 =	sadd.s32 s3, s5;
	[dreg:$0x0] =	wrdreg $0x0  }
0xa8: {  	s5 =	sshll.u32 s28, $0x1;
	[dreg:$0x2] =	wrdreg s3  }
0xa9: {  	[dreg:$0x3] =	wrdreg s5  }
0xaa: {  	[dreg:$0x4] =	wrdreg $0xC0  }
0xab: {  	_ =	task [dreg:s7], $0x5FFFF  }
0xac: {  	[dreg:$0x1] =	wrdreg $0xFFFFFFFF  }
0xad: {  	[dreg:$0x0] =	wrdreg $0x60  }
0xae: {  	[dreg:$0x2] =	wrdreg s24  }
0xaf: {  	[dreg:$0x3] =	wrdreg s2  }
0xb0: {  	[dreg:$0x4] =	wrdreg $0xC  }
0xb1: {  	_ =	task.clear_ibuf [dreg:s7], $0x5FFFF;
	_ =	strace $0x90000046  }
0xb2: {  	s29 =	simm.s32 $0xC;
	_ =	strace $0x80000048  }
0xb3: {  	_ =	swait.ge [sflag:s29], $0x1  }
0xb4: {  	[sflag:s29] =	ssyncadd.s32 $0xFFFFFFFF  }
0xb5: {  	_ =	strace $0x90000048  }
0xb6: {  	_ =	sfence  }
0xb7: {  	s30 =	sld [smem:$0x0];
	_ =	sdelay $0x2  }
0xb8: {  	s31 =	sshll.u32 s1, $0xD;
	s1 =	sshrl.u32 s1, $0x2  }
0xb9: {  	s3 =	sand.u32 $0x4000, s31;
	s1 =	sadd.s32 s1, s30  }
0xba: {  	s0 =	sor.u32 s3, s0;
	s1 =	sshll.u32 s1, $0x11  }
0xbb: {  	s0 =	sor.u32 s1, s0  }
0xbc: {  	s0 =	sadd.s32 $0x8F2B, s0  }
0xbd: {  	[sflag:s0] =	ssyncadd.remote.s32 $0x1  }
0xbe: {  	_ =	sfence.sel $0xFFFF  }
0xbf: {  	[dreg:$0x0] =	wrdreg $0xFFFFFFFF;
	(pc) =	sbr.abs _section_cstart, $3  }
0xc0: {  	[dreg:$0x1] =	wrdreg $0xFFFFFFFF  }
0xc1: {  	_ =	task.clear_ibuf [dreg:s7], $0x2FFFF;
	_ =	strace $0x9FFFFFFF  }
0xc2: {  	(tm) =	ssettm $0x7FFFFFFF  }
0xc3: {  	_ =	shalt  }
tec
execute0_lowered:
.L_overlay_start_1:
0x0: {  	(tag) =	ssettag $0x1  }
0x1: {  	s0 =	rddreg [dreg:$0x0]  }
0x2: {  	s2 =	rddreg [dreg:$0x1]  }
0x3: {  	s1 =	srdreg.scid;
	s6 =	stileid.u32;
	s3 =	simm.s32 $0x0  }
0x4: {  	s17 =	simm.s32 $0x6A00;
	s18 =	simm.s32 $0x7200;
	s19 =	simm.s32 $0x7A00  }
0x5: {  	s20 =	simm.s32 $0x8200;
	s21 =	simm.s32 $0x8A00;
	s22 =	simm.s32 $0x9A00  }
0x6: {  	s23 =	simm.s32 $0xA200;
	s24 =	simm.s32 $0xAA00;
	[smem:$0x7FF] =	sst s3  }
0x7: {  	s25 =	simm.s32 $0xB200;
	_ =	strace $0x80000047;
	[dreg:$0x6] =	wrdreg s17  }
0x8: {  	s26 =	simm.s32 $0xBA00;
	s28 =	simm.s32 $0x6;
	[dreg:$0x7] =	wrdreg s18  }
0x9: {  	s29 =	simm.s32 $0x4;
	s30 =	simm.s32 $0x7;
	[dreg:$0x8] =	wrdreg s19  }
0xa: {  	s31 =	simm.s32 $0x8;
	s1 =	sand.u32 $0x1, s1;
	[dreg:$0x9] =	wrdreg s20  }
0xb: {  	s4 =	sshll.u32 s6, $0x7;
	s6 =	sshll.u32 s6, $0x5;
	[dreg:$0xa] =	wrdreg s21  }
0xc: {  	s5 =	sshll.u32 s1, $0x6;
	s13 =	ssub.s32 $0x2, s1;
	[dreg:$0xb] =	wrdreg s22  }
0xd: {  	s1 =	sshll.u32 s1, $0x4;
	s17 =	simm.s32 $0x4200;
	[dreg:$0xc] =	wrdreg s23  }
0xe: {  	s18 =	simm.s32 $0x4A00;
	s19 =	simm.s32 $0x5200;
	[dreg:$0xd] =	wrdreg s24  }
0xf: {  	s20 =	simm.s32 $0x5A00;
	s21 =	simm.s32 $0x6200;
	[dreg:$0xe] =	wrdreg s25  }
0x10: {  	s22 =	simm.s32 $0x1;
	s23 =	simm.s32 $0x9200;
	[dreg:$0xf] =	wrdreg s26  }
0x11: {  	s24 =	simm.s32 $0x2;
	s25 =	simm.s32 $0x5;
	s26 =	simm.s32 $0x3  }
0x12: {  	s4 =	sor.u32 s5, s4;
	s7 =	sshrl.u32 s13, $0x1;
	s1 =	sor.u32 s1, s6  }
0x13: {  	s5 =	sadd.s32 $0x100, s2;
	s4 =	sadd.s32 s4, s0;
	s0 =	sadd.s32 $0x3200, s0  }
0x14: {  	s7 =	ssub.s32 s13, s7;
	s14 =	sshrl.u32 s1, $0x3;
	s6 =	sor.u32 $0x600, s1  }
0x15: {  	s1 =	sor.u32 $0x400, s1;
	s8 =	smul.u32 $0x300, s14;
	s15 =	sshrl.u32 s6, $0x3  }
0x16: {  	s4 =	sadd.s32 $0x2A00, s4;
	s1 =	sshrl.u32 s1, $0x3;
	s9 =	smul.u32 $0x300, s15  }
0x17: {  	s6 =	sadd.s32 $0x200, s2;
	s7 =	smax.u32 s7, $0x1;
	s1 =	smul.u32 $0x300, s1  }
0x18: {  	s14 =	simm.s32 $0x2A00;
	s15 =	simm.s32 $0x3200;
	s8 =	sadd.s32 s8, s0  }
0x19: {  	v2 =	vlaneseq.u32;
	[dreg:$0x3] =	wrdreg s8;
	s16 =	sadd.s32 s9, s0;
	s0 =	sadd.s32 s1, s0  }
0x1a: {  	vm0 =	vmmov $0xffff;
	v1 =	vshrl.u32 v2, $0x3;
	s8 =	simm.s32 $0x9;
	s9 =	simm.s32 $0x200;
	[dreg:$0x4] =	wrdreg s16  }
0x1b: {  	v0 =	vand.u32 $0x7, v2;
	v2 =	vor.u32 $0x8, v2;
	v1 =	vmul.u32 $0x8, v1;
	[dreg:$0x5] =	wrdreg s0;
	s16 =	simm.s32 $0x3A00;
	s0 =	simm.s32 $0x0  }
.LBB2_1:
0x1c: {  	[tilespmem:s3], [sflag:$0x9] =	stream.linear.gather [hbm4b:s4+s3], $0x200, $0x38;
	[tilespmem:$0xC200] =	vst v63  }
0x1d: {  	_ =	swait.ge [sflag:s8], $0x200  }
0x1e: {  	[sflag:s8] =	ssyncset.done $0x0  }
0x1f: {  	[sflag:s8] =	ssyncadd.s32 $0xFFFFFE00  }
0x20: {  	v3 =	vld [tilespmem:$0x0];
	_ =	sdelay $0x4  }
0x21: {  	v4 =	vshrl.u32 v3, $0x3  }
0x22: {  	v4 =	vmul.u32 $0x30, v4  }
0x23: {  	v3 =	vand.u32 $0x7, v3  }
0x24: {  	v3 =	vor.u32 v3, v4  }
0x25: {  	v4 =	vperm.xlane v3, v0;
	_ =	sdelay $0x1  }
0x26: {  	v4 =	vadd.s32 v1, v4;
	_ =	sdelay $0x3  }
0x27: {  	v3 =	vperm.xlane v3, v2  }
0x28: {  	[tilespmem:s9], [sflag:$0x1] =	stream.indirect_vreg.gather [hbm4b:s2+s3], $0x80, v4, vm0, $0xb8;
	[tilespmem:$0xC200] =	vst v63  }
0x29: {  	s1 =	simm.s32 $0xA00;
	v3 =	vadd.s32 v1, v3  }
0x2a: {  	[tilespmem:s1], [sflag:$0x1] =	stream.indirect_vreg.gather [hbm4b:s5+s3], $0x80, v4, vm0, $0xb8;
	[tilespmem:$0xC200] =	vst v63  }
0x2b: {  	s11 =	simm.s32 $0x1200  }
0x2c: {  	[tilespmem:s11], [sflag:$0x1] =	stream.indirect_vreg.gather [hbm4b:s6+s3], $0x80, v4, vm0, $0xb8;
	[tilespmem:$0xC200] =	vst v63  }
0x2d: {  	s12 =	simm.s32 $0x1A00  }
0x2e: {  	[tilespmem:s12], [sflag:$0x1] =	stream.indirect_vreg.gather [hbm4b:s2+s3], $0x80, v3, vm0, $0xb8;
	[tilespmem:$0xC200] =	vst v63  }
0x2f: {  	s13 =	simm.s32 $0x2200  }
0x30: {  	[tilespmem:s13], [sflag:$0x1] =	stream.indirect_vreg.gather [hbm4b:s5+s3], $0x80, v3, vm0, $0xb8;
	[tilespmem:$0xC200] =	vst v63  }
0x31: {  	_ = 	snop  }
0x32: {  	[tilespmem:s14], [sflag:$0x1] =	stream.indirect_vreg.gather [hbm4b:s6+s3], $0x80, v3, vm0, $0xb8;
	[tilespmem:$0xC200] =	vst v63  }
0x33: {  	v3 =	vld [tilespmem:$0x10];
	_ =	sdelay $0x4  }
0x34: {  	v63 =	vshrl.u32 v3, $0x3  }
0x35: {  	v4 =	vmul.u32 $0x30, v63  }
0x36: {  	v3 =	vand.u32 $0x7, v3  }
0x37: {  	v3 =	vor.u32 v3, v4  }
0x38: {  	v4 =	vperm.xlane v3, v0;
	_ =	sdelay $0x1  }
0x39: {  	v4 =	vadd.s32 v1, v4;
	_ =	sdelay $0x3  }
0x3a: {  	v3 =	vperm.xlane v3, v2  }
0x3b: {  	[tilespmem:s15], [sflag:$0x2] =	stream.indirect_vreg.gather [hbm4b:s2+s3], $0x80, v4, vm0, $0xb8;
	[tilespmem:$0xC200] =	vst v63  }
0x3c: {  	v3 =	vadd.s32 v1, v3  }
0x3d: {  	[tilespmem:s16], [sflag:$0x2] =	stream.indirect_vreg.gather [hbm4b:s5+s3], $0x80, v4, vm0, $0xb8;
	[tilespmem:$0xC200] =	vst v63  }
0x3e: {  	_ = 	snop  }
0x3f: {  	[tilespmem:s17], [sflag:$0x2] =	stream.indirect_vreg.gather [hbm4b:s6+s3], $0x80, v4, vm0, $0xb8;
	[tilespmem:$0xC200] =	vst v63  }
0x40: {  	_ = 	snop  }
0x41: {  	[tilespmem:s18], [sflag:$0x2] =	stream.indirect_vreg.gather [hbm4b:s2+s3], $0x80, v3, vm0, $0xb8;
	[tilespmem:$0xC200] =	vst v63  }
0x42: {  	_ = 	snop  }
0x43: {  	[tilespmem:s19], [sflag:$0x2] =	stream.indirect_vreg.gather [hbm4b:s5+s3], $0x80, v3, vm0, $0xb8;
	[tilespmem:$0xC200] =	vst v63  }
0x44: {  	s10 =	simm.s32 $0x0;
	s1 =	simm.s32 $0x30  }
0x45: {  	[tilespmem:s20], [sflag:$0x2] =	stream.indirect_vreg.gather [hbm4b:s6+s3], $0x80, v3, vm0, $0xb8;
	[tilespmem:$0xC200] =	vst v63  }
.LBB2_2:
0x46: {  	p0 =	seq.s32 s10, $0x0  }
0x47: {  	s11 =	simm.s32 @!p0 $0x7  }
0x48: {  	_ =	swait.ge @!p0 [sflag:s11], $0x3000  }
0x49: {  	[sflag:s11] =	ssyncset.done @!p0 $0x0  }
0x4a: {  	[sflag:s11] =	ssyncadd.s32 @!p0 $0xFFFFD000  }
0x4b: {  	v3 =	vld [tilespmem:s1+$0xFFFFFFF0];
	_ =	sdelay $0x4  }
0x4c: {  	v4 =	vshrl.u32 v3, $0x3  }
0x4d: {  	v4 =	vmul.u32 $0x30, v4  }
0x4e: {  	v3 =	vand.u32 $0x7, v3  }
0x4f: {  	v3 =	vor.u32 v3, v4  }
0x50: {  	v4 =	vperm.xlane v3, v0;
	_ =	sdelay $0x1  }
0x51: {  	v4 =	vadd.s32 v1, v4;
	_ =	sdelay $0x3  }
0x52: {  	v3 =	vperm.xlane v3, v2  }
0x53: {  	[tilespmem:s21], [sflag:$0x3] =	stream.indirect_vreg.gather [hbm4b:s2+s3], $0x80, v4, vm0, $0xb8;
	[tilespmem:$0xC200] =	vst v63  }
0x54: {  	s13 =	rddreg [dreg:$0x6];
	v3 =	vadd.s32 v1, v3  }
0x55: {  	[tilespmem:s13], [sflag:$0x3] =	stream.indirect_vreg.gather [hbm4b:s5+s3], $0x80, v4, vm0, $0xb8;
	[tilespmem:$0xC200] =	vst v63  }
0x56: {  	s12 =	rddreg [dreg:$0x7]  }
0x57: {  	[tilespmem:s12], [sflag:$0x3] =	stream.indirect_vreg.gather [hbm4b:s6+s3], $0x80, v4, vm0, $0xb8;
	[tilespmem:$0xC200] =	vst v63  }
0x58: {  	s13 =	rddreg [dreg:$0x8]  }
0x59: {  	[tilespmem:s13], [sflag:$0x3] =	stream.indirect_vreg.gather [hbm4b:s2+s3], $0x80, v3, vm0, $0xb8;
	[tilespmem:$0xC200] =	vst v63  }
0x5a: {  	s12 =	rddreg [dreg:$0x9]  }
0x5b: {  	[tilespmem:s12], [sflag:$0x3] =	stream.indirect_vreg.gather [hbm4b:s5+s3], $0x80, v3, vm0, $0xb8;
	[tilespmem:$0xC200] =	vst v63  }
0x5c: {  	s13 =	rddreg [dreg:$0xa]  }
0x5d: {  	[tilespmem:s13], [sflag:$0x3] =	stream.indirect_vreg.gather [hbm4b:s6+s3], $0x80, v3, vm0, $0xb8;
	[tilespmem:$0xC200] =	vst v63  }
0x5e: {  	_ =	swait.ge [sflag:s22], $0x3000  }
0x5f: {  	s12 =	rddreg [dreg:$0x3];
	[sflag:s22] =	ssyncset.done $0x0  }
0x60: {  	[sflag:s22] =	ssyncadd.s32 $0xFFFFD000;
	s11 =	sadd.s32 s10, s12;
	s12 =	simm.s32 @!p0 $0x8  }
0x61: {  	[hbm4b:s11+s3] =	stream.linear.scatter [tilespmem:s9], [sflag:$0x5], $0x3000, $0x38;
	[tilespmem:$0xC200] =	vst v63  }
0x62: {  	_ =	swait.ge @!p0 [sflag:s12], $0x3000  }
0x63: {  	[sflag:s12] =	ssyncset.done @!p0 $0x0  }
0x64: {  	[sflag:s12] =	ssyncadd.s32 @!p0 $0xFFFFD000  }
0x65: {  	v3 =	vld [tilespmem:s1+$0x0];
	_ =	sdelay $0x4  }
0x66: {  	v63 =	vshrl.u32 v3, $0x3  }
0x67: {  	v4 =	vmul.u32 $0x30, v63  }
0x68: {  	v3 =	vand.u32 $0x7, v3  }
0x69: {  	v3 =	vor.u32 v3, v4  }
0x6a: {  	v4 =	vperm.xlane v3, v0;
	_ =	sdelay $0x1  }
0x6b: {  	v4 =	vadd.s32 v1, v4;
	_ =	sdelay $0x3  }
0x6c: {  	v3 =	vperm.xlane v3, v2  }
0x6d: {  	[tilespmem:s23], [sflag:$0x4] =	stream.indirect_vreg.gather [hbm4b:s2+s3], $0x80, v4, vm0, $0xb8;
	[tilespmem:$0xC200] =	vst v63  }
0x6e: {  	s12 =	rddreg [dreg:$0xb];
	v3 =	vadd.s32 v1, v3  }
0x6f: {  	[tilespmem:s12], [sflag:$0x4] =	stream.indirect_vreg.gather [hbm4b:s5+s3], $0x80, v4, vm0, $0xb8;
	[tilespmem:$0xC200] =	vst v63  }
0x70: {  	s13 =	rddreg [dreg:$0xc]  }
0x71: {  	[tilespmem:s13], [sflag:$0x4] =	stream.indirect_vreg.gather [hbm4b:s6+s3], $0x80, v4, vm0, $0xb8;
	[tilespmem:$0xC200] =	vst v63  }
0x72: {  	s12 =	rddreg [dreg:$0xd]  }
0x73: {  	[tilespmem:s12], [sflag:$0x4] =	stream.indirect_vreg.gather [hbm4b:s2+s3], $0x80, v3, vm0, $0xb8;
	[tilespmem:$0xC200] =	vst v63  }
0x74: {  	s13 =	rddreg [dreg:$0xe]  }
0x75: {  	[tilespmem:s13], [sflag:$0x4] =	stream.indirect_vreg.gather [hbm4b:s5+s3], $0x80, v3, vm0, $0xb8;
	[tilespmem:$0xC200] =	vst v63  }
0x76: {  	s12 =	rddreg [dreg:$0xf]  }
0x77: {  	[tilespmem:s12], [sflag:$0x4] =	stream.indirect_vreg.gather [hbm4b:s6+s3], $0x80, v3, vm0, $0xb8;
	[tilespmem:$0xC200] =	vst v63  }
0x78: {  	_ =	swait.ge [sflag:s24], $0x3000  }
0x79: {  	[sflag:s24] =	ssyncset.done $0x0  }
0x7a: {  	s11 =	sadd.s32 $0xC000, s11;
	[sflag:s24] =	ssyncadd.s32 $0xFFFFD000  }
0x7b: {  	[hbm4b:s11+s3] =	stream.linear.scatter [tilespmem:s15], [sflag:$0x6], $0x3000, $0x38;
	[tilespmem:$0xC200] =	vst v63  }
0x7c: {  	_ =	swait.ge [sflag:s25], $0x3000  }
0x7d: {  	[sflag:s25] =	ssyncset.done $0x0  }
0x7e: {  	p0 =	seq.s32 s10, $0x150000;
	[sflag:s25] =	ssyncadd.s32 $0xFFFFD000  }
0x7f: {  	v3 =	vld @!p0 [tilespmem:s1+$0x10];
	_ =	sdelay $0x4  }
0x80: {  	v4 =	vshrl.u32 @!p0 v3, $0x3  }
0x81: {  	v4 =	vmul.u32 @!p0 $0x30, v4  }
0x82: {  	v5 =	vlaneseq.u32 @!p0;
	v3 =	vand.u32 @!p0 $0x7, v3  }
0x83: {  	v6 =	vshrl.u32 @!p0 v5, $0x3;
	v3 =	vor.u32 @!p0 v3, v4;
	v4 =	vand.u32 @!p0 $0x7, v5  }
0x84: {  	v6 =	vmul.u32 @!p0 $0x8, v6;
	v7 =	vperm.xlane @!p0 v3, v4;
	_ =	sdelay $0x1  }
0x85: {  	v7 =	vadd.s32 @!p0 v6, v7;
	_ =	sdelay $0x2  }
0x86: {  	v5 =	vor.u32 @!p0 $0x8, v5  }
0x87: {  	vm1 =	vmmov @!p0 $0xffff;
	s12 =	simm.s32 @!p0 $0x200;
	s11 =	simm.s32 @!p0 $0x0;
	v3 =	vperm.xlane @!p0 v3, v5  }
0x88: {  	[tilespmem:s12], [sflag:$0x1] =	stream.indirect_vreg.gather @!p0 [hbm4b:s2+s11], $0x80, v7, vm1, $0xb8;
	[tilespmem:$0xC200] =	vst v63  }
0x89: {  	v3 =	vadd.s32 @!p0 v6, v3;
	s12 =	simm.s32 @!p0 $0xA00  }
0x8a: {  	[tilespmem:s12], [sflag:$0x1] =	stream.indirect_vreg.gather @!p0 [hbm4b:s5+s11], $0x80, v7, vm1, $0xb8;
	[tilespmem:$0xC200] =	vst v63  }
0x8b: {  	s12 =	simm.s32 @!p0 $0x1200  }
0x8c: {  	[tilespmem:s12], [sflag:$0x1] =	stream.indirect_vreg.gather @!p0 [hbm4b:s6+s11], $0x80, v7, vm1, $0xb8;
	[tilespmem:$0xC200] =	vst v63  }
0x8d: {  	s12 =	simm.s32 @!p0 $0x1A00  }
0x8e: {  	[tilespmem:s12], [sflag:$0x1] =	stream.indirect_vreg.gather @!p0 [hbm4b:s2+s11], $0x80, v3, vm1, $0xb8;
	[tilespmem:$0xC200] =	vst v63  }
0x8f: {  	s12 =	simm.s32 @!p0 $0x2200  }
0x90: {  	[tilespmem:s12], [sflag:$0x1] =	stream.indirect_vreg.gather @!p0 [hbm4b:s5+s11], $0x80, v3, vm1, $0xb8;
	[tilespmem:$0xC200] =	vst v63  }
0x91: {  	s12 =	simm.s32 @!p0 $0x2A00  }
0x92: {  	[tilespmem:s12], [sflag:$0x1] =	stream.indirect_vreg.gather @!p0 [hbm4b:s6+s11], $0x80, v3, vm1, $0xb8;
	[tilespmem:$0xC200] =	vst v63  }
0x93: {  	_ =	swait.ge [sflag:s26], $0x3000  }
0x94: {  	s13 =	rddreg [dreg:$0x5];
	[sflag:s26] =	ssyncset.done $0x0  }
0x95: {  	[sflag:s26] =	ssyncadd.s32 $0xFFFFD000;
	s12 =	sadd.s32 s10, s13  }
0x96: {  	[hbm4b:s12+s3] =	stream.linear.scatter [tilespmem:s21], [sflag:$0x7], $0x3000, $0x38;
	[tilespmem:$0xC200] =	vst v63  }
0x97: {  	_ =	swait.ge [sflag:s28], $0x3000  }
0x98: {  	[sflag:s28] =	ssyncset.done $0x0  }
0x99: {  	[sflag:s28] =	ssyncadd.s32 $0xFFFFD000  }
0x9a: {  	v3 =	vld @!p0 [tilespmem:s1+$0x20];
	_ =	sdelay $0x4  }
0x9b: {  	v7 =	vshrl.u32 @!p0 v3, $0x3  }
0x9c: {  	v7 =	vmul.u32 @!p0 $0x30, v7  }
0x9d: {  	v3 =	vand.u32 @!p0 $0x7, v3  }
0x9e: {  	v3 =	vor.u32 @!p0 v3, v7  }
0x9f: {  	v4 =	vperm.xlane @!p0 v3, v4;
	_ =	sdelay $0x1  }
0xa0: {  	v4 =	vadd.s32 @!p0 v6, v4;
	_ =	sdelay $0x3  }
0xa1: {  	s12 =	simm.s32 @!p0 $0x3200;
	v3 =	vperm.xlane @!p0 v3, v5  }
0xa2: {  	[tilespmem:s12], [sflag:$0x2] =	stream.indirect_vreg.gather @!p0 [hbm4b:s2+s11], $0x80, v4, vm1, $0xb8;
	[tilespmem:$0xC200] =	vst v63  }
0xa3: {  	v3 =	vadd.s32 @!p0 v6, v3;
	s12 =	simm.s32 @!p0 $0x3A00  }
0xa4: {  	[tilespmem:s12], [sflag:$0x2] =	stream.indirect_vreg.gather @!p0 [hbm4b:s5+s11], $0x80, v4, vm1, $0xb8;
	[tilespmem:$0xC200] =	vst v63  }
0xa5: {  	s12 =	simm.s32 @!p0 $0x4200  }
0xa6: {  	[tilespmem:s12], [sflag:$0x2] =	stream.indirect_vreg.gather @!p0 [hbm4b:s6+s11], $0x80, v4, vm1, $0xb8;
	[tilespmem:$0xC200] =	vst v63  }
0xa7: {  	s12 =	simm.s32 @!p0 $0x4A00  }
0xa8: {  	[tilespmem:s12], [sflag:$0x2] =	stream.indirect_vreg.gather @!p0 [hbm4b:s2+s11], $0x80, v3, vm1, $0xb8;
	[tilespmem:$0xC200] =	vst v63  }
0xa9: {  	s12 =	simm.s32 @!p0 $0x5200  }
0xaa: {  	[tilespmem:s12], [sflag:$0x2] =	stream.indirect_vreg.gather @!p0 [hbm4b:s5+s11], $0x80, v3, vm1, $0xb8;
	[tilespmem:$0xC200] =	vst v63  }
0xab: {  	s12 =	simm.s32 @!p0 $0x5A00  }
0xac: {  	[tilespmem:s12], [sflag:$0x2] =	stream.indirect_vreg.gather @!p0 [hbm4b:s6+s11], $0x80, v3, vm1, $0xb8;
	[tilespmem:$0xC200] =	vst v63  }
0xad: {  	_ =	swait.ge [sflag:s29], $0x3000  }
0xae: {  	s13 =	rddreg [dreg:$0x4]  }
0xaf: {  	s11 =	sadd.s32 s10, s13;
	s10 =	sadd.s32 $0x30000, s10  }
0xb0: {  	p0 =	sne.s32 s10, $0x180000  }
.Ltmp0:
0xb1: {  	_ = 	snop;
	(pc) =	sbr.rel @p0 .LBB2_2-.Ltmp0, $4  }
0xb2: {  	_ = 	snop  }
0xb3: {  	[sflag:s29] =	ssyncset.done $0x0  }
0xb4: {  	s1 =	sadd.s32 $0x40, s1;
	[sflag:s29] =	ssyncadd.s32 $0xFFFFD000  }
0xb5: {  	[hbm4b:s11+s3] =	stream.linear.scatter [tilespmem:s23], [sflag:$0x8], $0x3000, $0x38;
	[tilespmem:$0xC200] =	vst v63  }
0xb6: {  	s0 =	sadd.s32 $0x1, s0  }
0xb7: {  	_ =	swait.ge [sflag:s30], $0x3000;
	p0 =	sne.s32 s0, s7  }
.Ltmp1:
0xb8: {  	[sflag:s30] =	ssyncset.done $0x0;
	(pc) =	sbr.rel @p0 .LBB2_1-.Ltmp1, $4  }
0xb9: {  	[sflag:s30] =	ssyncadd.s32 $0xFFFFD000  }
0xba: {  	_ =	swait.ge [sflag:s31], $0x3000  }
0xbb: {  	[sflag:s31] =	ssyncset.done $0x0  }
0xbc: {  	[sflag:s31] =	ssyncadd.s32 $0xFFFFD000  }
0xbd: {  	_ =	sfence.sel $0x180000  }
0xbe: {  	[bflag:$0x0] =	sbarrier.arrive $0xFFFF  }
0xbf: {  	_ =	strace $0x90000047  }
0xc0: {  	s0 =	stileid.u32;
	[bflag:$0x2] =	sbarrier.arrive $0xFFFF  }
0xc1: {  	p0 =	sne.s32 s0, $0x0;
	s0 =	rddreg [dreg:$0x2]  }
0xc2: {  	s0 =	sadd.s32 @!p0 $0x100000, s0  }
0xc3: {  	[sflag:s0] =	ssyncadd.tile.s32 @!p0 $0x1;
	_ =	shalt  }
.Lfunc_end2:
_tile_overlayer_lowered:
.L_overlay_start_2:
0xc4: {  	(tag) =	ssettag $0x2  }
0xc5: {  	s0 =	rddreg [dreg:$0x0];
	s2 =	stileid.u32  }
0xc6: {  	s1 =	rddreg [dreg:$0x1];
	p0 =	sne.s32 s2, $0x0  }
0xc7: {  	s3 =	rddreg [dreg:$0x2];
	[bflag:$0x3] =	sbarrier.arrive $0xFFFF;
	s2 =	simm.s32 @!p0 $0x1C09  }
0xc8: {  	[timem:s3], [sflag:s2] =	dma.local @!p0 [hbm:s0], s1  }
0xc9: {  	s0 =	simm.s32 @!p0 $0x9  }
0xca: {  	_ =	swait.ge @!p0 [sflag:s0], s1  }
0xcb: {  	s1 =	ssub.s32 @!p0 $0x0, s1;
	[sflag:s0] =	ssyncset.done @!p0 $0x0  }
0xcc: {  	[sflag:s0] =	ssyncadd.s32 @!p0 s1  }
0xcd: {  	[bflag:$0x3] =	sbarrier.arrive $0xFFFF  }
0xce: {  	_ =	shalt  }

</sc_bundles>
